<compile_context>
chip_gen: v7x
topology: tpu7x:2x2x1
jax: 0.10.2.dev20260603
libtpu: 0.0.44.dev20260713+nightly
codegen_flags: <defaults>
</compile_context>

<pallas_src>
import functools

import jax
import jax.numpy as jnp
from jax import lax
from jax.experimental import pallas as pl
from jax.experimental.pallas import tpu as pltpu
from jax.experimental.pallas import tpu_sc as plsc

B = 16384
EMB = 64
VEMB = 32
NVIS = 2048
NC = 2
NS = 16
NW = NC * NS
BPW = B // NW
NGRP = BPW // 16


def _sc_gather_dots(u_idx, ip_idx, in_idx, user_table, item_table, uv_table):
    mesh = plsc.VectorSubcoreMesh(core_axis_name="c", subcore_axis_name="s")

    @functools.partial(
        pl.kernel,
        out_type=[
            jax.ShapeDtypeStruct((B,), jnp.float32),
            jax.ShapeDtypeStruct((B,), jnp.float32),
            jax.ShapeDtypeStruct((B, VEMB), jnp.float32),
        ],
        mesh=mesh,
        compiler_params=pltpu.CompilerParams(use_tc_tiling_on_sc=False,
                                             needs_layout_passes=False),
        scratch_types=[
            pltpu.VMEM((BPW,), jnp.int32),
            pltpu.VMEM((BPW,), jnp.int32),
            pltpu.VMEM((BPW,), jnp.int32),
            pltpu.VMEM((BPW, EMB), jnp.float32),
            pltpu.VMEM((BPW, EMB), jnp.float32),
            pltpu.VMEM((BPW, EMB), jnp.float32),
            pltpu.VMEM((BPW, VEMB), jnp.float32),
            pltpu.VMEM((BPW,), jnp.float32),
            pltpu.VMEM((BPW,), jnp.float32),
            pltpu.SemaphoreType.DMA,
        ],
    )
    def body(uidx_hbm, ipidx_hbm, inidx_hbm, ut_hbm, it_hbm, uvt_hbm,
             gp_out, gn_out, uv_out,
             uidx_v, ipidx_v, inidx_v, u_v, ip_v, in_v, uv_v, gp_v, gn_v,
             sem):
        wid = lax.axis_index("s") * NC + lax.axis_index("c")
        base = wid * BPW
        pltpu.sync_copy(uidx_hbm.at[pl.ds(base, BPW)], uidx_v)
        pltpu.sync_copy(ipidx_hbm.at[pl.ds(base, BPW)], ipidx_v)
        pltpu.sync_copy(inidx_hbm.at[pl.ds(base, BPW)], inidx_v)
        c1 = pltpu.async_copy(ut_hbm.at[uidx_v], u_v, sem)
        c2 = pltpu.async_copy(it_hbm.at[ipidx_v], ip_v, sem)
        c3 = pltpu.async_copy(it_hbm.at[inidx_v], in_v, sem)
        c4 = pltpu.async_copy(uvt_hbm.at[uidx_v], uv_v, sem)
        c1.wait()
        c2.wait()
        c3.wait()
        c4.wait()

        for g in range(NGRP):
            rows = g * 16 + lax.iota(jnp.int32, 16)

            def dot_body(d, carry):
                accp, accn = carry
                cols = jnp.full((16,), d, jnp.int32)
                u16 = plsc.load_gather(u_v, [rows, cols])
                accp = accp + u16 * plsc.load_gather(ip_v, [rows, cols])
                accn = accn + u16 * plsc.load_gather(in_v, [rows, cols])
                return accp, accn

            zeros = jnp.zeros((16,), jnp.float32)
            accp, accn = lax.fori_loop(0, EMB, dot_body, (zeros, zeros))
            gp_v[pl.ds(g * 16, 16)] = accp
            gn_v[pl.ds(g * 16, 16)] = accn

        pltpu.sync_copy(gp_v, gp_out.at[pl.ds(base, BPW)])
        pltpu.sync_copy(gn_v, gn_out.at[pl.ds(base, BPW)])
        pltpu.sync_copy(uv_v, uv_out.at[pl.ds(base, BPW)])

    return body(u_idx, ip_idx, in_idx, user_table, item_table, uv_table)


_BLK = 1024


def _tc_matmul_body(vfp_ref, vfn_ref, w_ref, vp_ref, vn_ref):
    w = w_ref[...]
    dims = (((1,), (1,)), ((), ()))
    vp_ref[...] = lax.dot_general(vfp_ref[...], w, dims,
                                  preferred_element_type=jnp.float32)
    vn_ref[...] = lax.dot_general(vfn_ref[...], w, dims,
                                  preferred_element_type=jnp.float32)


def _tc_matmul(vfp, vfn, w):
    return pl.pallas_call(
        _tc_matmul_body,
        grid=(B // _BLK,),
        in_specs=[
            pl.BlockSpec((_BLK, NVIS), lambda i: (i, 0)),
            pl.BlockSpec((_BLK, NVIS), lambda i: (i, 0)),
            pl.BlockSpec((VEMB, NVIS), lambda i: (0, 0)),
        ],
        out_specs=[
            pl.BlockSpec((_BLK, VEMB), lambda i: (i, 0)),
            pl.BlockSpec((_BLK, VEMB), lambda i: (i, 0)),
        ],
        out_shape=[
            jax.ShapeDtypeStruct((B, VEMB), jnp.float32),
            jax.ShapeDtypeStruct((B, VEMB), jnp.float32),
        ],
    )(vfp, vfn, w)


def _tc_combine_body(vp_ref, vn_ref, uv_ref, gp_ref, gn_ref,
                     pos_ref, neg_ref):
    uv = uv_ref[...]
    pos_ref[...] = gp_ref[...] + jnp.sum(uv * vp_ref[...], axis=1,
                                         keepdims=True)
    neg_ref[...] = gn_ref[...] + jnp.sum(uv * vn_ref[...], axis=1,
                                         keepdims=True)


def _tc_combine(vp, vn, uv, gp, gn):
    pos, neg = pl.pallas_call(
        _tc_combine_body,
        grid=(B // _BLK,),
        in_specs=[
            pl.BlockSpec((_BLK, VEMB), lambda i: (i, 0)),
            pl.BlockSpec((_BLK, VEMB), lambda i: (i, 0)),
            pl.BlockSpec((_BLK, VEMB), lambda i: (i, 0)),
            pl.BlockSpec((_BLK, 1), lambda i: (i, 0)),
            pl.BlockSpec((_BLK, 1), lambda i: (i, 0)),
        ],
        out_specs=[
            pl.BlockSpec((_BLK, 1), lambda i: (i, 0)),
            pl.BlockSpec((_BLK, 1), lambda i: (i, 0)),
        ],
        out_shape=[
            jax.ShapeDtypeStruct((B, 1), jnp.float32),
            jax.ShapeDtypeStruct((B, 1), jnp.float32),
        ],
    )(vp, vn, uv, gp.reshape(B, 1), gn.reshape(B, 1))
    return pos[:, 0], neg[:, 0]


def kernel(user_indices, item_pos_indices, item_neg_indices,
           visual_features_pos, visual_features_neg,
           user_table, item_table, W_visual, user_visual_table):
    u_idx = user_indices.astype(jnp.int32)
    ip_idx = item_pos_indices.astype(jnp.int32)
    in_idx = item_neg_indices.astype(jnp.int32)
    vp, vn = _tc_matmul(visual_features_pos, visual_features_neg, W_visual)
    gp, gn, uv = _sc_gather_dots(u_idx, ip_idx, in_idx,
                                 user_table, item_table, user_visual_table)
    return _tc_combine(vp, vn, uv, gp, gn)

# --- scband reference (transcript-rebuilt; emitter-appended) ---
"""Pipeline reference for scband-vbpr-87840671138231 (READ-ONLY COPY).

The authoritative reference and input builder live on the scoring server;
editing this copy changes nothing except your own understanding.
"""

import jax, jax.numpy as jnp
import numpy as np

B = 16384
NUM_USERS = 1000000
NUM_ITEMS = 100000
NUM_VIS = 2048
EMB = 64
VEMB = 32


def setup_inputs(seed: int = 0) -> dict:
    key = jax.random.key(seed)
    ks = jax.random.split(key, 9)
    user_indices = jax.random.randint(ks[0], (B,), 0, NUM_USERS)
    item_pos_indices = jax.random.randint(ks[1], (B,), 0, NUM_ITEMS)
    item_neg_indices = jax.random.randint(ks[2], (B,), 0, NUM_ITEMS)
    visual_features_pos = jax.random.normal(ks[3], (B, NUM_VIS), dtype=jnp.float32)
    visual_features_neg = jax.random.normal(ks[4], (B, NUM_VIS), dtype=jnp.float32)
    user_table = jax.random.normal(ks[5], (NUM_USERS, EMB), dtype=jnp.float32) * 0.02
    item_table = jax.random.normal(ks[6], (NUM_ITEMS, EMB), dtype=jnp.float32) * 0.02
    W_visual = jax.random.normal(ks[7], (VEMB, NUM_VIS), dtype=jnp.float32) * 0.02
    user_visual_table = jax.random.normal(ks[8], (NUM_USERS, VEMB), dtype=jnp.float32) * 0.02
    return {
        "user_indices": user_indices,
        "item_pos_indices": item_pos_indices,
        "item_neg_indices": item_neg_indices,
        "visual_features_pos": visual_features_pos,
        "visual_features_neg": visual_features_neg,
        "user_table": user_table,
        "item_table": item_table,
        "W_visual": W_visual,
        "user_visual_table": user_visual_table,
    }


def reference(user_indices, item_pos_indices, item_neg_indices,
              visual_features_pos, visual_features_neg,
              user_table, item_table, W_visual, user_visual_table):
    user_emb = jnp.take(user_table, user_indices, axis=0)
    item_pos_emb = jnp.take(item_table, item_pos_indices, axis=0)
    item_neg_emb = jnp.take(item_table, item_neg_indices, axis=0)
    visual_pos_emb = visual_features_pos @ W_visual.T
    visual_neg_emb = visual_features_neg @ W_visual.T
    user_visual_emb = jnp.take(user_visual_table, user_indices, axis=0)
    pos_scores = (user_emb * item_pos_emb).sum(axis=1) + (user_visual_emb * visual_pos_emb).sum(axis=1)
    neg_scores = (user_emb * item_neg_emb).sum(axis=1) + (user_visual_emb * visual_neg_emb).sum(axis=1)
    return (pos_scores, neg_scores)

if __name__ == "__main__":
    import jax
    _d = setup_inputs()
    print(jax.jit(kernel)(*tuple(_d.values())))

</pallas_src>

<mosaic_0001>
#map = affine_map<(d0, d1) -> (0)>
#map1 = affine_map<(d0, d1) -> (0, 0)>
module attributes {stable_mosaic.version = 14 : i64} {
  func.func @body(%arg0: i32, %arg1: i32, %arg2: memref<16384xi32, #tpu.memory_space<hbm>>, %arg3: memref<16384xi32, #tpu.memory_space<hbm>>, %arg4: memref<16384xi32, #tpu.memory_space<hbm>>, %arg5: memref<1000000x64xf32, #tpu.memory_space<hbm>>, %arg6: memref<100000x64xf32, #tpu.memory_space<hbm>>, %arg7: memref<1000000x32xf32, #tpu.memory_space<hbm>>, %arg8: memref<16384xf32, #tpu.memory_space<hbm>>, %arg9: memref<16384xf32, #tpu.memory_space<hbm>>, %arg10: memref<16384x32xf32, #tpu.memory_space<hbm>>, %arg11: memref<512xi32, #tpu.memory_space<vmem>>, %arg12: memref<512xi32, #tpu.memory_space<vmem>>, %arg13: memref<512xi32, #tpu.memory_space<vmem>>, %arg14: memref<512x64xf32, #tpu.memory_space<vmem>>, %arg15: memref<512x64xf32, #tpu.memory_space<vmem>>, %arg16: memref<512x64xf32, #tpu.memory_space<vmem>>, %arg17: memref<512x32xf32, #tpu.memory_space<vmem>>, %arg18: memref<512xf32, #tpu.memory_space<vmem>>, %arg19: memref<512xf32, #tpu.memory_space<vmem>>, %arg20: memref<!tpu.dma_semaphore, #tpu.memory_space<semaphore_mem>>) attributes {dimension_semantics = [#tpu.dimension_semantics<core_parallel>, #tpu.dimension_semantics<subcore_parallel>], iteration_bounds = array<i64: 2, 16>, scalar_prefetch = 0 : i64, scratch_operands = 10 : i64, tpu.core_type = #tpu.core_type<sc_vector_subcore>, window_params = [{transform_indices = #map}, {transform_indices = #map}, {transform_indices = #map}, {transform_indices = #map1}, {transform_indices = #map1}, {transform_indices = #map1}, {transform_indices = #map}, {transform_indices = #map}, {transform_indices = #map1}]} {
    %mul3A = arith.constant 2 : i32
    %mul3A_0 = arith.muli %arg1, %mul3A : i32
    %add3A = arith.addi %mul3A_0, %arg0 : i32
    %mul3A_1 = arith.constant 512 : i32
    %mul3A_2 = arith.muli %add3A, %mul3A_1 : i32
    "tpu.region"() ({
      %run_scoped3A = tpu.sem_alloc : memref<!tpu.dma_semaphore, #tpu.memory_space<semaphore_mem>>
      %dma_start3A_533 = tpu.memref_slice %arg2[%mul3A_2] : memref<16384xi32, #tpu.memory_space<hbm>> -> memref<512xi32, #tpu.memory_space<hbm>>
      %dma_start3A_534 = tpu.memref_slice %arg2[%mul3A_2] : memref<16384xi32, #tpu.memory_space<hbm>> -> memref<512xi32, #tpu.memory_space<hbm>>
      tpu.enqueue_dma source(%dma_start3A_534 : memref<512xi32, #tpu.memory_space<hbm>>) target(%arg11 : memref<512xi32, #tpu.memory_space<vmem>>) target_semaphore(%run_scoped3A : memref<!tpu.dma_semaphore, #tpu.memory_space<semaphore_mem>>)
      %dma_wait3A_535 = tpu.memref_slice %arg2[%mul3A_2] : memref<16384xi32, #tpu.memory_space<hbm>> -> memref<512xi32, #tpu.memory_space<hbm>>
      %dma_wait3A_536 = tpu.memref_slice %arg2[%mul3A_2] : memref<16384xi32, #tpu.memory_space<hbm>> -> memref<512xi32, #tpu.memory_space<hbm>>
      tpu.wait_dma2 semaphore(%run_scoped3A : memref<!tpu.dma_semaphore, #tpu.memory_space<semaphore_mem>>) src(%dma_wait3A_536 : memref<512xi32, #tpu.memory_space<hbm>>) dst(%arg11 : memref<512xi32, #tpu.memory_space<vmem>>)
      tpu.yield
    }) : () -> ()
    "tpu.region"() ({
      %run_scoped3A = tpu.sem_alloc : memref<!tpu.dma_semaphore, #tpu.memory_space<semaphore_mem>>
      %dma_start3A_533 = tpu.memref_slice %arg3[%mul3A_2] : memref<16384xi32, #tpu.memory_space<hbm>> -> memref<512xi32, #tpu.memory_space<hbm>>
      %dma_start3A_534 = tpu.memref_slice %arg3[%mul3A_2] : memref<16384xi32, #tpu.memory_space<hbm>> -> memref<512xi32, #tpu.memory_space<hbm>>
      tpu.enqueue_dma source(%dma_start3A_534 : memref<512xi32, #tpu.memory_space<hbm>>) target(%arg12 : memref<512xi32, #tpu.memory_space<vmem>>) target_semaphore(%run_scoped3A : memref<!tpu.dma_semaphore, #tpu.memory_space<semaphore_mem>>)
      %dma_wait3A_535 = tpu.memref_slice %arg3[%mul3A_2] : memref<16384xi32, #tpu.memory_space<hbm>> -> memref<512xi32, #tpu.memory_space<hbm>>
      %dma_wait3A_536 = tpu.memref_slice %arg3[%mul3A_2] : memref<16384xi32, #tpu.memory_space<hbm>> -> memref<512xi32, #tpu.memory_space<hbm>>
      tpu.wait_dma2 semaphore(%run_scoped3A : memref<!tpu.dma_semaphore, #tpu.memory_space<semaphore_mem>>) src(%dma_wait3A_536 : memref<512xi32, #tpu.memory_space<hbm>>) dst(%arg12 : memref<512xi32, #tpu.memory_space<vmem>>)
      tpu.yield
    }) : () -> ()
    "tpu.region"() ({
      %run_scoped3A = tpu.sem_alloc : memref<!tpu.dma_semaphore, #tpu.memory_space<semaphore_mem>>
      %dma_start3A_533 = tpu.memref_slice %arg4[%mul3A_2] : memref<16384xi32, #tpu.memory_space<hbm>> -> memref<512xi32, #tpu.memory_space<hbm>>
      %dma_start3A_534 = tpu.memref_slice %arg4[%mul3A_2] : memref<16384xi32, #tpu.memory_space<hbm>> -> memref<512xi32, #tpu.memory_space<hbm>>
      tpu.enqueue_dma source(%dma_start3A_534 : memref<512xi32, #tpu.memory_space<hbm>>) target(%arg13 : memref<512xi32, #tpu.memory_space<vmem>>) target_semaphore(%run_scoped3A : memref<!tpu.dma_semaphore, #tpu.memory_space<semaphore_mem>>)
      %dma_wait3A_535 = tpu.memref_slice %arg4[%mul3A_2] : memref<16384xi32, #tpu.memory_space<hbm>> -> memref<512xi32, #tpu.memory_space<hbm>>
      %dma_wait3A_536 = tpu.memref_slice %arg4[%mul3A_2] : memref<16384xi32, #tpu.memory_space<hbm>> -> memref<512xi32, #tpu.memory_space<hbm>>
      tpu.wait_dma2 semaphore(%run_scoped3A : memref<!tpu.dma_semaphore, #tpu.memory_space<semaphore_mem>>) src(%dma_wait3A_536 : memref<512xi32, #tpu.memory_space<hbm>>) dst(%arg13 : memref<512xi32, #tpu.memory_space<vmem>>)
      tpu.yield
    }) : () -> ()
    %dma_start3A = arith.constant 0 : i32
    %dma_start3A_3 = arith.constant 0 : i32
    %dma_start3A_4 = tpu.memref_slice %arg5[%dma_start3A, %dma_start3A_3] : memref<1000000x64xf32, #tpu.memory_space<hbm>> -> memref<1000000x64xf32, #tpu.memory_space<hbm>>
    tpu.enqueue_indirect_dma source(%dma_start3A_4 : memref<1000000x64xf32, #tpu.memory_space<hbm>>) target(%arg14 : memref<512x64xf32, #tpu.memory_space<vmem>>) offsets(%arg11 : memref<512xi32, #tpu.memory_space<vmem>>) semaphore(%arg20 : memref<!tpu.dma_semaphore, #tpu.memory_space<semaphore_mem>>)
    %dma_start3A_5 = arith.constant 0 : i32
    %dma_start3A_6 = arith.constant 0 : i32
    %dma_start3A_7 = tpu.memref_slice %arg6[%dma_start3A_5, %dma_start3A_6] : memref<100000x64xf32, #tpu.memory_space<hbm>> -> memref<100000x64xf32, #tpu.memory_space<hbm>>
    tpu.enqueue_indirect_dma source(%dma_start3A_7 : memref<100000x64xf32, #tpu.memory_space<hbm>>) target(%arg15 : memref<512x64xf32, #tpu.memory_space<vmem>>) offsets(%arg12 : memref<512xi32, #tpu.memory_space<vmem>>) semaphore(%arg20 : memref<!tpu.dma_semaphore, #tpu.memory_space<semaphore_mem>>)
    %dma_start3A_8 = arith.constant 0 : i32
    %dma_start3A_9 = arith.constant 0 : i32
    %dma_start3A_10 = tpu.memref_slice %arg6[%dma_start3A_8, %dma_start3A_9] : memref<100000x64xf32, #tpu.memory_space<hbm>> -> memref<100000x64xf32, #tpu.memory_space<hbm>>
    tpu.enqueue_indirect_dma source(%dma_start3A_10 : memref<100000x64xf32, #tpu.memory_space<hbm>>) target(%arg16 : memref<512x64xf32, #tpu.memory_space<vmem>>) offsets(%arg13 : memref<512xi32, #tpu.memory_space<vmem>>) semaphore(%arg20 : memref<!tpu.dma_semaphore, #tpu.memory_space<semaphore_mem>>)
    %dma_start3A_11 = arith.constant 0 : i32
    %dma_start3A_12 = arith.constant 0 : i32
    %dma_start3A_13 = tpu.memref_slice %arg7[%dma_start3A_11, %dma_start3A_12] : memref<1000000x32xf32, #tpu.memory_space<hbm>> -> memref<1000000x32xf32, #tpu.memory_space<hbm>>
    tpu.enqueue_indirect_dma source(%dma_start3A_13 : memref<1000000x32xf32, #tpu.memory_space<hbm>>) target(%arg17 : memref<512x32xf32, #tpu.memory_space<vmem>>) offsets(%arg11 : memref<512xi32, #tpu.memory_space<vmem>>) semaphore(%arg20 : memref<!tpu.dma_semaphore, #tpu.memory_space<semaphore_mem>>)
    %dma_wait3A = arith.constant 0 : i32
    %dma_wait3A_14 = arith.constant 0 : i32
    %dma_wait3A_15 = tpu.memref_slice %arg5[%dma_wait3A, %dma_wait3A_14] : memref<1000000x64xf32, #tpu.memory_space<hbm>> -> memref<1000000x64xf32, #tpu.memory_space<hbm>>
    tpu.wait_indirect_dma semaphore(%arg20 : memref<!tpu.dma_semaphore, #tpu.memory_space<semaphore_mem>>) src(%dma_wait3A_15 : memref<1000000x64xf32, #tpu.memory_space<hbm>>) dst(%arg14 : memref<512x64xf32, #tpu.memory_space<vmem>>)
    %dma_wait3A_16 = arith.constant 0 : i32
    %dma_wait3A_17 = arith.constant 0 : i32
    %dma_wait3A_18 = tpu.memref_slice %arg6[%dma_wait3A_16, %dma_wait3A_17] : memref<100000x64xf32, #tpu.memory_space<hbm>> -> memref<100000x64xf32, #tpu.memory_space<hbm>>
    tpu.wait_indirect_dma semaphore(%arg20 : memref<!tpu.dma_semaphore, #tpu.memory_space<semaphore_mem>>) src(%dma_wait3A_18 : memref<100000x64xf32, #tpu.memory_space<hbm>>) dst(%arg15 : memref<512x64xf32, #tpu.memory_space<vmem>>)
    %dma_wait3A_19 = arith.constant 0 : i32
    %dma_wait3A_20 = arith.constant 0 : i32
    %dma_wait3A_21 = tpu.memref_slice %arg6[%dma_wait3A_19, %dma_wait3A_20] : memref<100000x64xf32, #tpu.memory_space<hbm>> -> memref<100000x64xf32, #tpu.memory_space<hbm>>
    tpu.wait_indirect_dma semaphore(%arg20 : memref<!tpu.dma_semaphore, #tpu.memory_space<semaphore_mem>>) src(%dma_wait3A_21 : memref<100000x64xf32, #tpu.memory_space<hbm>>) dst(%arg16 : memref<512x64xf32, #tpu.memory_space<vmem>>)
    %dma_wait3A_22 = arith.constant 0 : i32
    %dma_wait3A_23 = arith.constant 0 : i32
    %dma_wait3A_24 = tpu.memref_slice %arg7[%dma_wait3A_22, %dma_wait3A_23] : memref<1000000x32xf32, #tpu.memory_space<hbm>> -> memref<1000000x32xf32, #tpu.memory_space<hbm>>
    tpu.wait_indirect_dma semaphore(%arg20 : memref<!tpu.dma_semaphore, #tpu.memory_space<semaphore_mem>>) src(%dma_wait3A_24 : memref<1000000x32xf32, #tpu.memory_space<hbm>>) dst(%arg17 : memref<512x32xf32, #tpu.memory_space<vmem>>)
    %iota3A = tpu.iota {dimensions = array<i32: 0>} : vector<16xi32>
    %add3A_25 = arith.constant 0 : i32
    %add3A_26 = vector.broadcast %add3A_25 : i32 to vector<16xi32>
    %add3A_27 = arith.addi %add3A_26, %iota3A : vector<16xi32>
    %broadcast_in_dim3A = arith.constant 0.000000e+00 : f32
    %broadcast_in_dim3A_28 = vector.broadcast %broadcast_in_dim3A : f32 to vector<16xf32>
    %scan3A = arith.constant 0 : i32
    %scan3A_29 = arith.constant 64 : i32
    %scan3A_30 = arith.addi %scan3A, %scan3A_29 : i32
    %scan3A_31 = arith.constant 1 : i32
    %scan3A_32:2 = scf.for %scan3A_533 = %scan3A to %scan3A_30 step %scan3A_31 iter_args(%scan3A_534 = %broadcast_in_dim3A_28, %scan3A_535 = %broadcast_in_dim3A_28) -> (vector<16xf32>, vector<16xf32>)  : i32 {
      %broadcast_in_dim3A_536 = vector.broadcast %scan3A_533 : i32 to vector<16xi32>
      %gather3A = tpu.vector_load_idx %arg14[%add3A_27, %broadcast_in_dim3A_536] : memref<512x64xf32, #tpu.memory_space<vmem>>[vector<16xi32>, vector<16xi32>], vector<16xf32>,
      %gather3A_537 = tpu.vector_load_idx %arg15[%add3A_27, %broadcast_in_dim3A_536] : memref<512x64xf32, #tpu.memory_space<vmem>>[vector<16xi32>, vector<16xi32>], vector<16xf32>,
      %mul3A_538 = arith.mulf %gather3A, %gather3A_537 : vector<16xf32>
      %add3A_539 = arith.addf %scan3A_534, %mul3A_538 : vector<16xf32>
      %gather3A_540 = tpu.vector_load_idx %arg16[%add3A_27, %broadcast_in_dim3A_536] : memref<512x64xf32, #tpu.memory_space<vmem>>[vector<16xi32>, vector<16xi32>], vector<16xf32>,
      %mul3A_541 = arith.mulf %gather3A, %gather3A_540 : vector<16xf32>
      %add3A_542 = arith.addf %scan3A_535, %mul3A_541 : vector<16xf32>
      scf.yield %add3A_539, %add3A_542 : vector<16xf32>, vector<16xf32>
    }
    %scan3A_33 = arith.constant 64 : i32
    %swap3A = arith.constant 0 : index
    %swap3A_34 = tpu.vector_load %arg18[%swap3A] {strides = array<i32>} : memref<512xf32, #tpu.memory_space<vmem>>, vector<16xf32>,
    tpu.vector_store %arg18[%swap3A], %scan3A_32#0 {strides = array<i32>} : memref<512xf32, #tpu.memory_space<vmem>>, vector<16xf32>,
    %swap3A_35 = arith.constant 0 : index
    %swap3A_36 = tpu.vector_load %arg19[%swap3A_35] {strides = array<i32>} : memref<512xf32, #tpu.memory_space<vmem>>, vector<16xf32>,
    tpu.vector_store %arg19[%swap3A_35], %scan3A_32#1 {strides = array<i32>} : memref<512xf32, #tpu.memory_space<vmem>>, vector<16xf32>,
    %iota3A_37 = tpu.iota {dimensions = array<i32: 0>} : vector<16xi32>
    %add3A_38 = arith.constant 16 : i32
    %add3A_39 = vector.broadcast %add3A_38 : i32 to vector<16xi32>
    %add3A_40 = arith.addi %add3A_39, %iota3A_37 : vector<16xi32>
    %broadcast_in_dim3A_41 = arith.constant 0.000000e+00 : f32
    %broadcast_in_dim3A_42 = vector.broadcast %broadcast_in_dim3A_41 : f32 to vector<16xf32>
    %scan3A_43 = arith.constant 0 : i32
    %scan3A_44 = arith.constant 64 : i32
    %scan3A_45 = arith.addi %scan3A_43, %scan3A_44 : i32
    %scan3A_46 = arith.constant 1 : i32
    %scan3A_47:2 = scf.for %scan3A_533 = %scan3A_43 to %scan3A_45 step %scan3A_46 iter_args(%scan3A_534 = %broadcast_in_dim3A_42, %scan3A_535 = %broadcast_in_dim3A_42) -> (vector<16xf32>, vector<16xf32>)  : i32 {
      %broadcast_in_dim3A_536 = vector.broadcast %scan3A_533 : i32 to vector<16xi32>
      %gather3A = tpu.vector_load_idx %arg14[%add3A_40, %broadcast_in_dim3A_536] : memref<512x64xf32, #tpu.memory_space<vmem>>[vector<16xi32>, vector<16xi32>], vector<16xf32>,
      %gather3A_537 = tpu.vector_load_idx %arg15[%add3A_40, %broadcast_in_dim3A_536] : memref<512x64xf32, #tpu.memory_space<vmem>>[vector<16xi32>, vector<16xi32>], vector<16xf32>,
      %mul3A_538 = arith.mulf %gather3A, %gather3A_537 : vector<16xf32>
      %add3A_539 = arith.addf %scan3A_534, %mul3A_538 : vector<16xf32>
      %gather3A_540 = tpu.vector_load_idx %arg16[%add3A_40, %broadcast_in_dim3A_536] : memref<512x64xf32, #tpu.memory_space<vmem>>[vector<16xi32>, vector<16xi32>], vector<16xf32>,
      %mul3A_541 = arith.mulf %gather3A, %gather3A_540 : vector<16xf32>
      %add3A_542 = arith.addf %scan3A_535, %mul3A_541 : vector<16xf32>
      scf.yield %add3A_539, %add3A_542 : vector<16xf32>, vector<16xf32>
    }
    %scan3A_48 = arith.constant 64 : i32
    %swap3A_49 = arith.constant 16 : index
    %swap3A_50 = tpu.vector_load %arg18[%swap3A_49] {strides = array<i32>} : memref<512xf32, #tpu.memory_space<vmem>>, vector<16xf32>,
    tpu.vector_store %arg18[%swap3A_49], %scan3A_47#0 {strides = array<i32>} : memref<512xf32, #tpu.memory_space<vmem>>, vector<16xf32>,
    %swap3A_51 = arith.constant 16 : index
    %swap3A_52 = tpu.vector_load %arg19[%swap3A_51] {strides = array<i32>} : memref<512xf32, #tpu.memory_space<vmem>>, vector<16xf32>,
    tpu.vector_store %arg19[%swap3A_51], %scan3A_47#1 {strides = array<i32>} : memref<512xf32, #tpu.memory_space<vmem>>, vector<16xf32>,
    %iota3A_53 = tpu.iota {dimensions = array<i32: 0>} : vector<16xi32>
    %add3A_54 = arith.constant 32 : i32
    %add3A_55 = vector.broadcast %add3A_54 : i32 to vector<16xi32>
    %add3A_56 = arith.addi %add3A_55, %iota3A_53 : vector<16xi32>
    %broadcast_in_dim3A_57 = arith.constant 0.000000e+00 : f32
    %broadcast_in_dim3A_58 = vector.broadcast %broadcast_in_dim3A_57 : f32 to vector<16xf32>
    %scan3A_59 = arith.constant 0 : i32
    %scan3A_60 = arith.constant 64 : i32
    %scan3A_61 = arith.addi %scan3A_59, %scan3A_60 : i32
    %scan3A_62 = arith.constant 1 : i32
    %scan3A_63:2 = scf.for %scan3A_533 = %scan3A_59 to %scan3A_61 step %scan3A_62 iter_args(%scan3A_534 = %broadcast_in_dim3A_58, %scan3A_535 = %broadcast_in_dim3A_58) -> (vector<16xf32>, vector<16xf32>)  : i32 {
      %broadcast_in_dim3A_536 = vector.broadcast %scan3A_533 : i32 to vector<16xi32>
      %gather3A = tpu.vector_load_idx %arg14[%add3A_56, %broadcast_in_dim3A_536] : memref<512x64xf32, #tpu.memory_space<vmem>>[vector<16xi32>, vector<16xi32>], vector<16xf32>,
      %gather3A_537 = tpu.vector_load_idx %arg15[%add3A_56, %broadcast_in_dim3A_536] : memref<512x64xf32, #tpu.memory_space<vmem>>[vector<16xi32>, vector<16xi32>], vector<16xf32>,
      %mul3A_538 = arith.mulf %gather3A, %gather3A_537 : vector<16xf32>
      %add3A_539 = arith.addf %scan3A_534, %mul3A_538 : vector<16xf32>
      %gather3A_540 = tpu.vector_load_idx %arg16[%add3A_56, %broadcast_in_dim3A_536] : memref<512x64xf32, #tpu.memory_space<vmem>>[vector<16xi32>, vector<16xi32>], vector<16xf32>,
      %mul3A_541 = arith.mulf %gather3A, %gather3A_540 : vector<16xf32>
      %add3A_542 = arith.addf %scan3A_535, %mul3A_541 : vector<16xf32>
      scf.yield %add3A_539, %add3A_542 : vector<16xf32>, vector<16xf32>
    }
    %scan3A_64 = arith.constant 64 : i32
    %swap3A_65 = arith.constant 32 : index
    %swap3A_66 = tpu.vector_load %arg18[%swap3A_65] {strides = array<i32>} : memref<512xf32, #tpu.memory_space<vmem>>, vector<16xf32>,
    tpu.vector_store %arg18[%swap3A_65], %scan3A_63#0 {strides = array<i32>} : memref<512xf32, #tpu.memory_space<vmem>>, vector<16xf32>,
    %swap3A_67 = arith.constant 32 : index
    %swap3A_68 = tpu.vector_load %arg19[%swap3A_67] {strides = array<i32>} : memref<512xf32, #tpu.memory_space<vmem>>, vector<16xf32>,
    tpu.vector_store %arg19[%swap3A_67], %scan3A_63#1 {strides = array<i32>} : memref<512xf32, #tpu.memory_space<vmem>>, vector<16xf32>,
    %iota3A_69 = tpu.iota {dimensions = array<i32: 0>} : vector<16xi32>
    %add3A_70 = arith.constant 48 : i32
    %add3A_71 = vector.broadcast %add3A_70 : i32 to vector<16xi32>
    %add3A_72 = arith.addi %add3A_71, %iota3A_69 : vector<16xi32>
    %broadcast_in_dim3A_73 = arith.constant 0.000000e+00 : f32
    %broadcast_in_dim3A_74 = vector.broadcast %broadcast_in_dim3A_73 : f32 to vector<16xf32>
    %scan3A_75 = arith.constant 0 : i32
    %scan3A_76 = arith.constant 64 : i32
    %scan3A_77 = arith.addi %scan3A_75, %scan3A_76 : i32
    %scan3A_78 = arith.constant 1 : i32
    %scan3A_79:2 = scf.for %scan3A_533 = %scan3A_75 to %scan3A_77 step %scan3A_78 iter_args(%scan3A_534 = %broadcast_in_dim3A_74, %scan3A_535 = %broadcast_in_dim3A_74) -> (vector<16xf32>, vector<16xf32>)  : i32 {
      %broadcast_in_dim3A_536 = vector.broadcast %scan3A_533 : i32 to vector<16xi32>
      %gather3A = tpu.vector_load_idx %arg14[%add3A_72, %broadcast_in_dim3A_536] : memref<512x64xf32, #tpu.memory_space<vmem>>[vector<16xi32>, vector<16xi32>], vector<16xf32>,
      %gather3A_537 = tpu.vector_load_idx %arg15[%add3A_72, %broadcast_in_dim3A_536] : memref<512x64xf32, #tpu.memory_space<vmem>>[vector<16xi32>, vector<16xi32>], vector<16xf32>,
      %mul3A_538 = arith.mulf %gather3A, %gather3A_537 : vector<16xf32>
      %add3A_539 = arith.addf %scan3A_534, %mul3A_538 : vector<16xf32>
      %gather3A_540 = tpu.vector_load_idx %arg16[%add3A_72, %broadcast_in_dim3A_536] : memref<512x64xf32, #tpu.memory_space<vmem>>[vector<16xi32>, vector<16xi32>], vector<16xf32>,
      %mul3A_541 = arith.mulf %gather3A, %gather3A_540 : vector<16xf32>
      %add3A_542 = arith.addf %scan3A_535, %mul3A_541 : vector<16xf32>
      scf.yield %add3A_539, %add3A_542 : vector<16xf32>, vector<16xf32>
    }
    %scan3A_80 = arith.constant 64 : i32
    %swap3A_81 = arith.constant 48 : index
    %swap3A_82 = tpu.vector_load %arg18[%swap3A_81] {strides = array<i32>} : memref<512xf32, #tpu.memory_space<vmem>>, vector<16xf32>,
    tpu.vector_store %arg18[%swap3A_81], %scan3A_79#0 {strides = array<i32>} : memref<512xf32, #tpu.memory_space<vmem>>, vector<16xf32>,
    %swap3A_83 = arith.constant 48 : index
    %swap3A_84 = tpu.vector_load %arg19[%swap3A_83] {strides = array<i32>} : memref<512xf32, #tpu.memory_space<vmem>>, vector<16xf32>,
    tpu.vector_store %arg19[%swap3A_83], %scan3A_79#1 {strides = array<i32>} : memref<512xf32, #tpu.memory_space<vmem>>, vector<16xf32>,
    %iota3A_85 = tpu.iota {dimensions = array<i32: 0>} : vector<16xi32>
    %add3A_86 = arith.constant 64 : i32
    %add3A_87 = vector.broadcast %add3A_86 : i32 to vector<16xi32>
    %add3A_88 = arith.addi %add3A_87, %iota3A_85 : vector<16xi32>
    %broadcast_in_dim3A_89 = arith.constant 0.000000e+00 : f32
    %broadcast_in_dim3A_90 = vector.broadcast %broadcast_in_dim3A_89 : f32 to vector<16xf32>
    %scan3A_91 = arith.constant 0 : i32
    %scan3A_92 = arith.constant 64 : i32
    %scan3A_93 = arith.addi %scan3A_91, %scan3A_92 : i32
    %scan3A_94 = arith.constant 1 : i32
    %scan3A_95:2 = scf.for %scan3A_533 = %scan3A_91 to %scan3A_93 step %scan3A_94 iter_args(%scan3A_534 = %broadcast_in_dim3A_90, %scan3A_535 = %broadcast_in_dim3A_90) -> (vector<16xf32>, vector<16xf32>)  : i32 {
      %broadcast_in_dim3A_536 = vector.broadcast %scan3A_533 : i32 to vector<16xi32>
      %gather3A = tpu.vector_load_idx %arg14[%add3A_88, %broadcast_in_dim3A_536] : memref<512x64xf32, #tpu.memory_space<vmem>>[vector<16xi32>, vector<16xi32>], vector<16xf32>,
      %gather3A_537 = tpu.vector_load_idx %arg15[%add3A_88, %broadcast_in_dim3A_536] : memref<512x64xf32, #tpu.memory_space<vmem>>[vector<16xi32>, vector<16xi32>], vector<16xf32>,
      %mul3A_538 = arith.mulf %gather3A, %gather3A_537 : vector<16xf32>
      %add3A_539 = arith.addf %scan3A_534, %mul3A_538 : vector<16xf32>
      %gather3A_540 = tpu.vector_load_idx %arg16[%add3A_88, %broadcast_in_dim3A_536] : memref<512x64xf32, #tpu.memory_space<vmem>>[vector<16xi32>, vector<16xi32>], vector<16xf32>,
      %mul3A_541 = arith.mulf %gather3A, %gather3A_540 : vector<16xf32>
      %add3A_542 = arith.addf %scan3A_535, %mul3A_541 : vector<16xf32>
      scf.yield %add3A_539, %add3A_542 : vector<16xf32>, vector<16xf32>
    }
    %scan3A_96 = arith.constant 64 : i32
    %swap3A_97 = arith.constant 64 : index
    %swap3A_98 = tpu.vector_load %arg18[%swap3A_97] {strides = array<i32>} : memref<512xf32, #tpu.memory_space<vmem>>, vector<16xf32>,
    tpu.vector_store %arg18[%swap3A_97], %scan3A_95#0 {strides = array<i32>} : memref<512xf32, #tpu.memory_space<vmem>>, vector<16xf32>,
    %swap3A_99 = arith.constant 64 : index
    %swap3A_100 = tpu.vector_load %arg19[%swap3A_99] {strides = array<i32>} : memref<512xf32, #tpu.memory_space<vmem>>, vector<16xf32>,
    tpu.vector_store %arg19[%swap3A_99], %scan3A_95#1 {strides = array<i32>} : memref<512xf32, #tpu.memory_space<vmem>>, vector<16xf32>,
    %iota3A_101 = tpu.iota {dimensions = array<i32: 0>} : vector<16xi32>
    %add3A_102 = arith.constant 80 : i32
    %add3A_103 = vector.broadcast %add3A_102 : i32 to vector<16xi32>
    %add3A_104 = arith.addi %add3A_103, %iota3A_101 : vector<16xi32>
    %broadcast_in_dim3A_105 = arith.constant 0.000000e+00 : f32
    %broadcast_in_dim3A_106 = vector.broadcast %broadcast_in_dim3A_105 : f32 to vector<16xf32>
    %scan3A_107 = arith.constant 0 : i32
    %scan3A_108 = arith.constant 64 : i32
    %scan3A_109 = arith.addi %scan3A_107, %scan3A_108 : i32
    %scan3A_110 = arith.constant 1 : i32
    %scan3A_111:2 = scf.for %scan3A_533 = %scan3A_107 to %scan3A_109 step %scan3A_110 iter_args(%scan3A_534 = %broadcast_in_dim3A_106, %scan3A_535 = %broadcast_in_dim3A_106) -> (vector<16xf32>, vector<16xf32>)  : i32 {
      %broadcast_in_dim3A_536 = vector.broadcast %scan3A_533 : i32 to vector<16xi32>
      %gather3A = tpu.vector_load_idx %arg14[%add3A_104, %broadcast_in_dim3A_536] : memref<512x64xf32, #tpu.memory_space<vmem>>[vector<16xi32>, vector<16xi32>], vector<16xf32>,
      %gather3A_537 = tpu.vector_load_idx %arg15[%add3A_104, %broadcast_in_dim3A_536] : memref<512x64xf32, #tpu.memory_space<vmem>>[vector<16xi32>, vector<16xi32>], vector<16xf32>,
      %mul3A_538 = arith.mulf %gather3A, %gather3A_537 : vector<16xf32>
      %add3A_539 = arith.addf %scan3A_534, %mul3A_538 : vector<16xf32>
      %gather3A_540 = tpu.vector_load_idx %arg16[%add3A_104, %broadcast_in_dim3A_536] : memref<512x64xf32, #tpu.memory_space<vmem>>[vector<16xi32>, vector<16xi32>], vector<16xf32>,
      %mul3A_541 = arith.mulf %gather3A, %gather3A_540 : vector<16xf32>
      %add3A_542 = arith.addf %scan3A_535, %mul3A_541 : vector<16xf32>
      scf.yield %add3A_539, %add3A_542 : vector<16xf32>, vector<16xf32>
    }
    %scan3A_112 = arith.constant 64 : i32
    %swap3A_113 = arith.constant 80 : index
    %swap3A_114 = tpu.vector_load %arg18[%swap3A_113] {strides = array<i32>} : memref<512xf32, #tpu.memory_space<vmem>>, vector<16xf32>,
    tpu.vector_store %arg18[%swap3A_113], %scan3A_111#0 {strides = array<i32>} : memref<512xf32, #tpu.memory_space<vmem>>, vector<16xf32>,
    %swap3A_115 = arith.constant 80 : index
    %swap3A_116 = tpu.vector_load %arg19[%swap3A_115] {strides = array<i32>} : memref<512xf32, #tpu.memory_space<vmem>>, vector<16xf32>,
    tpu.vector_store %arg19[%swap3A_115], %scan3A_111#1 {strides = array<i32>} : memref<512xf32, #tpu.memory_space<vmem>>, vector<16xf32>,
    %iota3A_117 = tpu.iota {dimensions = array<i32: 0>} : vector<16xi32>
    %add3A_118 = arith.constant 96 : i32
    %add3A_119 = vector.broadcast %add3A_118 : i32 to vector<16xi32>
    %add3A_120 = arith.addi %add3A_119, %iota3A_117 : vector<16xi32>
    %broadcast_in_dim3A_121 = arith.constant 0.000000e+00 : f32
    %broadcast_in_dim3A_122 = vector.broadcast %broadcast_in_dim3A_121 : f32 to vector<16xf32>
    %scan3A_123 = arith.constant 0 : i32
    %scan3A_124 = arith.constant 64 : i32
    %scan3A_125 = arith.addi %scan3A_123, %scan3A_124 : i32
    %scan3A_126 = arith.constant 1 : i32
    %scan3A_127:2 = scf.for %scan3A_533 = %scan3A_123 to %scan3A_125 step %scan3A_126 iter_args(%scan3A_534 = %broadcast_in_dim3A_122, %scan3A_535 = %broadcast_in_dim3A_122) -> (vector<16xf32>, vector<16xf32>)  : i32 {
      %broadcast_in_dim3A_536 = vector.broadcast %scan3A_533 : i32 to vector<16xi32>
      %gather3A = tpu.vector_load_idx %arg14[%add3A_120, %broadcast_in_dim3A_536] : memref<512x64xf32, #tpu.memory_space<vmem>>[vector<16xi32>, vector<16xi32>], vector<16xf32>,
      %gather3A_537 = tpu.vector_load_idx %arg15[%add3A_120, %broadcast_in_dim3A_536] : memref<512x64xf32, #tpu.memory_space<vmem>>[vector<16xi32>, vector<16xi32>], vector<16xf32>,
      %mul3A_538 = arith.mulf %gather3A, %gather3A_537 : vector<16xf32>
      %add3A_539 = arith.addf %scan3A_534, %mul3A_538 : vector<16xf32>
      %gather3A_540 = tpu.vector_load_idx %arg16[%add3A_120, %broadcast_in_dim3A_536] : memref<512x64xf32, #tpu.memory_space<vmem>>[vector<16xi32>, vector<16xi32>], vector<16xf32>,
      %mul3A_541 = arith.mulf %gather3A, %gather3A_540 : vector<16xf32>
      %add3A_542 = arith.addf %scan3A_535, %mul3A_541 : vector<16xf32>
      scf.yield %add3A_539, %add3A_542 : vector<16xf32>, vector<16xf32>
    }
    %scan3A_128 = arith.constant 64 : i32
    %swap3A_129 = arith.constant 96 : index
    %swap3A_130 = tpu.vector_load %arg18[%swap3A_129] {strides = array<i32>} : memref<512xf32, #tpu.memory_space<vmem>>, vector<16xf32>,
    tpu.vector_store %arg18[%swap3A_129], %scan3A_127#0 {strides = array<i32>} : memref<512xf32, #tpu.memory_space<vmem>>, vector<16xf32>,
    %swap3A_131 = arith.constant 96 : index
    %swap3A_132 = tpu.vector_load %arg19[%swap3A_131] {strides = array<i32>} : memref<512xf32, #tpu.memory_space<vmem>>, vector<16xf32>,
    tpu.vector_store %arg19[%swap3A_131], %scan3A_127#1 {strides = array<i32>} : memref<512xf32, #tpu.memory_space<vmem>>, vector<16xf32>,
    %iota3A_133 = tpu.iota {dimensions = array<i32: 0>} : vector<16xi32>
    %add3A_134 = arith.constant 112 : i32
    %add3A_135 = vector.broadcast %add3A_134 : i32 to vector<16xi32>
    %add3A_136 = arith.addi %add3A_135, %iota3A_133 : vector<16xi32>
    %broadcast_in_dim3A_137 = arith.constant 0.000000e+00 : f32
    %broadcast_in_dim3A_138 = vector.broadcast %broadcast_in_dim3A_137 : f32 to vector<16xf32>
    %scan3A_139 = arith.constant 0 : i32
    %scan3A_140 = arith.constant 64 : i32
    %scan3A_141 = arith.addi %scan3A_139, %scan3A_140 : i32
    %scan3A_142 = arith.constant 1 : i32
    %scan3A_143:2 = scf.for %scan3A_533 = %scan3A_139 to %scan3A_141 step %scan3A_142 iter_args(%scan3A_534 = %broadcast_in_dim3A_138, %scan3A_535 = %broadcast_in_dim3A_138) -> (vector<16xf32>, vector<16xf32>)  : i32 {
      %broadcast_in_dim3A_536 = vector.broadcast %scan3A_533 : i32 to vector<16xi32>
      %gather3A = tpu.vector_load_idx %arg14[%add3A_136, %broadcast_in_dim3A_536] : memref<512x64xf32, #tpu.memory_space<vmem>>[vector<16xi32>, vector<16xi32>], vector<16xf32>,
      %gather3A_537 = tpu.vector_load_idx %arg15[%add3A_136, %broadcast_in_dim3A_536] : memref<512x64xf32, #tpu.memory_space<vmem>>[vector<16xi32>, vector<16xi32>], vector<16xf32>,
      %mul3A_538 = arith.mulf %gather3A, %gather3A_537 : vector<16xf32>
      %add3A_539 = arith.addf %scan3A_534, %mul3A_538 : vector<16xf32>
      %gather3A_540 = tpu.vector_load_idx %arg16[%add3A_136, %broadcast_in_dim3A_536] : memref<512x64xf32, #tpu.memory_space<vmem>>[vector<16xi32>, vector<16xi32>], vector<16xf32>,
      %mul3A_541 = arith.mulf %gather3A, %gather3A_540 : vector<16xf32>
      %add3A_542 = arith.addf %scan3A_535, %mul3A_541 : vector<16xf32>
      scf.yield %add3A_539, %add3A_542 : vector<16xf32>, vector<16xf32>
    }
    %scan3A_144 = arith.constant 64 : i32
    %swap3A_145 = arith.constant 112 : index
    %swap3A_146 = tpu.vector_load %arg18[%swap3A_145] {strides = array<i32>} : memref<512xf32, #tpu.memory_space<vmem>>, vector<16xf32>,
    tpu.vector_store %arg18[%swap3A_145], %scan3A_143#0 {strides = array<i32>} : memref<512xf32, #tpu.memory_space<vmem>>, vector<16xf32>,
    %swap3A_147 = arith.constant 112 : index
    %swap3A_148 = tpu.vector_load %arg19[%swap3A_147] {strides = array<i32>} : memref<512xf32, #tpu.memory_space<vmem>>, vector<16xf32>,
    tpu.vector_store %arg19[%swap3A_147], %scan3A_143#1 {strides = array<i32>} : memref<512xf32, #tpu.memory_space<vmem>>, vector<16xf32>,
    %iota3A_149 = tpu.iota {dimensions = array<i32: 0>} : vector<16xi32>
    %add3A_150 = arith.constant 128 : i32
    %add3A_151 = vector.broadcast %add3A_150 : i32 to vector<16xi32>
    %add3A_152 = arith.addi %add3A_151, %iota3A_149 : vector<16xi32>
    %broadcast_in_dim3A_153 = arith.constant 0.000000e+00 : f32
    %broadcast_in_dim3A_154 = vector.broadcast %broadcast_in_dim3A_153 : f32 to vector<16xf32>
    %scan3A_155 = arith.constant 0 : i32
    %scan3A_156 = arith.constant 64 : i32
    %scan3A_157 = arith.addi %scan3A_155, %scan3A_156 : i32
    %scan3A_158 = arith.constant 1 : i32
    %scan3A_159:2 = scf.for %scan3A_533 = %scan3A_155 to %scan3A_157 step %scan3A_158 iter_args(%scan3A_534 = %broadcast_in_dim3A_154, %scan3A_535 = %broadcast_in_dim3A_154) -> (vector<16xf32>, vector<16xf32>)  : i32 {
      %broadcast_in_dim3A_536 = vector.broadcast %scan3A_533 : i32 to vector<16xi32>
      %gather3A = tpu.vector_load_idx %arg14[%add3A_152, %broadcast_in_dim3A_536] : memref<512x64xf32, #tpu.memory_space<vmem>>[vector<16xi32>, vector<16xi32>], vector<16xf32>,
      %gather3A_537 = tpu.vector_load_idx %arg15[%add3A_152, %broadcast_in_dim3A_536] : memref<512x64xf32, #tpu.memory_space<vmem>>[vector<16xi32>, vector<16xi32>], vector<16xf32>,
      %mul3A_538 = arith.mulf %gather3A, %gather3A_537 : vector<16xf32>
      %add3A_539 = arith.addf %scan3A_534, %mul3A_538 : vector<16xf32>
      %gather3A_540 = tpu.vector_load_idx %arg16[%add3A_152, %broadcast_in_dim3A_536] : memref<512x64xf32, #tpu.memory_space<vmem>>[vector<16xi32>, vector<16xi32>], vector<16xf32>,
      %mul3A_541 = arith.mulf %gather3A, %gather3A_540 : vector<16xf32>
      %add3A_542 = arith.addf %scan3A_535, %mul3A_541 : vector<16xf32>
      scf.yield %add3A_539, %add3A_542 : vector<16xf32>, vector<16xf32>
    }
    %scan3A_160 = arith.constant 64 : i32
    %swap3A_161 = arith.constant 128 : index
    %swap3A_162 = tpu.vector_load %arg18[%swap3A_161] {strides = array<i32>} : memref<512xf32, #tpu.memory_space<vmem>>, vector<16xf32>,
    tpu.vector_store %arg18[%swap3A_161], %scan3A_159#0 {strides = array<i32>} : memref<512xf32, #tpu.memory_space<vmem>>, vector<16xf32>,
    %swap3A_163 = arith.constant 128 : index
    %swap3A_164 = tpu.vector_load %arg19[%swap3A_163] {strides = array<i32>} : memref<512xf32, #tpu.memory_space<vmem>>, vector<16xf32>,
    tpu.vector_store %arg19[%swap3A_163], %scan3A_159#1 {strides = array<i32>} : memref<512xf32, #tpu.memory_space<vmem>>, vector<16xf32>,
    %iota3A_165 = tpu.iota {dimensions = array<i32: 0>} : vector<16xi32>
    %add3A_166 = arith.constant 144 : i32
    %add3A_167 = vector.broadcast %add3A_166 : i32 to vector<16xi32>
    %add3A_168 = arith.addi %add3A_167, %iota3A_165 : vector<16xi32>
    %broadcast_in_dim3A_169 = arith.constant 0.000000e+00 : f32
    %broadcast_in_dim3A_170 = vector.broadcast %broadcast_in_dim3A_169 : f32 to vector<16xf32>
    %scan3A_171 = arith.constant 0 : i32
    %scan3A_172 = arith.constant 64 : i32
    %scan3A_173 = arith.addi %scan3A_171, %scan3A_172 : i32
    %scan3A_174 = arith.constant 1 : i32
    %scan3A_175:2 = scf.for %scan3A_533 = %scan3A_171 to %scan3A_173 step %scan3A_174 iter_args(%scan3A_534 = %broadcast_in_dim3A_170, %scan3A_535 = %broadcast_in_dim3A_170) -> (vector<16xf32>, vector<16xf32>)  : i32 {
      %broadcast_in_dim3A_536 = vector.broadcast %scan3A_533 : i32 to vector<16xi32>
      %gather3A = tpu.vector_load_idx %arg14[%add3A_168, %broadcast_in_dim3A_536] : memref<512x64xf32, #tpu.memory_space<vmem>>[vector<16xi32>, vector<16xi32>], vector<16xf32>,
      %gather3A_537 = tpu.vector_load_idx %arg15[%add3A_168, %broadcast_in_dim3A_536] : memref<512x64xf32, #tpu.memory_space<vmem>>[vector<16xi32>, vector<16xi32>], vector<16xf32>,
      %mul3A_538 = arith.mulf %gather3A, %gather3A_537 : vector<16xf32>
      %add3A_539 = arith.addf %scan3A_534, %mul3A_538 : vector<16xf32>
      %gather3A_540 = tpu.vector_load_idx %arg16[%add3A_168, %broadcast_in_dim3A_536] : memref<512x64xf32, #tpu.memory_space<vmem>>[vector<16xi32>, vector<16xi32>], vector<16xf32>,
      %mul3A_541 = arith.mulf %gather3A, %gather3A_540 : vector<16xf32>
      %add3A_542 = arith.addf %scan3A_535, %mul3A_541 : vector<16xf32>
      scf.yield %add3A_539, %add3A_542 : vector<16xf32>, vector<16xf32>
    }
    %scan3A_176 = arith.constant 64 : i32
    %swap3A_177 = arith.constant 144 : index
    %swap3A_178 = tpu.vector_load %arg18[%swap3A_177] {strides = array<i32>} : memref<512xf32, #tpu.memory_space<vmem>>, vector<16xf32>,
    tpu.vector_store %arg18[%swap3A_177], %scan3A_175#0 {strides = array<i32>} : memref<512xf32, #tpu.memory_space<vmem>>, vector<16xf32>,
    %swap3A_179 = arith.constant 144 : index
    %swap3A_180 = tpu.vector_load %arg19[%swap3A_179] {strides = array<i32>} : memref<512xf32, #tpu.memory_space<vmem>>, vector<16xf32>,
    tpu.vector_store %arg19[%swap3A_179], %scan3A_175#1 {strides = array<i32>} : memref<512xf32, #tpu.memory_space<vmem>>, vector<16xf32>,
    %iota3A_181 = tpu.iota {dimensions = array<i32: 0>} : vector<16xi32>
    %add3A_182 = arith.constant 160 : i32
    %add3A_183 = vector.broadcast %add3A_182 : i32 to vector<16xi32>
    %add3A_184 = arith.addi %add3A_183, %iota3A_181 : vector<16xi32>
    %broadcast_in_dim3A_185 = arith.constant 0.000000e+00 : f32
    %broadcast_in_dim3A_186 = vector.broadcast %broadcast_in_dim3A_185 : f32 to vector<16xf32>
    %scan3A_187 = arith.constant 0 : i32
    %scan3A_188 = arith.constant 64 : i32
    %scan3A_189 = arith.addi %scan3A_187, %scan3A_188 : i32
    %scan3A_190 = arith.constant 1 : i32
    %scan3A_191:2 = scf.for %scan3A_533 = %scan3A_187 to %scan3A_189 step %scan3A_190 iter_args(%scan3A_534 = %broadcast_in_dim3A_186, %scan3A_535 = %broadcast_in_dim3A_186) -> (vector<16xf32>, vector<16xf32>)  : i32 {
      %broadcast_in_dim3A_536 = vector.broadcast %scan3A_533 : i32 to vector<16xi32>
      %gather3A = tpu.vector_load_idx %arg14[%add3A_184, %broadcast_in_dim3A_536] : memref<512x64xf32, #tpu.memory_space<vmem>>[vector<16xi32>, vector<16xi32>], vector<16xf32>,
      %gather3A_537 = tpu.vector_load_idx %arg15[%add3A_184, %broadcast_in_dim3A_536] : memref<512x64xf32, #tpu.memory_space<vmem>>[vector<16xi32>, vector<16xi32>], vector<16xf32>,
      %mul3A_538 = arith.mulf %gather3A, %gather3A_537 : vector<16xf32>
      %add3A_539 = arith.addf %scan3A_534, %mul3A_538 : vector<16xf32>
      %gather3A_540 = tpu.vector_load_idx %arg16[%add3A_184, %broadcast_in_dim3A_536] : memref<512x64xf32, #tpu.memory_space<vmem>>[vector<16xi32>, vector<16xi32>], vector<16xf32>,
      %mul3A_541 = arith.mulf %gather3A, %gather3A_540 : vector<16xf32>
      %add3A_542 = arith.addf %scan3A_535, %mul3A_541 : vector<16xf32>
      scf.yield %add3A_539, %add3A_542 : vector<16xf32>, vector<16xf32>
    }
    %scan3A_192 = arith.constant 64 : i32
    %swap3A_193 = arith.constant 160 : index
    %swap3A_194 = tpu.vector_load %arg18[%swap3A_193] {strides = array<i32>} : memref<512xf32, #tpu.memory_space<vmem>>, vector<16xf32>,
    tpu.vector_store %arg18[%swap3A_193], %scan3A_191#0 {strides = array<i32>} : memref<512xf32, #tpu.memory_space<vmem>>, vector<16xf32>,
    %swap3A_195 = arith.constant 160 : index
    %swap3A_196 = tpu.vector_load %arg19[%swap3A_195] {strides = array<i32>} : memref<512xf32, #tpu.memory_space<vmem>>, vector<16xf32>,
    tpu.vector_store %arg19[%swap3A_195], %scan3A_191#1 {strides = array<i32>} : memref<512xf32, #tpu.memory_space<vmem>>, vector<16xf32>,
    %iota3A_197 = tpu.iota {dimensions = array<i32: 0>} : vector<16xi32>
    %add3A_198 = arith.constant 176 : i32
    %add3A_199 = vector.broadcast %add3A_198 : i32 to vector<16xi32>
    %add3A_200 = arith.addi %add3A_199, %iota3A_197 : vector<16xi32>
    %broadcast_in_dim3A_201 = arith.constant 0.000000e+00 : f32
    %broadcast_in_dim3A_202 = vector.broadcast %broadcast_in_dim3A_201 : f32 to vector<16xf32>
    %scan3A_203 = arith.constant 0 : i32
    %scan3A_204 = arith.constant 64 : i32
    %scan3A_205 = arith.addi %scan3A_203, %scan3A_204 : i32
    %scan3A_206 = arith.constant 1 : i32
    %scan3A_207:2 = scf.for %scan3A_533 = %scan3A_203 to %scan3A_205 step %scan3A_206 iter_args(%scan3A_534 = %broadcast_in_dim3A_202, %scan3A_535 = %broadcast_in_dim3A_202) -> (vector<16xf32>, vector<16xf32>)  : i32 {
      %broadcast_in_dim3A_536 = vector.broadcast %scan3A_533 : i32 to vector<16xi32>
      %gather3A = tpu.vector_load_idx %arg14[%add3A_200, %broadcast_in_dim3A_536] : memref<512x64xf32, #tpu.memory_space<vmem>>[vector<16xi32>, vector<16xi32>], vector<16xf32>,
      %gather3A_537 = tpu.vector_load_idx %arg15[%add3A_200, %broadcast_in_dim3A_536] : memref<512x64xf32, #tpu.memory_space<vmem>>[vector<16xi32>, vector<16xi32>], vector<16xf32>,
      %mul3A_538 = arith.mulf %gather3A, %gather3A_537 : vector<16xf32>
      %add3A_539 = arith.addf %scan3A_534, %mul3A_538 : vector<16xf32>
      %gather3A_540 = tpu.vector_load_idx %arg16[%add3A_200, %broadcast_in_dim3A_536] : memref<512x64xf32, #tpu.memory_space<vmem>>[vector<16xi32>, vector<16xi32>], vector<16xf32>,
      %mul3A_541 = arith.mulf %gather3A, %gather3A_540 : vector<16xf32>
      %add3A_542 = arith.addf %scan3A_535, %mul3A_541 : vector<16xf32>
      scf.yield %add3A_539, %add3A_542 : vector<16xf32>, vector<16xf32>
    }
    %scan3A_208 = arith.constant 64 : i32
    %swap3A_209 = arith.constant 176 : index
    %swap3A_210 = tpu.vector_load %arg18[%swap3A_209] {strides = array<i32>} : memref<512xf32, #tpu.memory_space<vmem>>, vector<16xf32>,
    tpu.vector_store %arg18[%swap3A_209], %scan3A_207#0 {strides = array<i32>} : memref<512xf32, #tpu.memory_space<vmem>>, vector<16xf32>,
    %swap3A_211 = arith.constant 176 : index
    %swap3A_212 = tpu.vector_load %arg19[%swap3A_211] {strides = array<i32>} : memref<512xf32, #tpu.memory_space<vmem>>, vector<16xf32>,
    tpu.vector_store %arg19[%swap3A_211], %scan3A_207#1 {strides = array<i32>} : memref<512xf32, #tpu.memory_space<vmem>>, vector<16xf32>,
    %iota3A_213 = tpu.iota {dimensions = array<i32: 0>} : vector<16xi32>
    %add3A_214 = arith.constant 192 : i32
    %add3A_215 = vector.broadcast %add3A_214 : i32 to vector<16xi32>
    %add3A_216 = arith.addi %add3A_215, %iota3A_213 : vector<16xi32>
    %broadcast_in_dim3A_217 = arith.constant 0.000000e+00 : f32
    %broadcast_in_dim3A_218 = vector.broadcast %broadcast_in_dim3A_217 : f32 to vector<16xf32>
    %scan3A_219 = arith.constant 0 : i32
    %scan3A_220 = arith.constant 64 : i32
    %scan3A_221 = arith.addi %scan3A_219, %scan3A_220 : i32
    %scan3A_222 = arith.constant 1 : i32
    %scan3A_223:2 = scf.for %scan3A_533 = %scan3A_219 to %scan3A_221 step %scan3A_222 iter_args(%scan3A_534 = %broadcast_in_dim3A_218, %scan3A_535 = %broadcast_in_dim3A_218) -> (vector<16xf32>, vector<16xf32>)  : i32 {
      %broadcast_in_dim3A_536 = vector.broadcast %scan3A_533 : i32 to vector<16xi32>
      %gather3A = tpu.vector_load_idx %arg14[%add3A_216, %broadcast_in_dim3A_536] : memref<512x64xf32, #tpu.memory_space<vmem>>[vector<16xi32>, vector<16xi32>], vector<16xf32>,
      %gather3A_537 = tpu.vector_load_idx %arg15[%add3A_216, %broadcast_in_dim3A_536] : memref<512x64xf32, #tpu.memory_space<vmem>>[vector<16xi32>, vector<16xi32>], vector<16xf32>,
      %mul3A_538 = arith.mulf %gather3A, %gather3A_537 : vector<16xf32>
      %add3A_539 = arith.addf %scan3A_534, %mul3A_538 : vector<16xf32>
      %gather3A_540 = tpu.vector_load_idx %arg16[%add3A_216, %broadcast_in_dim3A_536] : memref<512x64xf32, #tpu.memory_space<vmem>>[vector<16xi32>, vector<16xi32>], vector<16xf32>,
      %mul3A_541 = arith.mulf %gather3A, %gather3A_540 : vector<16xf32>
      %add3A_542 = arith.addf %scan3A_535, %mul3A_541 : vector<16xf32>
      scf.yield %add3A_539, %add3A_542 : vector<16xf32>, vector<16xf32>
    }
    %scan3A_224 = arith.constant 64 : i32
    %swap3A_225 = arith.constant 192 : index
    %swap3A_226 = tpu.vector_load %arg18[%swap3A_225] {strides = array<i32>} : memref<512xf32, #tpu.memory_space<vmem>>, vector<16xf32>,
    tpu.vector_store %arg18[%swap3A_225], %scan3A_223#0 {strides = array<i32>} : memref<512xf32, #tpu.memory_space<vmem>>, vector<16xf32>,
    %swap3A_227 = arith.constant 192 : index
    %swap3A_228 = tpu.vector_load %arg19[%swap3A_227] {strides = array<i32>} : memref<512xf32, #tpu.memory_space<vmem>>, vector<16xf32>,
    tpu.vector_store %arg19[%swap3A_227], %scan3A_223#1 {strides = array<i32>} : memref<512xf32, #tpu.memory_space<vmem>>, vector<16xf32>,
    %iota3A_229 = tpu.iota {dimensions = array<i32: 0>} : vector<16xi32>
    %add3A_230 = arith.constant 208 : i32
    %add3A_231 = vector.broadcast %add3A_230 : i32 to vector<16xi32>
    %add3A_232 = arith.addi %add3A_231, %iota3A_229 : vector<16xi32>
    %broadcast_in_dim3A_233 = arith.constant 0.000000e+00 : f32
    %broadcast_in_dim3A_234 = vector.broadcast %broadcast_in_dim3A_233 : f32 to vector<16xf32>
    %scan3A_235 = arith.constant 0 : i32
    %scan3A_236 = arith.constant 64 : i32
    %scan3A_237 = arith.addi %scan3A_235, %scan3A_236 : i32
    %scan3A_238 = arith.constant 1 : i32
    %scan3A_239:2 = scf.for %scan3A_533 = %scan3A_235 to %scan3A_237 step %scan3A_238 iter_args(%scan3A_534 = %broadcast_in_dim3A_234, %scan3A_535 = %broadcast_in_dim3A_234) -> (vector<16xf32>, vector<16xf32>)  : i32 {
      %broadcast_in_dim3A_536 = vector.broadcast %scan3A_533 : i32 to vector<16xi32>
      %gather3A = tpu.vector_load_idx %arg14[%add3A_232, %broadcast_in_dim3A_536] : memref<512x64xf32, #tpu.memory_space<vmem>>[vector<16xi32>, vector<16xi32>], vector<16xf32>,
      %gather3A_537 = tpu.vector_load_idx %arg15[%add3A_232, %broadcast_in_dim3A_536] : memref<512x64xf32, #tpu.memory_space<vmem>>[vector<16xi32>, vector<16xi32>], vector<16xf32>,
      %mul3A_538 = arith.mulf %gather3A, %gather3A_537 : vector<16xf32>
      %add3A_539 = arith.addf %scan3A_534, %mul3A_538 : vector<16xf32>
      %gather3A_540 = tpu.vector_load_idx %arg16[%add3A_232, %broadcast_in_dim3A_536] : memref<512x64xf32, #tpu.memory_space<vmem>>[vector<16xi32>, vector<16xi32>], vector<16xf32>,
      %mul3A_541 = arith.mulf %gather3A, %gather3A_540 : vector<16xf32>
      %add3A_542 = arith.addf %scan3A_535, %mul3A_541 : vector<16xf32>
      scf.yield %add3A_539, %add3A_542 : vector<16xf32>, vector<16xf32>
    }
    %scan3A_240 = arith.constant 64 : i32
    %swap3A_241 = arith.constant 208 : index
    %swap3A_242 = tpu.vector_load %arg18[%swap3A_241] {strides = array<i32>} : memref<512xf32, #tpu.memory_space<vmem>>, vector<16xf32>,
    tpu.vector_store %arg18[%swap3A_241], %scan3A_239#0 {strides = array<i32>} : memref<512xf32, #tpu.memory_space<vmem>>, vector<16xf32>,
    %swap3A_243 = arith.constant 208 : index
    %swap3A_244 = tpu.vector_load %arg19[%swap3A_243] {strides = array<i32>} : memref<512xf32, #tpu.memory_space<vmem>>, vector<16xf32>,
    tpu.vector_store %arg19[%swap3A_243], %scan3A_239#1 {strides = array<i32>} : memref<512xf32, #tpu.memory_space<vmem>>, vector<16xf32>,
    %iota3A_245 = tpu.iota {dimensions = array<i32: 0>} : vector<16xi32>
    %add3A_246 = arith.constant 224 : i32
    %add3A_247 = vector.broadcast %add3A_246 : i32 to vector<16xi32>
    %add3A_248 = arith.addi %add3A_247, %iota3A_245 : vector<16xi32>
    %broadcast_in_dim3A_249 = arith.constant 0.000000e+00 : f32
    %broadcast_in_dim3A_250 = vector.broadcast %broadcast_in_dim3A_249 : f32 to vector<16xf32>
    %scan3A_251 = arith.constant 0 : i32
    %scan3A_252 = arith.constant 64 : i32
    %scan3A_253 = arith.addi %scan3A_251, %scan3A_252 : i32
    %scan3A_254 = arith.constant 1 : i32
    %scan3A_255:2 = scf.for %scan3A_533 = %scan3A_251 to %scan3A_253 step %scan3A_254 iter_args(%scan3A_534 = %broadcast_in_dim3A_250, %scan3A_535 = %broadcast_in_dim3A_250) -> (vector<16xf32>, vector<16xf32>)  : i32 {
      %broadcast_in_dim3A_536 = vector.broadcast %scan3A_533 : i32 to vector<16xi32>
      %gather3A = tpu.vector_load_idx %arg14[%add3A_248, %broadcast_in_dim3A_536] : memref<512x64xf32, #tpu.memory_space<vmem>>[vector<16xi32>, vector<16xi32>], vector<16xf32>,
      %gather3A_537 = tpu.vector_load_idx %arg15[%add3A_248, %broadcast_in_dim3A_536] : memref<512x64xf32, #tpu.memory_space<vmem>>[vector<16xi32>, vector<16xi32>], vector<16xf32>,
      %mul3A_538 = arith.mulf %gather3A, %gather3A_537 : vector<16xf32>
      %add3A_539 = arith.addf %scan3A_534, %mul3A_538 : vector<16xf32>
      %gather3A_540 = tpu.vector_load_idx %arg16[%add3A_248, %broadcast_in_dim3A_536] : memref<512x64xf32, #tpu.memory_space<vmem>>[vector<16xi32>, vector<16xi32>], vector<16xf32>,
      %mul3A_541 = arith.mulf %gather3A, %gather3A_540 : vector<16xf32>
      %add3A_542 = arith.addf %scan3A_535, %mul3A_541 : vector<16xf32>
      scf.yield %add3A_539, %add3A_542 : vector<16xf32>, vector<16xf32>
    }
    %scan3A_256 = arith.constant 64 : i32
    %swap3A_257 = arith.constant 224 : index
    %swap3A_258 = tpu.vector_load %arg18[%swap3A_257] {strides = array<i32>} : memref<512xf32, #tpu.memory_space<vmem>>, vector<16xf32>,
    tpu.vector_store %arg18[%swap3A_257], %scan3A_255#0 {strides = array<i32>} : memref<512xf32, #tpu.memory_space<vmem>>, vector<16xf32>,
    %swap3A_259 = arith.constant 224 : index
    %swap3A_260 = tpu.vector_load %arg19[%swap3A_259] {strides = array<i32>} : memref<512xf32, #tpu.memory_space<vmem>>, vector<16xf32>,
    tpu.vector_store %arg19[%swap3A_259], %scan3A_255#1 {strides = array<i32>} : memref<512xf32, #tpu.memory_space<vmem>>, vector<16xf32>,
    %iota3A_261 = tpu.iota {dimensions = array<i32: 0>} : vector<16xi32>
    %add3A_262 = arith.constant 240 : i32
    %add3A_263 = vector.broadcast %add3A_262 : i32 to vector<16xi32>
    %add3A_264 = arith.addi %add3A_263, %iota3A_261 : vector<16xi32>
    %broadcast_in_dim3A_265 = arith.constant 0.000000e+00 : f32
    %broadcast_in_dim3A_266 = vector.broadcast %broadcast_in_dim3A_265 : f32 to vector<16xf32>
    %scan3A_267 = arith.constant 0 : i32
    %scan3A_268 = arith.constant 64 : i32
    %scan3A_269 = arith.addi %scan3A_267, %scan3A_268 : i32
    %scan3A_270 = arith.constant 1 : i32
    %scan3A_271:2 = scf.for %scan3A_533 = %scan3A_267 to %scan3A_269 step %scan3A_270 iter_args(%scan3A_534 = %broadcast_in_dim3A_266, %scan3A_535 = %broadcast_in_dim3A_266) -> (vector<16xf32>, vector<16xf32>)  : i32 {
      %broadcast_in_dim3A_536 = vector.broadcast %scan3A_533 : i32 to vector<16xi32>
      %gather3A = tpu.vector_load_idx %arg14[%add3A_264, %broadcast_in_dim3A_536] : memref<512x64xf32, #tpu.memory_space<vmem>>[vector<16xi32>, vector<16xi32>], vector<16xf32>,
      %gather3A_537 = tpu.vector_load_idx %arg15[%add3A_264, %broadcast_in_dim3A_536] : memref<512x64xf32, #tpu.memory_space<vmem>>[vector<16xi32>, vector<16xi32>], vector<16xf32>,
      %mul3A_538 = arith.mulf %gather3A, %gather3A_537 : vector<16xf32>
      %add3A_539 = arith.addf %scan3A_534, %mul3A_538 : vector<16xf32>
      %gather3A_540 = tpu.vector_load_idx %arg16[%add3A_264, %broadcast_in_dim3A_536] : memref<512x64xf32, #tpu.memory_space<vmem>>[vector<16xi32>, vector<16xi32>], vector<16xf32>,
      %mul3A_541 = arith.mulf %gather3A, %gather3A_540 : vector<16xf32>
      %add3A_542 = arith.addf %scan3A_535, %mul3A_541 : vector<16xf32>
      scf.yield %add3A_539, %add3A_542 : vector<16xf32>, vector<16xf32>
    }
    %scan3A_272 = arith.constant 64 : i32
    %swap3A_273 = arith.constant 240 : index
    %swap3A_274 = tpu.vector_load %arg18[%swap3A_273] {strides = array<i32>} : memref<512xf32, #tpu.memory_space<vmem>>, vector<16xf32>,
    tpu.vector_store %arg18[%swap3A_273], %scan3A_271#0 {strides = array<i32>} : memref<512xf32, #tpu.memory_space<vmem>>, vector<16xf32>,
    %swap3A_275 = arith.constant 240 : index
    %swap3A_276 = tpu.vector_load %arg19[%swap3A_275] {strides = array<i32>} : memref<512xf32, #tpu.memory_space<vmem>>, vector<16xf32>,
    tpu.vector_store %arg19[%swap3A_275], %scan3A_271#1 {strides = array<i32>} : memref<512xf32, #tpu.memory_space<vmem>>, vector<16xf32>,
    %iota3A_277 = tpu.iota {dimensions = array<i32: 0>} : vector<16xi32>
    %add3A_278 = arith.constant 256 : i32
    %add3A_279 = vector.broadcast %add3A_278 : i32 to vector<16xi32>
    %add3A_280 = arith.addi %add3A_279, %iota3A_277 : vector<16xi32>
    %broadcast_in_dim3A_281 = arith.constant 0.000000e+00 : f32
    %broadcast_in_dim3A_282 = vector.broadcast %broadcast_in_dim3A_281 : f32 to vector<16xf32>
    %scan3A_283 = arith.constant 0 : i32
    %scan3A_284 = arith.constant 64 : i32
    %scan3A_285 = arith.addi %scan3A_283, %scan3A_284 : i32
    %scan3A_286 = arith.constant 1 : i32
    %scan3A_287:2 = scf.for %scan3A_533 = %scan3A_283 to %scan3A_285 step %scan3A_286 iter_args(%scan3A_534 = %broadcast_in_dim3A_282, %scan3A_535 = %broadcast_in_dim3A_282) -> (vector<16xf32>, vector<16xf32>)  : i32 {
      %broadcast_in_dim3A_536 = vector.broadcast %scan3A_533 : i32 to vector<16xi32>
      %gather3A = tpu.vector_load_idx %arg14[%add3A_280, %broadcast_in_dim3A_536] : memref<512x64xf32, #tpu.memory_space<vmem>>[vector<16xi32>, vector<16xi32>], vector<16xf32>,
      %gather3A_537 = tpu.vector_load_idx %arg15[%add3A_280, %broadcast_in_dim3A_536] : memref<512x64xf32, #tpu.memory_space<vmem>>[vector<16xi32>, vector<16xi32>], vector<16xf32>,
      %mul3A_538 = arith.mulf %gather3A, %gather3A_537 : vector<16xf32>
      %add3A_539 = arith.addf %scan3A_534, %mul3A_538 : vector<16xf32>
      %gather3A_540 = tpu.vector_load_idx %arg16[%add3A_280, %broadcast_in_dim3A_536] : memref<512x64xf32, #tpu.memory_space<vmem>>[vector<16xi32>, vector<16xi32>], vector<16xf32>,
      %mul3A_541 = arith.mulf %gather3A, %gather3A_540 : vector<16xf32>
      %add3A_542 = arith.addf %scan3A_535, %mul3A_541 : vector<16xf32>
      scf.yield %add3A_539, %add3A_542 : vector<16xf32>, vector<16xf32>
    }
    %scan3A_288 = arith.constant 64 : i32
    %swap3A_289 = arith.constant 256 : index
    %swap3A_290 = tpu.vector_load %arg18[%swap3A_289] {strides = array<i32>} : memref<512xf32, #tpu.memory_space<vmem>>, vector<16xf32>,
    tpu.vector_store %arg18[%swap3A_289], %scan3A_287#0 {strides = array<i32>} : memref<512xf32, #tpu.memory_space<vmem>>, vector<16xf32>,
    %swap3A_291 = arith.constant 256 : index
    %swap3A_292 = tpu.vector_load %arg19[%swap3A_291] {strides = array<i32>} : memref<512xf32, #tpu.memory_space<vmem>>, vector<16xf32>,
    tpu.vector_store %arg19[%swap3A_291], %scan3A_287#1 {strides = array<i32>} : memref<512xf32, #tpu.memory_space<vmem>>, vector<16xf32>,
    %iota3A_293 = tpu.iota {dimensions = array<i32: 0>} : vector<16xi32>
    %add3A_294 = arith.constant 272 : i32
    %add3A_295 = vector.broadcast %add3A_294 : i32 to vector<16xi32>
    %add3A_296 = arith.addi %add3A_295, %iota3A_293 : vector<16xi32>
    %broadcast_in_dim3A_297 = arith.constant 0.000000e+00 : f32
    %broadcast_in_dim3A_298 = vector.broadcast %broadcast_in_dim3A_297 : f32 to vector<16xf32>
    %scan3A_299 = arith.constant 0 : i32
    %scan3A_300 = arith.constant 64 : i32
    %scan3A_301 = arith.addi %scan3A_299, %scan3A_300 : i32
    %scan3A_302 = arith.constant 1 : i32
    %scan3A_303:2 = scf.for %scan3A_533 = %scan3A_299 to %scan3A_301 step %scan3A_302 iter_args(%scan3A_534 = %broadcast_in_dim3A_298, %scan3A_535 = %broadcast_in_dim3A_298) -> (vector<16xf32>, vector<16xf32>)  : i32 {
      %broadcast_in_dim3A_536 = vector.broadcast %scan3A_533 : i32 to vector<16xi32>
      %gather3A = tpu.vector_load_idx %arg14[%add3A_296, %broadcast_in_dim3A_536] : memref<512x64xf32, #tpu.memory_space<vmem>>[vector<16xi32>, vector<16xi32>], vector<16xf32>,
      %gather3A_537 = tpu.vector_load_idx %arg15[%add3A_296, %broadcast_in_dim3A_536] : memref<512x64xf32, #tpu.memory_space<vmem>>[vector<16xi32>, vector<16xi32>], vector<16xf32>,
      %mul3A_538 = arith.mulf %gather3A, %gather3A_537 : vector<16xf32>
      %add3A_539 = arith.addf %scan3A_534, %mul3A_538 : vector<16xf32>
      %gather3A_540 = tpu.vector_load_idx %arg16[%add3A_296, %broadcast_in_dim3A_536] : memref<512x64xf32, #tpu.memory_space<vmem>>[vector<16xi32>, vector<16xi32>], vector<16xf32>,
      %mul3A_541 = arith.mulf %gather3A, %gather3A_540 : vector<16xf32>
      %add3A_542 = arith.addf %scan3A_535, %mul3A_541 : vector<16xf32>
      scf.yield %add3A_539, %add3A_542 : vector<16xf32>, vector<16xf32>
    }
    %scan3A_304 = arith.constant 64 : i32
    %swap3A_305 = arith.constant 272 : index
    %swap3A_306 = tpu.vector_load %arg18[%swap3A_305] {strides = array<i32>} : memref<512xf32, #tpu.memory_space<vmem>>, vector<16xf32>,
    tpu.vector_store %arg18[%swap3A_305], %scan3A_303#0 {strides = array<i32>} : memref<512xf32, #tpu.memory_space<vmem>>, vector<16xf32>,
    %swap3A_307 = arith.constant 272 : index
    %swap3A_308 = tpu.vector_load %arg19[%swap3A_307] {strides = array<i32>} : memref<512xf32, #tpu.memory_space<vmem>>, vector<16xf32>,
    tpu.vector_store %arg19[%swap3A_307], %scan3A_303#1 {strides = array<i32>} : memref<512xf32, #tpu.memory_space<vmem>>, vector<16xf32>,
    %iota3A_309 = tpu.iota {dimensions = array<i32: 0>} : vector<16xi32>
    %add3A_310 = arith.constant 288 : i32
    %add3A_311 = vector.broadcast %add3A_310 : i32 to vector<16xi32>
    %add3A_312 = arith.addi %add3A_311, %iota3A_309 : vector<16xi32>
    %broadcast_in_dim3A_313 = arith.constant 0.000000e+00 : f32
    %broadcast_in_dim3A_314 = vector.broadcast %broadcast_in_dim3A_313 : f32 to vector<16xf32>
    %scan3A_315 = arith.constant 0 : i32
    %scan3A_316 = arith.constant 64 : i32
    %scan3A_317 = arith.addi %scan3A_315, %scan3A_316 : i32
    %scan3A_318 = arith.constant 1 : i32
    %scan3A_319:2 = scf.for %scan3A_533 = %scan3A_315 to %scan3A_317 step %scan3A_318 iter_args(%scan3A_534 = %broadcast_in_dim3A_314, %scan3A_535 = %broadcast_in_dim3A_314) -> (vector<16xf32>, vector<16xf32>)  : i32 {
      %broadcast_in_dim3A_536 = vector.broadcast %scan3A_533 : i32 to vector<16xi32>
      %gather3A = tpu.vector_load_idx %arg14[%add3A_312, %broadcast_in_dim3A_536] : memref<512x64xf32, #tpu.memory_space<vmem>>[vector<16xi32>, vector<16xi32>], vector<16xf32>,
      %gather3A_537 = tpu.vector_load_idx %arg15[%add3A_312, %broadcast_in_dim3A_536] : memref<512x64xf32, #tpu.memory_space<vmem>>[vector<16xi32>, vector<16xi32>], vector<16xf32>,
      %mul3A_538 = arith.mulf %gather3A, %gather3A_537 : vector<16xf32>
      %add3A_539 = arith.addf %scan3A_534, %mul3A_538 : vector<16xf32>
      %gather3A_540 = tpu.vector_load_idx %arg16[%add3A_312, %broadcast_in_dim3A_536] : memref<512x64xf32, #tpu.memory_space<vmem>>[vector<16xi32>, vector<16xi32>], vector<16xf32>,
      %mul3A_541 = arith.mulf %gather3A, %gather3A_540 : vector<16xf32>
      %add3A_542 = arith.addf %scan3A_535, %mul3A_541 : vector<16xf32>
      scf.yield %add3A_539, %add3A_542 : vector<16xf32>, vector<16xf32>
    }
    %scan3A_320 = arith.constant 64 : i32
    %swap3A_321 = arith.constant 288 : index
    %swap3A_322 = tpu.vector_load %arg18[%swap3A_321] {strides = array<i32>} : memref<512xf32, #tpu.memory_space<vmem>>, vector<16xf32>,
    tpu.vector_store %arg18[%swap3A_321], %scan3A_319#0 {strides = array<i32>} : memref<512xf32, #tpu.memory_space<vmem>>, vector<16xf32>,
    %swap3A_323 = arith.constant 288 : index
    %swap3A_324 = tpu.vector_load %arg19[%swap3A_323] {strides = array<i32>} : memref<512xf32, #tpu.memory_space<vmem>>, vector<16xf32>,
    tpu.vector_store %arg19[%swap3A_323], %scan3A_319#1 {strides = array<i32>} : memref<512xf32, #tpu.memory_space<vmem>>, vector<16xf32>,
    %iota3A_325 = tpu.iota {dimensions = array<i32: 0>} : vector<16xi32>
    %add3A_326 = arith.constant 304 : i32
    %add3A_327 = vector.broadcast %add3A_326 : i32 to vector<16xi32>
    %add3A_328 = arith.addi %add3A_327, %iota3A_325 : vector<16xi32>
    %broadcast_in_dim3A_329 = arith.constant 0.000000e+00 : f32
    %broadcast_in_dim3A_330 = vector.broadcast %broadcast_in_dim3A_329 : f32 to vector<16xf32>
    %scan3A_331 = arith.constant 0 : i32
    %scan3A_332 = arith.constant 64 : i32
    %scan3A_333 = arith.addi %scan3A_331, %scan3A_332 : i32
    %scan3A_334 = arith.constant 1 : i32
    %scan3A_335:2 = scf.for %scan3A_533 = %scan3A_331 to %scan3A_333 step %scan3A_334 iter_args(%scan3A_534 = %broadcast_in_dim3A_330, %scan3A_535 = %broadcast_in_dim3A_330) -> (vector<16xf32>, vector<16xf32>)  : i32 {
      %broadcast_in_dim3A_536 = vector.broadcast %scan3A_533 : i32 to vector<16xi32>
      %gather3A = tpu.vector_load_idx %arg14[%add3A_328, %broadcast_in_dim3A_536] : memref<512x64xf32, #tpu.memory_space<vmem>>[vector<16xi32>, vector<16xi32>], vector<16xf32>,
      %gather3A_537 = tpu.vector_load_idx %arg15[%add3A_328, %broadcast_in_dim3A_536] : memref<512x64xf32, #tpu.memory_space<vmem>>[vector<16xi32>, vector<16xi32>], vector<16xf32>,
      %mul3A_538 = arith.mulf %gather3A, %gather3A_537 : vector<16xf32>
      %add3A_539 = arith.addf %scan3A_534, %mul3A_538 : vector<16xf32>
      %gather3A_540 = tpu.vector_load_idx %arg16[%add3A_328, %broadcast_in_dim3A_536] : memref<512x64xf32, #tpu.memory_space<vmem>>[vector<16xi32>, vector<16xi32>], vector<16xf32>,
      %mul3A_541 = arith.mulf %gather3A, %gather3A_540 : vector<16xf32>
      %add3A_542 = arith.addf %scan3A_535, %mul3A_541 : vector<16xf32>
      scf.yield %add3A_539, %add3A_542 : vector<16xf32>, vector<16xf32>
    }
    %scan3A_336 = arith.constant 64 : i32
    %swap3A_337 = arith.constant 304 : index
    %swap3A_338 = tpu.vector_load %arg18[%swap3A_337] {strides = array<i32>} : memref<512xf32, #tpu.memory_space<vmem>>, vector<16xf32>,
    tpu.vector_store %arg18[%swap3A_337], %scan3A_335#0 {strides = array<i32>} : memref<512xf32, #tpu.memory_space<vmem>>, vector<16xf32>,
    %swap3A_339 = arith.constant 304 : index
    %swap3A_340 = tpu.vector_load %arg19[%swap3A_339] {strides = array<i32>} : memref<512xf32, #tpu.memory_space<vmem>>, vector<16xf32>,
    tpu.vector_store %arg19[%swap3A_339], %scan3A_335#1 {strides = array<i32>} : memref<512xf32, #tpu.memory_space<vmem>>, vector<16xf32>,
    %iota3A_341 = tpu.iota {dimensions = array<i32: 0>} : vector<16xi32>
    %add3A_342 = arith.constant 320 : i32
    %add3A_343 = vector.broadcast %add3A_342 : i32 to vector<16xi32>
    %add3A_344 = arith.addi %add3A_343, %iota3A_341 : vector<16xi32>
    %broadcast_in_dim3A_345 = arith.constant 0.000000e+00 : f32
    %broadcast_in_dim3A_346 = vector.broadcast %broadcast_in_dim3A_345 : f32 to vector<16xf32>
    %scan3A_347 = arith.constant 0 : i32
    %scan3A_348 = arith.constant 64 : i32
    %scan3A_349 = arith.addi %scan3A_347, %scan3A_348 : i32
    %scan3A_350 = arith.constant 1 : i32
    %scan3A_351:2 = scf.for %scan3A_533 = %scan3A_347 to %scan3A_349 step %scan3A_350 iter_args(%scan3A_534 = %broadcast_in_dim3A_346, %scan3A_535 = %broadcast_in_dim3A_346) -> (vector<16xf32>, vector<16xf32>)  : i32 {
      %broadcast_in_dim3A_536 = vector.broadcast %scan3A_533 : i32 to vector<16xi32>
      %gather3A = tpu.vector_load_idx %arg14[%add3A_344, %broadcast_in_dim3A_536] : memref<512x64xf32, #tpu.memory_space<vmem>>[vector<16xi32>, vector<16xi32>], vector<16xf32>,
      %gather3A_537 = tpu.vector_load_idx %arg15[%add3A_344, %broadcast_in_dim3A_536] : memref<512x64xf32, #tpu.memory_space<vmem>>[vector<16xi32>, vector<16xi32>], vector<16xf32>,
      %mul3A_538 = arith.mulf %gather3A, %gather3A_537 : vector<16xf32>
      %add3A_539 = arith.addf %scan3A_534, %mul3A_538 : vector<16xf32>
      %gather3A_540 = tpu.vector_load_idx %arg16[%add3A_344, %broadcast_in_dim3A_536] : memref<512x64xf32, #tpu.memory_space<vmem>>[vector<16xi32>, vector<16xi32>], vector<16xf32>,
      %mul3A_541 = arith.mulf %gather3A, %gather3A_540 : vector<16xf32>
      %add3A_542 = arith.addf %scan3A_535, %mul3A_541 : vector<16xf32>
      scf.yield %add3A_539, %add3A_542 : vector<16xf32>, vector<16xf32>
    }
    %scan3A_352 = arith.constant 64 : i32
    %swap3A_353 = arith.constant 320 : index
    %swap3A_354 = tpu.vector_load %arg18[%swap3A_353] {strides = array<i32>} : memref<512xf32, #tpu.memory_space<vmem>>, vector<16xf32>,
    tpu.vector_store %arg18[%swap3A_353], %scan3A_351#0 {strides = array<i32>} : memref<512xf32, #tpu.memory_space<vmem>>, vector<16xf32>,
    %swap3A_355 = arith.constant 320 : index
    %swap3A_356 = tpu.vector_load %arg19[%swap3A_355] {strides = array<i32>} : memref<512xf32, #tpu.memory_space<vmem>>, vector<16xf32>,
    tpu.vector_store %arg19[%swap3A_355], %scan3A_351#1 {strides = array<i32>} : memref<512xf32, #tpu.memory_space<vmem>>, vector<16xf32>,
    %iota3A_357 = tpu.iota {dimensions = array<i32: 0>} : vector<16xi32>
    %add3A_358 = arith.constant 336 : i32
    %add3A_359 = vector.broadcast %add3A_358 : i32 to vector<16xi32>
    %add3A_360 = arith.addi %add3A_359, %iota3A_357 : vector<16xi32>
    %broadcast_in_dim3A_361 = arith.constant 0.000000e+00 : f32
    %broadcast_in_dim3A_362 = vector.broadcast %broadcast_in_dim3A_361 : f32 to vector<16xf32>
    %scan3A_363 = arith.constant 0 : i32
    %scan3A_364 = arith.constant 64 : i32
    %scan3A_365 = arith.addi %scan3A_363, %scan3A_364 : i32
    %scan3A_366 = arith.constant 1 : i32
    %scan3A_367:2 = scf.for %scan3A_533 = %scan3A_363 to %scan3A_365 step %scan3A_366 iter_args(%scan3A_534 = %broadcast_in_dim3A_362, %scan3A_535 = %broadcast_in_dim3A_362) -> (vector<16xf32>, vector<16xf32>)  : i32 {
      %broadcast_in_dim3A_536 = vector.broadcast %scan3A_533 : i32 to vector<16xi32>
      %gather3A = tpu.vector_load_idx %arg14[%add3A_360, %broadcast_in_dim3A_536] : memref<512x64xf32, #tpu.memory_space<vmem>>[vector<16xi32>, vector<16xi32>], vector<16xf32>,
      %gather3A_537 = tpu.vector_load_idx %arg15[%add3A_360, %broadcast_in_dim3A_536] : memref<512x64xf32, #tpu.memory_space<vmem>>[vector<16xi32>, vector<16xi32>], vector<16xf32>,
      %mul3A_538 = arith.mulf %gather3A, %gather3A_537 : vector<16xf32>
      %add3A_539 = arith.addf %scan3A_534, %mul3A_538 : vector<16xf32>
      %gather3A_540 = tpu.vector_load_idx %arg16[%add3A_360, %broadcast_in_dim3A_536] : memref<512x64xf32, #tpu.memory_space<vmem>>[vector<16xi32>, vector<16xi32>], vector<16xf32>,
      %mul3A_541 = arith.mulf %gather3A, %gather3A_540 : vector<16xf32>
      %add3A_542 = arith.addf %scan3A_535, %mul3A_541 : vector<16xf32>
      scf.yield %add3A_539, %add3A_542 : vector<16xf32>, vector<16xf32>
    }
    %scan3A_368 = arith.constant 64 : i32
    %swap3A_369 = arith.constant 336 : index
    %swap3A_370 = tpu.vector_load %arg18[%swap3A_369] {strides = array<i32>} : memref<512xf32, #tpu.memory_space<vmem>>, vector<16xf32>,
    tpu.vector_store %arg18[%swap3A_369], %scan3A_367#0 {strides = array<i32>} : memref<512xf32, #tpu.memory_space<vmem>>, vector<16xf32>,
    %swap3A_371 = arith.constant 336 : index
    %swap3A_372 = tpu.vector_load %arg19[%swap3A_371] {strides = array<i32>} : memref<512xf32, #tpu.memory_space<vmem>>, vector<16xf32>,
    tpu.vector_store %arg19[%swap3A_371], %scan3A_367#1 {strides = array<i32>} : memref<512xf32, #tpu.memory_space<vmem>>, vector<16xf32>,
    %iota3A_373 = tpu.iota {dimensions = array<i32: 0>} : vector<16xi32>
    %add3A_374 = arith.constant 352 : i32
    %add3A_375 = vector.broadcast %add3A_374 : i32 to vector<16xi32>
    %add3A_376 = arith.addi %add3A_375, %iota3A_373 : vector<16xi32>
    %broadcast_in_dim3A_377 = arith.constant 0.000000e+00 : f32
    %broadcast_in_dim3A_378 = vector.broadcast %broadcast_in_dim3A_377 : f32 to vector<16xf32>
    %scan3A_379 = arith.constant 0 : i32
    %scan3A_380 = arith.constant 64 : i32
    %scan3A_381 = arith.addi %scan3A_379, %scan3A_380 : i32
    %scan3A_382 = arith.constant 1 : i32
    %scan3A_383:2 = scf.for %scan3A_533 = %scan3A_379 to %scan3A_381 step %scan3A_382 iter_args(%scan3A_534 = %broadcast_in_dim3A_378, %scan3A_535 = %broadcast_in_dim3A_378) -> (vector<16xf32>, vector<16xf32>)  : i32 {
      %broadcast_in_dim3A_536 = vector.broadcast %scan3A_533 : i32 to vector<16xi32>
      %gather3A = tpu.vector_load_idx %arg14[%add3A_376, %broadcast_in_dim3A_536] : memref<512x64xf32, #tpu.memory_space<vmem>>[vector<16xi32>, vector<16xi32>], vector<16xf32>,
      %gather3A_537 = tpu.vector_load_idx %arg15[%add3A_376, %broadcast_in_dim3A_536] : memref<512x64xf32, #tpu.memory_space<vmem>>[vector<16xi32>, vector<16xi32>], vector<16xf32>,
      %mul3A_538 = arith.mulf %gather3A, %gather3A_537 : vector<16xf32>
      %add3A_539 = arith.addf %scan3A_534, %mul3A_538 : vector<16xf32>
      %gather3A_540 = tpu.vector_load_idx %arg16[%add3A_376, %broadcast_in_dim3A_536] : memref<512x64xf32, #tpu.memory_space<vmem>>[vector<16xi32>, vector<16xi32>], vector<16xf32>,
      %mul3A_541 = arith.mulf %gather3A, %gather3A_540 : vector<16xf32>
      %add3A_542 = arith.addf %scan3A_535, %mul3A_541 : vector<16xf32>
      scf.yield %add3A_539, %add3A_542 : vector<16xf32>, vector<16xf32>
    }
    %scan3A_384 = arith.constant 64 : i32
    %swap3A_385 = arith.constant 352 : index
    %swap3A_386 = tpu.vector_load %arg18[%swap3A_385] {strides = array<i32>} : memref<512xf32, #tpu.memory_space<vmem>>, vector<16xf32>,
    tpu.vector_store %arg18[%swap3A_385], %scan3A_383#0 {strides = array<i32>} : memref<512xf32, #tpu.memory_space<vmem>>, vector<16xf32>,
    %swap3A_387 = arith.constant 352 : index
    %swap3A_388 = tpu.vector_load %arg19[%swap3A_387] {strides = array<i32>} : memref<512xf32, #tpu.memory_space<vmem>>, vector<16xf32>,
    tpu.vector_store %arg19[%swap3A_387], %scan3A_383#1 {strides = array<i32>} : memref<512xf32, #tpu.memory_space<vmem>>, vector<16xf32>,
    %iota3A_389 = tpu.iota {dimensions = array<i32: 0>} : vector<16xi32>
    %add3A_390 = arith.constant 368 : i32
    %add3A_391 = vector.broadcast %add3A_390 : i32 to vector<16xi32>
    %add3A_392 = arith.addi %add3A_391, %iota3A_389 : vector<16xi32>
    %broadcast_in_dim3A_393 = arith.constant 0.000000e+00 : f32
    %broadcast_in_dim3A_394 = vector.broadcast %broadcast_in_dim3A_393 : f32 to vector<16xf32>
    %scan3A_395 = arith.constant 0 : i32
    %scan3A_396 = arith.constant 64 : i32
    %scan3A_397 = arith.addi %scan3A_395, %scan3A_396 : i32
    %scan3A_398 = arith.constant 1 : i32
    %scan3A_399:2 = scf.for %scan3A_533 = %scan3A_395 to %scan3A_397 step %scan3A_398 iter_args(%scan3A_534 = %broadcast_in_dim3A_394, %scan3A_535 = %broadcast_in_dim3A_394) -> (vector<16xf32>, vector<16xf32>)  : i32 {
      %broadcast_in_dim3A_536 = vector.broadcast %scan3A_533 : i32 to vector<16xi32>
      %gather3A = tpu.vector_load_idx %arg14[%add3A_392, %broadcast_in_dim3A_536] : memref<512x64xf32, #tpu.memory_space<vmem>>[vector<16xi32>, vector<16xi32>], vector<16xf32>,
      %gather3A_537 = tpu.vector_load_idx %arg15[%add3A_392, %broadcast_in_dim3A_536] : memref<512x64xf32, #tpu.memory_space<vmem>>[vector<16xi32>, vector<16xi32>], vector<16xf32>,
      %mul3A_538 = arith.mulf %gather3A, %gather3A_537 : vector<16xf32>
      %add3A_539 = arith.addf %scan3A_534, %mul3A_538 : vector<16xf32>
      %gather3A_540 = tpu.vector_load_idx %arg16[%add3A_392, %broadcast_in_dim3A_536] : memref<512x64xf32, #tpu.memory_space<vmem>>[vector<16xi32>, vector<16xi32>], vector<16xf32>,
      %mul3A_541 = arith.mulf %gather3A, %gather3A_540 : vector<16xf32>
      %add3A_542 = arith.addf %scan3A_535, %mul3A_541 : vector<16xf32>
      scf.yield %add3A_539, %add3A_542 : vector<16xf32>, vector<16xf32>
    }
    %scan3A_400 = arith.constant 64 : i32
    %swap3A_401 = arith.constant 368 : index
    %swap3A_402 = tpu.vector_load %arg18[%swap3A_401] {strides = array<i32>} : memref<512xf32, #tpu.memory_space<vmem>>, vector<16xf32>,
    tpu.vector_store %arg18[%swap3A_401], %scan3A_399#0 {strides = array<i32>} : memref<512xf32, #tpu.memory_space<vmem>>, vector<16xf32>,
    %swap3A_403 = arith.constant 368 : index
    %swap3A_404 = tpu.vector_load %arg19[%swap3A_403] {strides = array<i32>} : memref<512xf32, #tpu.memory_space<vmem>>, vector<16xf32>,
    tpu.vector_store %arg19[%swap3A_403], %scan3A_399#1 {strides = array<i32>} : memref<512xf32, #tpu.memory_space<vmem>>, vector<16xf32>,
    %iota3A_405 = tpu.iota {dimensions = array<i32: 0>} : vector<16xi32>
    %add3A_406 = arith.constant 384 : i32
    %add3A_407 = vector.broadcast %add3A_406 : i32 to vector<16xi32>
    %add3A_408 = arith.addi %add3A_407, %iota3A_405 : vector<16xi32>
    %broadcast_in_dim3A_409 = arith.constant 0.000000e+00 : f32
    %broadcast_in_dim3A_410 = vector.broadcast %broadcast_in_dim3A_409 : f32 to vector<16xf32>
    %scan3A_411 = arith.constant 0 : i32
    %scan3A_412 = arith.constant 64 : i32
    %scan3A_413 = arith.addi %scan3A_411, %scan3A_412 : i32
    %scan3A_414 = arith.constant 1 : i32
    %scan3A_415:2 = scf.for %scan3A_533 = %scan3A_411 to %scan3A_413 step %scan3A_414 iter_args(%scan3A_534 = %broadcast_in_dim3A_410, %scan3A_535 = %broadcast_in_dim3A_410) -> (vector<16xf32>, vector<16xf32>)  : i32 {
      %broadcast_in_dim3A_536 = vector.broadcast %scan3A_533 : i32 to vector<16xi32>
      %gather3A = tpu.vector_load_idx %arg14[%add3A_408, %broadcast_in_dim3A_536] : memref<512x64xf32, #tpu.memory_space<vmem>>[vector<16xi32>, vector<16xi32>], vector<16xf32>,
      %gather3A_537 = tpu.vector_load_idx %arg15[%add3A_408, %broadcast_in_dim3A_536] : memref<512x64xf32, #tpu.memory_space<vmem>>[vector<16xi32>, vector<16xi32>], vector<16xf32>,
      %mul3A_538 = arith.mulf %gather3A, %gather3A_537 : vector<16xf32>
      %add3A_539 = arith.addf %scan3A_534, %mul3A_538 : vector<16xf32>
      %gather3A_540 = tpu.vector_load_idx %arg16[%add3A_408, %broadcast_in_dim3A_536] : memref<512x64xf32, #tpu.memory_space<vmem>>[vector<16xi32>, vector<16xi32>], vector<16xf32>,
      %mul3A_541 = arith.mulf %gather3A, %gather3A_540 : vector<16xf32>
      %add3A_542 = arith.addf %scan3A_535, %mul3A_541 : vector<16xf32>
      scf.yield %add3A_539, %add3A_542 : vector<16xf32>, vector<16xf32>
    }
    %scan3A_416 = arith.constant 64 : i32
    %swap3A_417 = arith.constant 384 : index
    %swap3A_418 = tpu.vector_load %arg18[%swap3A_417] {strides = array<i32>} : memref<512xf32, #tpu.memory_space<vmem>>, vector<16xf32>,
    tpu.vector_store %arg18[%swap3A_417], %scan3A_415#0 {strides = array<i32>} : memref<512xf32, #tpu.memory_space<vmem>>, vector<16xf32>,
    %swap3A_419 = arith.constant 384 : index
    %swap3A_420 = tpu.vector_load %arg19[%swap3A_419] {strides = array<i32>} : memref<512xf32, #tpu.memory_space<vmem>>, vector<16xf32>,
    tpu.vector_store %arg19[%swap3A_419], %scan3A_415#1 {strides = array<i32>} : memref<512xf32, #tpu.memory_space<vmem>>, vector<16xf32>,
    %iota3A_421 = tpu.iota {dimensions = array<i32: 0>} : vector<16xi32>
    %add3A_422 = arith.constant 400 : i32
    %add3A_423 = vector.broadcast %add3A_422 : i32 to vector<16xi32>
    %add3A_424 = arith.addi %add3A_423, %iota3A_421 : vector<16xi32>
    %broadcast_in_dim3A_425 = arith.constant 0.000000e+00 : f32
    %broadcast_in_dim3A_426 = vector.broadcast %broadcast_in_dim3A_425 : f32 to vector<16xf32>
    %scan3A_427 = arith.constant 0 : i32
    %scan3A_428 = arith.constant 64 : i32
    %scan3A_429 = arith.addi %scan3A_427, %scan3A_428 : i32
    %scan3A_430 = arith.constant 1 : i32
    %scan3A_431:2 = scf.for %scan3A_533 = %scan3A_427 to %scan3A_429 step %scan3A_430 iter_args(%scan3A_534 = %broadcast_in_dim3A_426, %scan3A_535 = %broadcast_in_dim3A_426) -> (vector<16xf32>, vector<16xf32>)  : i32 {
      %broadcast_in_dim3A_536 = vector.broadcast %scan3A_533 : i32 to vector<16xi32>
      %gather3A = tpu.vector_load_idx %arg14[%add3A_424, %broadcast_in_dim3A_536] : memref<512x64xf32, #tpu.memory_space<vmem>>[vector<16xi32>, vector<16xi32>], vector<16xf32>,
      %gather3A_537 = tpu.vector_load_idx %arg15[%add3A_424, %broadcast_in_dim3A_536] : memref<512x64xf32, #tpu.memory_space<vmem>>[vector<16xi32>, vector<16xi32>], vector<16xf32>,
      %mul3A_538 = arith.mulf %gather3A, %gather3A_537 : vector<16xf32>
      %add3A_539 = arith.addf %scan3A_534, %mul3A_538 : vector<16xf32>
      %gather3A_540 = tpu.vector_load_idx %arg16[%add3A_424, %broadcast_in_dim3A_536] : memref<512x64xf32, #tpu.memory_space<vmem>>[vector<16xi32>, vector<16xi32>], vector<16xf32>,
      %mul3A_541 = arith.mulf %gather3A, %gather3A_540 : vector<16xf32>
      %add3A_542 = arith.addf %scan3A_535, %mul3A_541 : vector<16xf32>
      scf.yield %add3A_539, %add3A_542 : vector<16xf32>, vector<16xf32>
    }
    %scan3A_432 = arith.constant 64 : i32
    %swap3A_433 = arith.constant 400 : index
    %swap3A_434 = tpu.vector_load %arg18[%swap3A_433] {strides = array<i32>} : memref<512xf32, #tpu.memory_space<vmem>>, vector<16xf32>,
    tpu.vector_store %arg18[%swap3A_433], %scan3A_431#0 {strides = array<i32>} : memref<512xf32, #tpu.memory_space<vmem>>, vector<16xf32>,
    %swap3A_435 = arith.constant 400 : index
    %swap3A_436 = tpu.vector_load %arg19[%swap3A_435] {strides = array<i32>} : memref<512xf32, #tpu.memory_space<vmem>>, vector<16xf32>,
    tpu.vector_store %arg19[%swap3A_435], %scan3A_431#1 {strides = array<i32>} : memref<512xf32, #tpu.memory_space<vmem>>, vector<16xf32>,
    %iota3A_437 = tpu.iota {dimensions = array<i32: 0>} : vector<16xi32>
    %add3A_438 = arith.constant 416 : i32
    %add3A_439 = vector.broadcast %add3A_438 : i32 to vector<16xi32>
    %add3A_440 = arith.addi %add3A_439, %iota3A_437 : vector<16xi32>
    %broadcast_in_dim3A_441 = arith.constant 0.000000e+00 : f32
    %broadcast_in_dim3A_442 = vector.broadcast %broadcast_in_dim3A_441 : f32 to vector<16xf32>
    %scan3A_443 = arith.constant 0 : i32
    %scan3A_444 = arith.constant 64 : i32
    %scan3A_445 = arith.addi %scan3A_443, %scan3A_444 : i32
    %scan3A_446 = arith.constant 1 : i32
    %scan3A_447:2 = scf.for %scan3A_533 = %scan3A_443 to %scan3A_445 step %scan3A_446 iter_args(%scan3A_534 = %broadcast_in_dim3A_442, %scan3A_535 = %broadcast_in_dim3A_442) -> (vector<16xf32>, vector<16xf32>)  : i32 {
      %broadcast_in_dim3A_536 = vector.broadcast %scan3A_533 : i32 to vector<16xi32>
      %gather3A = tpu.vector_load_idx %arg14[%add3A_440, %broadcast_in_dim3A_536] : memref<512x64xf32, #tpu.memory_space<vmem>>[vector<16xi32>, vector<16xi32>], vector<16xf32>,
      %gather3A_537 = tpu.vector_load_idx %arg15[%add3A_440, %broadcast_in_dim3A_536] : memref<512x64xf32, #tpu.memory_space<vmem>>[vector<16xi32>, vector<16xi32>], vector<16xf32>,
      %mul3A_538 = arith.mulf %gather3A, %gather3A_537 : vector<16xf32>
      %add3A_539 = arith.addf %scan3A_534, %mul3A_538 : vector<16xf32>
      %gather3A_540 = tpu.vector_load_idx %arg16[%add3A_440, %broadcast_in_dim3A_536] : memref<512x64xf32, #tpu.memory_space<vmem>>[vector<16xi32>, vector<16xi32>], vector<16xf32>,
      %mul3A_541 = arith.mulf %gather3A, %gather3A_540 : vector<16xf32>
      %add3A_542 = arith.addf %scan3A_535, %mul3A_541 : vector<16xf32>
      scf.yield %add3A_539, %add3A_542 : vector<16xf32>, vector<16xf32>
    }
    %scan3A_448 = arith.constant 64 : i32
    %swap3A_449 = arith.constant 416 : index
    %swap3A_450 = tpu.vector_load %arg18[%swap3A_449] {strides = array<i32>} : memref<512xf32, #tpu.memory_space<vmem>>, vector<16xf32>,
    tpu.vector_store %arg18[%swap3A_449], %scan3A_447#0 {strides = array<i32>} : memref<512xf32, #tpu.memory_space<vmem>>, vector<16xf32>,
    %swap3A_451 = arith.constant 416 : index
    %swap3A_452 = tpu.vector_load %arg19[%swap3A_451] {strides = array<i32>} : memref<512xf32, #tpu.memory_space<vmem>>, vector<16xf32>,
    tpu.vector_store %arg19[%swap3A_451], %scan3A_447#1 {strides = array<i32>} : memref<512xf32, #tpu.memory_space<vmem>>, vector<16xf32>,
    %iota3A_453 = tpu.iota {dimensions = array<i32: 0>} : vector<16xi32>
    %add3A_454 = arith.constant 432 : i32
    %add3A_455 = vector.broadcast %add3A_454 : i32 to vector<16xi32>
    %add3A_456 = arith.addi %add3A_455, %iota3A_453 : vector<16xi32>
    %broadcast_in_dim3A_457 = arith.constant 0.000000e+00 : f32
    %broadcast_in_dim3A_458 = vector.broadcast %broadcast_in_dim3A_457 : f32 to vector<16xf32>
    %scan3A_459 = arith.constant 0 : i32
    %scan3A_460 = arith.constant 64 : i32
    %scan3A_461 = arith.addi %scan3A_459, %scan3A_460 : i32
    %scan3A_462 = arith.constant 1 : i32
    %scan3A_463:2 = scf.for %scan3A_533 = %scan3A_459 to %scan3A_461 step %scan3A_462 iter_args(%scan3A_534 = %broadcast_in_dim3A_458, %scan3A_535 = %broadcast_in_dim3A_458) -> (vector<16xf32>, vector<16xf32>)  : i32 {
      %broadcast_in_dim3A_536 = vector.broadcast %scan3A_533 : i32 to vector<16xi32>
      %gather3A = tpu.vector_load_idx %arg14[%add3A_456, %broadcast_in_dim3A_536] : memref<512x64xf32, #tpu.memory_space<vmem>>[vector<16xi32>, vector<16xi32>], vector<16xf32>,
      %gather3A_537 = tpu.vector_load_idx %arg15[%add3A_456, %broadcast_in_dim3A_536] : memref<512x64xf32, #tpu.memory_space<vmem>>[vector<16xi32>, vector<16xi32>], vector<16xf32>,
      %mul3A_538 = arith.mulf %gather3A, %gather3A_537 : vector<16xf32>
      %add3A_539 = arith.addf %scan3A_534, %mul3A_538 : vector<16xf32>
      %gather3A_540 = tpu.vector_load_idx %arg16[%add3A_456, %broadcast_in_dim3A_536] : memref<512x64xf32, #tpu.memory_space<vmem>>[vector<16xi32>, vector<16xi32>], vector<16xf32>,
      %mul3A_541 = arith.mulf %gather3A, %gather3A_540 : vector<16xf32>
      %add3A_542 = arith.addf %scan3A_535, %mul3A_541 : vector<16xf32>
      scf.yield %add3A_539, %add3A_542 : vector<16xf32>, vector<16xf32>
    }
    %scan3A_464 = arith.constant 64 : i32
    %swap3A_465 = arith.constant 432 : index
    %swap3A_466 = tpu.vector_load %arg18[%swap3A_465] {strides = array<i32>} : memref<512xf32, #tpu.memory_space<vmem>>, vector<16xf32>,
    tpu.vector_store %arg18[%swap3A_465], %scan3A_463#0 {strides = array<i32>} : memref<512xf32, #tpu.memory_space<vmem>>, vector<16xf32>,
    %swap3A_467 = arith.constant 432 : index
    %swap3A_468 = tpu.vector_load %arg19[%swap3A_467] {strides = array<i32>} : memref<512xf32, #tpu.memory_space<vmem>>, vector<16xf32>,
    tpu.vector_store %arg19[%swap3A_467], %scan3A_463#1 {strides = array<i32>} : memref<512xf32, #tpu.memory_space<vmem>>, vector<16xf32>,
    %iota3A_469 = tpu.iota {dimensions = array<i32: 0>} : vector<16xi32>
    %add3A_470 = arith.constant 448 : i32
    %add3A_471 = vector.broadcast %add3A_470 : i32 to vector<16xi32>
    %add3A_472 = arith.addi %add3A_471, %iota3A_469 : vector<16xi32>
    %broadcast_in_dim3A_473 = arith.constant 0.000000e+00 : f32
    %broadcast_in_dim3A_474 = vector.broadcast %broadcast_in_dim3A_473 : f32 to vector<16xf32>
    %scan3A_475 = arith.constant 0 : i32
    %scan3A_476 = arith.constant 64 : i32
    %scan3A_477 = arith.addi %scan3A_475, %scan3A_476 : i32
    %scan3A_478 = arith.constant 1 : i32
    %scan3A_479:2 = scf.for %scan3A_533 = %scan3A_475 to %scan3A_477 step %scan3A_478 iter_args(%scan3A_534 = %broadcast_in_dim3A_474, %scan3A_535 = %broadcast_in_dim3A_474) -> (vector<16xf32>, vector<16xf32>)  : i32 {
      %broadcast_in_dim3A_536 = vector.broadcast %scan3A_533 : i32 to vector<16xi32>
      %gather3A = tpu.vector_load_idx %arg14[%add3A_472, %broadcast_in_dim3A_536] : memref<512x64xf32, #tpu.memory_space<vmem>>[vector<16xi32>, vector<16xi32>], vector<16xf32>,
      %gather3A_537 = tpu.vector_load_idx %arg15[%add3A_472, %broadcast_in_dim3A_536] : memref<512x64xf32, #tpu.memory_space<vmem>>[vector<16xi32>, vector<16xi32>], vector<16xf32>,
      %mul3A_538 = arith.mulf %gather3A, %gather3A_537 : vector<16xf32>
      %add3A_539 = arith.addf %scan3A_534, %mul3A_538 : vector<16xf32>
      %gather3A_540 = tpu.vector_load_idx %arg16[%add3A_472, %broadcast_in_dim3A_536] : memref<512x64xf32, #tpu.memory_space<vmem>>[vector<16xi32>, vector<16xi32>], vector<16xf32>,
      %mul3A_541 = arith.mulf %gather3A, %gather3A_540 : vector<16xf32>
      %add3A_542 = arith.addf %scan3A_535, %mul3A_541 : vector<16xf32>
      scf.yield %add3A_539, %add3A_542 : vector<16xf32>, vector<16xf32>
    }
    %scan3A_480 = arith.constant 64 : i32
    %swap3A_481 = arith.constant 448 : index
    %swap3A_482 = tpu.vector_load %arg18[%swap3A_481] {strides = array<i32>} : memref<512xf32, #tpu.memory_space<vmem>>, vector<16xf32>,
    tpu.vector_store %arg18[%swap3A_481], %scan3A_479#0 {strides = array<i32>} : memref<512xf32, #tpu.memory_space<vmem>>, vector<16xf32>,
    %swap3A_483 = arith.constant 448 : index
    %swap3A_484 = tpu.vector_load %arg19[%swap3A_483] {strides = array<i32>} : memref<512xf32, #tpu.memory_space<vmem>>, vector<16xf32>,
    tpu.vector_store %arg19[%swap3A_483], %scan3A_479#1 {strides = array<i32>} : memref<512xf32, #tpu.memory_space<vmem>>, vector<16xf32>,
    %iota3A_485 = tpu.iota {dimensions = array<i32: 0>} : vector<16xi32>
    %add3A_486 = arith.constant 464 : i32
    %add3A_487 = vector.broadcast %add3A_486 : i32 to vector<16xi32>
    %add3A_488 = arith.addi %add3A_487, %iota3A_485 : vector<16xi32>
    %broadcast_in_dim3A_489 = arith.constant 0.000000e+00 : f32
    %broadcast_in_dim3A_490 = vector.broadcast %broadcast_in_dim3A_489 : f32 to vector<16xf32>
    %scan3A_491 = arith.constant 0 : i32
    %scan3A_492 = arith.constant 64 : i32
    %scan3A_493 = arith.addi %scan3A_491, %scan3A_492 : i32
    %scan3A_494 = arith.constant 1 : i32
    %scan3A_495:2 = scf.for %scan3A_533 = %scan3A_491 to %scan3A_493 step %scan3A_494 iter_args(%scan3A_534 = %broadcast_in_dim3A_490, %scan3A_535 = %broadcast_in_dim3A_490) -> (vector<16xf32>, vector<16xf32>)  : i32 {
      %broadcast_in_dim3A_536 = vector.broadcast %scan3A_533 : i32 to vector<16xi32>
      %gather3A = tpu.vector_load_idx %arg14[%add3A_488, %broadcast_in_dim3A_536] : memref<512x64xf32, #tpu.memory_space<vmem>>[vector<16xi32>, vector<16xi32>], vector<16xf32>,
      %gather3A_537 = tpu.vector_load_idx %arg15[%add3A_488, %broadcast_in_dim3A_536] : memref<512x64xf32, #tpu.memory_space<vmem>>[vector<16xi32>, vector<16xi32>], vector<16xf32>,
      %mul3A_538 = arith.mulf %gather3A, %gather3A_537 : vector<16xf32>
      %add3A_539 = arith.addf %scan3A_534, %mul3A_538 : vector<16xf32>
      %gather3A_540 = tpu.vector_load_idx %arg16[%add3A_488, %broadcast_in_dim3A_536] : memref<512x64xf32, #tpu.memory_space<vmem>>[vector<16xi32>, vector<16xi32>], vector<16xf32>,
      %mul3A_541 = arith.mulf %gather3A, %gather3A_540 : vector<16xf32>
      %add3A_542 = arith.addf %scan3A_535, %mul3A_541 : vector<16xf32>
      scf.yield %add3A_539, %add3A_542 : vector<16xf32>, vector<16xf32>
    }
    %scan3A_496 = arith.constant 64 : i32
    %swap3A_497 = arith.constant 464 : index
    %swap3A_498 = tpu.vector_load %arg18[%swap3A_497] {strides = array<i32>} : memref<512xf32, #tpu.memory_space<vmem>>, vector<16xf32>,
    tpu.vector_store %arg18[%swap3A_497], %scan3A_495#0 {strides = array<i32>} : memref<512xf32, #tpu.memory_space<vmem>>, vector<16xf32>,
    %swap3A_499 = arith.constant 464 : index
    %swap3A_500 = tpu.vector_load %arg19[%swap3A_499] {strides = array<i32>} : memref<512xf32, #tpu.memory_space<vmem>>, vector<16xf32>,
    tpu.vector_store %arg19[%swap3A_499], %scan3A_495#1 {strides = array<i32>} : memref<512xf32, #tpu.memory_space<vmem>>, vector<16xf32>,
    %iota3A_501 = tpu.iota {dimensions = array<i32: 0>} : vector<16xi32>
    %add3A_502 = arith.constant 480 : i32
    %add3A_503 = vector.broadcast %add3A_502 : i32 to vector<16xi32>
    %add3A_504 = arith.addi %add3A_503, %iota3A_501 : vector<16xi32>
    %broadcast_in_dim3A_505 = arith.constant 0.000000e+00 : f32
    %broadcast_in_dim3A_506 = vector.broadcast %broadcast_in_dim3A_505 : f32 to vector<16xf32>
    %scan3A_507 = arith.constant 0 : i32
    %scan3A_508 = arith.constant 64 : i32
    %scan3A_509 = arith.addi %scan3A_507, %scan3A_508 : i32
    %scan3A_510 = arith.constant 1 : i32
    %scan3A_511:2 = scf.for %scan3A_533 = %scan3A_507 to %scan3A_509 step %scan3A_510 iter_args(%scan3A_534 = %broadcast_in_dim3A_506, %scan3A_535 = %broadcast_in_dim3A_506) -> (vector<16xf32>, vector<16xf32>)  : i32 {
      %broadcast_in_dim3A_536 = vector.broadcast %scan3A_533 : i32 to vector<16xi32>
      %gather3A = tpu.vector_load_idx %arg14[%add3A_504, %broadcast_in_dim3A_536] : memref<512x64xf32, #tpu.memory_space<vmem>>[vector<16xi32>, vector<16xi32>], vector<16xf32>,
      %gather3A_537 = tpu.vector_load_idx %arg15[%add3A_504, %broadcast_in_dim3A_536] : memref<512x64xf32, #tpu.memory_space<vmem>>[vector<16xi32>, vector<16xi32>], vector<16xf32>,
      %mul3A_538 = arith.mulf %gather3A, %gather3A_537 : vector<16xf32>
      %add3A_539 = arith.addf %scan3A_534, %mul3A_538 : vector<16xf32>
      %gather3A_540 = tpu.vector_load_idx %arg16[%add3A_504, %broadcast_in_dim3A_536] : memref<512x64xf32, #tpu.memory_space<vmem>>[vector<16xi32>, vector<16xi32>], vector<16xf32>,
      %mul3A_541 = arith.mulf %gather3A, %gather3A_540 : vector<16xf32>
      %add3A_542 = arith.addf %scan3A_535, %mul3A_541 : vector<16xf32>
      scf.yield %add3A_539, %add3A_542 : vector<16xf32>, vector<16xf32>
    }
    %scan3A_512 = arith.constant 64 : i32
    %swap3A_513 = arith.constant 480 : index
    %swap3A_514 = tpu.vector_load %arg18[%swap3A_513] {strides = array<i32>} : memref<512xf32, #tpu.memory_space<vmem>>, vector<16xf32>,
    tpu.vector_store %arg18[%swap3A_513], %scan3A_511#0 {strides = array<i32>} : memref<512xf32, #tpu.memory_space<vmem>>, vector<16xf32>,
    %swap3A_515 = arith.constant 480 : index
    %swap3A_516 = tpu.vector_load %arg19[%swap3A_515] {strides = array<i32>} : memref<512xf32, #tpu.memory_space<vmem>>, vector<16xf32>,
    tpu.vector_store %arg19[%swap3A_515], %scan3A_511#1 {strides = array<i32>} : memref<512xf32, #tpu.memory_space<vmem>>, vector<16xf32>,
    %iota3A_517 = tpu.iota {dimensions = array<i32: 0>} : vector<16xi32>
    %add3A_518 = arith.constant 496 : i32
    %add3A_519 = vector.broadcast %add3A_518 : i32 to vector<16xi32>
    %add3A_520 = arith.addi %add3A_519, %iota3A_517 : vector<16xi32>
    %broadcast_in_dim3A_521 = arith.constant 0.000000e+00 : f32
    %broadcast_in_dim3A_522 = vector.broadcast %broadcast_in_dim3A_521 : f32 to vector<16xf32>
    %scan3A_523 = arith.constant 0 : i32
    %scan3A_524 = arith.constant 64 : i32
    %scan3A_525 = arith.addi %scan3A_523, %scan3A_524 : i32
    %scan3A_526 = arith.constant 1 : i32
    %scan3A_527:2 = scf.for %scan3A_533 = %scan3A_523 to %scan3A_525 step %scan3A_526 iter_args(%scan3A_534 = %broadcast_in_dim3A_522, %scan3A_535 = %broadcast_in_dim3A_522) -> (vector<16xf32>, vector<16xf32>)  : i32 {
      %broadcast_in_dim3A_536 = vector.broadcast %scan3A_533 : i32 to vector<16xi32>
      %gather3A = tpu.vector_load_idx %arg14[%add3A_520, %broadcast_in_dim3A_536] : memref<512x64xf32, #tpu.memory_space<vmem>>[vector<16xi32>, vector<16xi32>], vector<16xf32>,
      %gather3A_537 = tpu.vector_load_idx %arg15[%add3A_520, %broadcast_in_dim3A_536] : memref<512x64xf32, #tpu.memory_space<vmem>>[vector<16xi32>, vector<16xi32>], vector<16xf32>,
      %mul3A_538 = arith.mulf %gather3A, %gather3A_537 : vector<16xf32>
      %add3A_539 = arith.addf %scan3A_534, %mul3A_538 : vector<16xf32>
      %gather3A_540 = tpu.vector_load_idx %arg16[%add3A_520, %broadcast_in_dim3A_536] : memref<512x64xf32, #tpu.memory_space<vmem>>[vector<16xi32>, vector<16xi32>], vector<16xf32>,
      %mul3A_541 = arith.mulf %gather3A, %gather3A_540 : vector<16xf32>
      %add3A_542 = arith.addf %scan3A_535, %mul3A_541 : vector<16xf32>
      scf.yield %add3A_539, %add3A_542 : vector<16xf32>, vector<16xf32>
    }
    %scan3A_528 = arith.constant 64 : i32
    %swap3A_529 = arith.constant 496 : index
    %swap3A_530 = tpu.vector_load %arg18[%swap3A_529] {strides = array<i32>} : memref<512xf32, #tpu.memory_space<vmem>>, vector<16xf32>,
    tpu.vector_store %arg18[%swap3A_529], %scan3A_527#0 {strides = array<i32>} : memref<512xf32, #tpu.memory_space<vmem>>, vector<16xf32>,
    %swap3A_531 = arith.constant 496 : index
    %swap3A_532 = tpu.vector_load %arg19[%swap3A_531] {strides = array<i32>} : memref<512xf32, #tpu.memory_space<vmem>>, vector<16xf32>,
    tpu.vector_store %arg19[%swap3A_531], %scan3A_527#1 {strides = array<i32>} : memref<512xf32, #tpu.memory_space<vmem>>, vector<16xf32>,
    "tpu.region"() ({
      %run_scoped3A = tpu.sem_alloc : memref<!tpu.dma_semaphore, #tpu.memory_space<semaphore_mem>>
      %dma_start3A_533 = tpu.memref_slice %arg8[%mul3A_2] : memref<16384xf32, #tpu.memory_space<hbm>> -> memref<512xf32, #tpu.memory_space<hbm>>
      %dma_start3A_534 = tpu.memref_slice %arg8[%mul3A_2] : memref<16384xf32, #tpu.memory_space<hbm>> -> memref<512xf32, #tpu.memory_space<hbm>>
      tpu.enqueue_dma source(%arg18 : memref<512xf32, #tpu.memory_space<vmem>>) target(%dma_start3A_534 : memref<512xf32, #tpu.memory_space<hbm>>) target_semaphore(%run_scoped3A : memref<!tpu.dma_semaphore, #tpu.memory_space<semaphore_mem>>)
      %dma_wait3A_535 = tpu.memref_slice %arg8[%mul3A_2] : memref<16384xf32, #tpu.memory_space<hbm>> -> memref<512xf32, #tpu.memory_space<hbm>>
      %dma_wait3A_536 = tpu.memref_slice %arg8[%mul3A_2] : memref<16384xf32, #tpu.memory_space<hbm>> -> memref<512xf32, #tpu.memory_space<hbm>>
      tpu.wait_dma2 semaphore(%run_scoped3A : memref<!tpu.dma_semaphore, #tpu.memory_space<semaphore_mem>>) src(%arg18 : memref<512xf32, #tpu.memory_space<vmem>>) dst(%dma_wait3A_536 : memref<512xf32, #tpu.memory_space<hbm>>)
      tpu.yield
    }) : () -> ()
    "tpu.region"() ({
      %run_scoped3A = tpu.sem_alloc : memref<!tpu.dma_semaphore, #tpu.memory_space<semaphore_mem>>
      %dma_start3A_533 = tpu.memref_slice %arg9[%mul3A_2] : memref<16384xf32, #tpu.memory_space<hbm>> -> memref<512xf32, #tpu.memory_space<hbm>>
      %dma_start3A_534 = tpu.memref_slice %arg9[%mul3A_2] : memref<16384xf32, #tpu.memory_space<hbm>> -> memref<512xf32, #tpu.memory_space<hbm>>
      tpu.enqueue_dma source(%arg19 : memref<512xf32, #tpu.memory_space<vmem>>) target(%dma_start3A_534 : memref<512xf32, #tpu.memory_space<hbm>>) target_semaphore(%run_scoped3A : memref<!tpu.dma_semaphore, #tpu.memory_space<semaphore_mem>>)
      %dma_wait3A_535 = tpu.memref_slice %arg9[%mul3A_2] : memref<16384xf32, #tpu.memory_space<hbm>> -> memref<512xf32, #tpu.memory_space<hbm>>
      %dma_wait3A_536 = tpu.memref_slice %arg9[%mul3A_2] : memref<16384xf32, #tpu.memory_space<hbm>> -> memref<512xf32, #tpu.memory_space<hbm>>
      tpu.wait_dma2 semaphore(%run_scoped3A : memref<!tpu.dma_semaphore, #tpu.memory_space<semaphore_mem>>) src(%arg19 : memref<512xf32, #tpu.memory_space<vmem>>) dst(%dma_wait3A_536 : memref<512xf32, #tpu.memory_space<hbm>>)
      tpu.yield
    }) : () -> ()
    "tpu.region"() ({
      %run_scoped3A = tpu.sem_alloc : memref<!tpu.dma_semaphore, #tpu.memory_space<semaphore_mem>>
      %dma_start3A_533 = arith.constant 0 : i32
      %dma_start3A_534 = tpu.memref_slice %arg10[%mul3A_2, %dma_start3A_533] : memref<16384x32xf32, #tpu.memory_space<hbm>> -> memref<512x32xf32, #tpu.memory_space<hbm>>
      %dma_start3A_535 = arith.constant 0 : i32
      %dma_start3A_536 = tpu.memref_slice %arg10[%mul3A_2, %dma_start3A_535] : memref<16384x32xf32, #tpu.memory_space<hbm>> -> memref<512x32xf32, #tpu.memory_space<hbm>>
      tpu.enqueue_dma source(%arg17 : memref<512x32xf32, #tpu.memory_space<vmem>>) target(%dma_start3A_536 : memref<512x32xf32, #tpu.memory_space<hbm>>) target_semaphore(%run_scoped3A : memref<!tpu.dma_semaphore, #tpu.memory_space<semaphore_mem>>)
      %dma_wait3A_537 = arith.constant 0 : i32
      %dma_wait3A_538 = tpu.memref_slice %arg10[%mul3A_2, %dma_wait3A_537] : memref<16384x32xf32, #tpu.memory_space<hbm>> -> memref<512x32xf32, #tpu.memory_space<hbm>>
      %dma_wait3A_539 = arith.constant 0 : i32
      %dma_wait3A_540 = tpu.memref_slice %arg10[%mul3A_2, %dma_wait3A_539] : memref<16384x32xf32, #tpu.memory_space<hbm>> -> memref<512x32xf32, #tpu.memory_space<hbm>>
      tpu.wait_dma2 semaphore(%run_scoped3A : memref<!tpu.dma_semaphore, #tpu.memory_space<semaphore_mem>>) src(%arg17 : memref<512x32xf32, #tpu.memory_space<vmem>>) dst(%dma_wait3A_540 : memref<512x32xf32, #tpu.memory_space<hbm>>)
      tpu.yield
    }) : () -> ()
    return
  }
}

module attributes {stable_mosaic.version = 14 : i64} {
  func.func @_tc_matmul_body(%arg0: i32, %arg1: memref<1024x2048xf32, #tpu.memory_space<vmem>>, %arg2: memref<1024x2048xf32, #tpu.memory_space<vmem>>, %arg3: memref<32x2048xf32, #tpu.memory_space<vmem>>, %arg4: memref<1024x32xf32, #tpu.memory_space<vmem>>, %arg5: memref<1024x32xf32, #tpu.memory_space<vmem>>) attributes {dimension_semantics = [#tpu.dimension_semantics<arbitrary>], iteration_bounds = array<i64: 16>, scalar_prefetch = 0 : i64, scratch_operands = 0 : i64, tpu.core_type = #tpu.core_type<tc>, window_params = [{transform_indices = @transform_0, window_bounds = array<i64: 1024, 2048>}, {transform_indices = @transform_1, window_bounds = array<i64: 1024, 2048>}, {pipeline_mode = #tpu.pipeline_mode<synchronous>, transform_indices = @transform_2, window_bounds = array<i64: 32, 2048>}, {transform_indices = @transform_3, window_bounds = array<i64: 1024, 32>}, {transform_indices = @transform_4, window_bounds = array<i64: 1024, 32>}]} {
    %get3A = arith.constant 0 : index
    %get3A_0 = arith.constant 0 : index
    %get3A_1 = vector.load %arg3[%get3A, %get3A_0] : memref<32x2048xf32, #tpu.memory_space<vmem>>, vector<32x2048xf32>
    %get3A_2 = arith.constant 0 : index
    %get3A_3 = arith.constant 0 : index
    %get3A_4 = vector.load %arg1[%get3A_2, %get3A_3] : memref<1024x2048xf32, #tpu.memory_space<vmem>>, vector<1024x2048xf32>
    %dot_general3A = arith.constant dense<0.000000e+00> : vector<1024x32xf32>
    %dot_general3A_5 = tpu.matmul %get3A_4, %get3A_1, %dot_general3A {dimension_numbers = #tpu.dot_dimension_numbers<[1], [1], [0], [0], [0, 0, 1, 0], [], []>, transpose_lhs_hint = false} : vector<1024x2048xf32>, vector<32x2048xf32>, vector<1024x32xf32> -> vector<1024x32xf32>
    %swap3A = arith.constant 0 : index
    %swap3A_6 = arith.constant 0 : index
    %swap3A_7 = vector.load %arg4[%swap3A, %swap3A_6] : memref<1024x32xf32, #tpu.memory_space<vmem>>, vector<1024x32xf32>
    tpu.vector_store %arg4[%swap3A, %swap3A_6], %dot_general3A_5 {strides = array<i32>} : memref<1024x32xf32, #tpu.memory_space<vmem>>, vector<1024x32xf32>,
    %get3A_8 = arith.constant 0 : index
    %get3A_9 = arith.constant 0 : index
    %get3A_10 = vector.load %arg2[%get3A_8, %get3A_9] : memref<1024x2048xf32, #tpu.memory_space<vmem>>, vector<1024x2048xf32>
    %dot_general3A_11 = arith.constant dense<0.000000e+00> : vector<1024x32xf32>
    %dot_general3A_12 = tpu.matmul %get3A_10, %get3A_1, %dot_general3A_11 {dimension_numbers = #tpu.dot_dimension_numbers<[1], [1], [0], [0], [0, 0, 1, 0], [], []>, transpose_lhs_hint = false} : vector<1024x2048xf32>, vector<32x2048xf32>, vector<1024x32xf32> -> vector<1024x32xf32>
    %swap3A_13 = arith.constant 0 : index
    %swap3A_14 = arith.constant 0 : index
    %swap3A_15 = vector.load %arg5[%swap3A_13, %swap3A_14] : memref<1024x32xf32, #tpu.memory_space<vmem>>, vector<1024x32xf32>
    tpu.vector_store %arg5[%swap3A_13, %swap3A_14], %dot_general3A_12 {strides = array<i32>} : memref<1024x32xf32, #tpu.memory_space<vmem>>, vector<1024x32xf32>,
    return
  }
  func.func @transform_0(%arg0: i32) -> (i32, i32) {
    %c0_i32 = arith.constant 0 : i32
    %c0_i32_0 = arith.constant 0 : i32
    return %arg0, %c0_i32 : i32, i32
  }
  func.func @transform_1(%arg0: i32) -> (i32, i32) {
    %c0_i32 = arith.constant 0 : i32
    %c0_i32_0 = arith.constant 0 : i32
    return %arg0, %c0_i32 : i32, i32
  }
  func.func @transform_2(%arg0: i32) -> (i32, i32) {
    %c0_i32 = arith.constant 0 : i32
    %c0_i32_0 = arith.constant 0 : i32
    %c0_i32_1 = arith.constant 0 : i32
    return %c0_i32, %c0_i32_0 : i32, i32
  }
  func.func @transform_3(%arg0: i32) -> (i32, i32) {
    %c0_i32 = arith.constant 0 : i32
    %c0_i32_0 = arith.constant 0 : i32
    return %arg0, %c0_i32 : i32, i32
  }
  func.func @transform_4(%arg0: i32) -> (i32, i32) {
    %c0_i32 = arith.constant 0 : i32
    %c0_i32_0 = arith.constant 0 : i32
    return %arg0, %c0_i32 : i32, i32
  }
}

module attributes {stable_mosaic.version = 14 : i64} {
  func.func @_tc_combine_body(%arg0: i32, %arg1: memref<1024x32xf32, #tpu.memory_space<vmem>>, %arg2: memref<1024x32xf32, #tpu.memory_space<vmem>>, %arg3: memref<1024x32xf32, #tpu.memory_space<vmem>>, %arg4: memref<1024x1xf32, #tpu.memory_space<vmem>>, %arg5: memref<1024x1xf32, #tpu.memory_space<vmem>>, %arg6: memref<1024x1xf32, #tpu.memory_space<vmem>>, %arg7: memref<1024x1xf32, #tpu.memory_space<vmem>>) attributes {dimension_semantics = [#tpu.dimension_semantics<arbitrary>], iteration_bounds = array<i64: 16>, scalar_prefetch = 0 : i64, scratch_operands = 0 : i64, tpu.core_type = #tpu.core_type<tc>, window_params = [{transform_indices = @transform_0, window_bounds = array<i64: 1024, 32>}, {transform_indices = @transform_1, window_bounds = array<i64: 1024, 32>}, {transform_indices = @transform_2, window_bounds = array<i64: 1024, 32>}, {transform_indices = @transform_3, window_bounds = array<i64: 1024, 1>}, {transform_indices = @transform_4, window_bounds = array<i64: 1024, 1>}, {transform_indices = @transform_5, window_bounds = array<i64: 1024, 1>}, {transform_indices = @transform_6, window_bounds = array<i64: 1024, 1>}]} {
    %get3A = arith.constant 0 : index
    %get3A_0 = arith.constant 0 : index
    %get3A_1 = vector.load %arg3[%get3A, %get3A_0] : memref<1024x32xf32, #tpu.memory_space<vmem>>, vector<1024x32xf32>
    %get3A_2 = arith.constant 0 : index
    %get3A_3 = arith.constant 0 : index
    %get3A_4 = vector.load %arg4[%get3A_2, %get3A_3] : memref<1024x1xf32, #tpu.memory_space<vmem>>, vector<1024x1xf32>
    %get3A_5 = arith.constant 0 : index
    %get3A_6 = arith.constant 0 : index
    %get3A_7 = vector.load %arg1[%get3A_5, %get3A_6] : memref<1024x32xf32, #tpu.memory_space<vmem>>, vector<1024x32xf32>
    %mul3A = arith.mulf %get3A_1, %get3A_7 : vector<1024x32xf32>
    %reduce_sum3A = arith.constant dense<0.000000e+00> : vector<1024xf32>
    %reduce_sum3A_8 = vector.multi_reduction <add>, %mul3A, %reduce_sum3A [1] : vector<1024x32xf32> to vector<1024xf32>
    %broadcast_in_dim3A = vector.shape_cast %reduce_sum3A_8 : vector<1024xf32> to vector<1024x1xf32>
    %add3A = arith.addf %get3A_4, %broadcast_in_dim3A : vector<1024x1xf32>
    %swap3A = arith.constant 0 : index
    %swap3A_9 = arith.constant 0 : index
    %swap3A_10 = vector.load %arg6[%swap3A, %swap3A_9] : memref<1024x1xf32, #tpu.memory_space<vmem>>, vector<1024x1xf32>
    tpu.vector_store %arg6[%swap3A, %swap3A_9], %add3A {strides = array<i32>} : memref<1024x1xf32, #tpu.memory_space<vmem>>, vector<1024x1xf32>,
    %get3A_11 = arith.constant 0 : index
    %get3A_12 = arith.constant 0 : index
    %get3A_13 = vector.load %arg5[%get3A_11, %get3A_12] : memref<1024x1xf32, #tpu.memory_space<vmem>>, vector<1024x1xf32>
    %get3A_14 = arith.constant 0 : index
    %get3A_15 = arith.constant 0 : index
    %get3A_16 = vector.load %arg2[%get3A_14, %get3A_15] : memref<1024x32xf32, #tpu.memory_space<vmem>>, vector<1024x32xf32>
    %mul3A_17 = arith.mulf %get3A_1, %get3A_16 : vector<1024x32xf32>
    %reduce_sum3A_18 = arith.constant dense<0.000000e+00> : vector<1024xf32>
    %reduce_sum3A_19 = vector.multi_reduction <add>, %mul3A_17, %reduce_sum3A_18 [1] : vector<1024x32xf32> to vector<1024xf32>
    %broadcast_in_dim3A_20 = vector.shape_cast %reduce_sum3A_19 : vector<1024xf32> to vector<1024x1xf32>
    %add3A_21 = arith.addf %get3A_13, %broadcast_in_dim3A_20 : vector<1024x1xf32>
    %swap3A_22 = arith.constant 0 : index
    %swap3A_23 = arith.constant 0 : index
    %swap3A_24 = vector.load %arg7[%swap3A_22, %swap3A_23] : memref<1024x1xf32, #tpu.memory_space<vmem>>, vector<1024x1xf32>
    tpu.vector_store %arg7[%swap3A_22, %swap3A_23], %add3A_21 {strides = array<i32>} : memref<1024x1xf32, #tpu.memory_space<vmem>>, vector<1024x1xf32>,
    return
  }
  func.func @transform_0(%arg0: i32) -> (i32, i32) {
    %c0_i32 = arith.constant 0 : i32
    %c0_i32_0 = arith.constant 0 : i32
    return %arg0, %c0_i32 : i32, i32
  }
  func.func @transform_1(%arg0: i32) -> (i32, i32) {
    %c0_i32 = arith.constant 0 : i32
    %c0_i32_0 = arith.constant 0 : i32
    return %arg0, %c0_i32 : i32, i32
  }
  func.func @transform_2(%arg0: i32) -> (i32, i32) {
    %c0_i32 = arith.constant 0 : i32
    %c0_i32_0 = arith.constant 0 : i32
    return %arg0, %c0_i32 : i32, i32
  }
  func.func @transform_3(%arg0: i32) -> (i32, i32) {
    %c0_i32 = arith.constant 0 : i32
    %c0_i32_0 = arith.constant 0 : i32
    return %arg0, %c0_i32 : i32, i32
  }
  func.func @transform_4(%arg0: i32) -> (i32, i32) {
    %c0_i32 = arith.constant 0 : i32
    %c0_i32_0 = arith.constant 0 : i32
    return %arg0, %c0_i32 : i32, i32
  }
  func.func @transform_5(%arg0: i32) -> (i32, i32) {
    %c0_i32 = arith.constant 0 : i32
    %c0_i32_0 = arith.constant 0 : i32
    return %arg0, %c0_i32 : i32, i32
  }
  func.func @transform_6(%arg0: i32) -> (i32, i32) {
    %c0_i32 = arith.constant 0 : i32
    %c0_i32_0 = arith.constant 0 : i32
    return %arg0, %c0_i32 : i32, i32
  }
}

</mosaic_0001>

<sc_bundles>
// kernel: kernel.5.cloned.1.call-start
scs
__scs_entry_jumppad:
0x0: {  	(pc) =	sbr.rel $0x88, $3  }
0x1: {  	(tag) =	ssettag $0x0;
	lr =	simm.s32 $0x1  }
0x2: {  	[smem:$0x3F98] =	sst lr;
	_ =	strace $0xD0000000  }
0x3: {  	_ = 	snop  }
0x4: {  	_ = 	snop  }
0x5: {  	_ = 	snop  }
0x6: {  	_ = 	snop  }
0x7: {  	_ = 	snop  }
__scs_overlays_trampoline_lowered:
0x8: {  	[smem:$0x3FA7] =	sst s0  }
0x9: {  	[smem:$0x3FA8] =	sst s1  }
0xa: {  	[smem:$0x3FA9] =	sst s2  }
0xb: {  	[smem:$0x3FAA] =	sst s3  }
0xc: {  	[smem:$0x3FAB] =	sst s4  }
0xd: {  	[smem:$0x3FAC] =	sst s5  }
0xe: {  	[smem:$0x3FAD] =	sst s6  }
0xf: {  	[smem:$0x3FAE] =	sst s7  }
0x10: {  	[smem:$0x3FAF] =	sst s8  }
0x11: {  	[smem:$0x3FB0] =	sst s9;
	s0 =	simm.s32 @!p0 $0x0  }
0x12: {  	s1 =	sld [smem:$0x3F96];
	s0 =	simm.s32 @p0 $0x1  }
0x13: {  	[smem:$0x3FB1] =	sst s0;
	s0 =	simm.s32 @!p1 $0x0  }
0x14: {  	s2 =	sld [smem:$0x3F95];
	s0 =	simm.s32 @p1 $0x1  }
0x15: {  	[smem:$0x3FB2] =	sst s0;
	s0 =	simm.s32 @!p2 $0x0  }
0x16: {  	s3 =	sld [smem:$0x3FDB];
	s0 =	simm.s32 @p2 $0x1  }
0x17: {  	s4 =	simm.s32 $0x1BF5;
	[smem:$0x3FB4] =	sst s0  }
0x18: {  	s0 =	sld [smem:$0x3F97];
	_ =	swait.ge [sflag:s4], $0x0  }
0x19: {  	s7 =	sld [smem:$0x3F98]  }
0x1a: {  	s8 =	sadd.s32 $0xFFFFE003, lr  }
0x1b: {  	s9 =	sadd.s32 $0xFFFFFEF7, lr;
	s5 =	simm.s32 $0xFFFFFFFF;
	p2 =	slt.u32 s8, $0xFFFFF086  }
0x1c: {  	p1 =	slt.u32 s9, $0xF7A;
	s5 =	simm.s32 @!p2 $0x0  }
0x1d: {  	s5 =	simm.s32 @p1 $0x1;
	p0 =	seq.s32 s7, s2  }
0x1e: {  	s7 =	smul.u32 @!p0 $0xF7A, s2;
	p2 =	seq.s32 @!p0 s5, $0x0  }
0x1f: {  	s9 =	smul.u32 $0xF7A, s1;
	s8 =	simm.s32 @!p0 $0x1BF5;
	p2 =	por !p2, p0  }
0x20: {  	[sflag:s8] =	ssyncset.s32 @!p0 $0xFFFFF086;
	s6 =	sadd.s32 @!p0 s3, s7;
	s7 =	simm.s32 @!p0 $0x108  }
0x21: {  	s3 =	sadd.s32 s3, s9;
	s6 =	sadd.s32 @!p0 $0x88, s6;
	s7 =	simm.s32 @p2 $0x1082  }
0x22: {  	[simem:s7], [sflag:s8] =	dma.local @!p0 [hbm:s6], $0xF7A  }
0x23: {  	s9 =	sor.u32 $0xD0000000, s2;
	s6 =	simm.s32 $0x108;
	_ =	swait.ge @!p0 [sflag:s8], $0x0  }
0x24: {  	s3 =	sadd.s32 $0x88, s3;
	s6 =	simm.s32 @!p1 $0x1082;
	[sflag:s4] =	ssyncset.s32 $0xFFFFF086  }
0x25: {  	[simem:s6], [sflag:s4] =	dma.local [hbm:s3], $0xF7A  }
0x26: {  	[smem:$0x3F98] =	sst s1;
	(tag) =	ssettag s2;
	_ =	strace s9  }
0x27: {  	s1 =	sld [smem:$0x3FA8]  }
0x28: {  	s2 =	sld [smem:$0x3FA9]  }
0x29: {  	s4 =	sld [smem:$0x3FAB]  }
0x2a: {  	p0 =	seq.s32 s5, $0x0;
	s5 =	sld [smem:$0x3FAC]  }
0x2b: {  	s6 =	sld [smem:$0x3FAD]  }
0x2c: {  	s7 =	sld [smem:$0x3FAE]  }
0x2d: {  	s3 =	simm.s32 $0x108;
	s8 =	sld [smem:$0x3FAF]  }
0x2e: {  	s3 =	simm.s32 @!p0 $0x1082;
	s9 =	sld [smem:$0x3FB0]  }
0x2f: {  	lr =	sadd.s32 s0, s3;
	s0 =	sld [smem:$0x3FA7]  }
0x30: {  	s3 =	sld [smem:$0x3FAA]  }
0x31: {  	[smem:$0x3FB3] =	sst s10  }
0x32: {  	s10 =	sld [smem:$0x3FB1];
	_ =	sdelay $0x3  }
0x33: {  	p0 =	seq.s32 s10, $0x1;
	s10 =	sld [smem:$0x3FB3];
	_ =	sdelay $0x3  }
0x34: {  	[smem:$0x3FB3] =	sst s10  }
0x35: {  	s10 =	sld [smem:$0x3FB2];
	_ =	sdelay $0x3  }
0x36: {  	p1 =	seq.s32 s10, $0x1;
	s10 =	sld [smem:$0x3FB3];
	_ =	sdelay $0x3  }
0x37: {  	[smem:$0x3FB3] =	sst s10  }
0x38: {  	s10 =	sld [smem:$0x3FB4]  }
0x39: {  	_ = 	snop;
	(pc) =	sbr.ind lr, $3  }
0x3a: {  	_ = 	snop  }
0x3b: {  	_ = 	snop  }
0x3c: {  	p2 =	seq.s32 s10, $0x1;
	s10 =	sld [smem:$0x3FB3]  }
0x3d: {  	_ =	shalt  }
0x3e: {  	_ =	shalt  }
0x3f: {  	_ =	shalt  }
0x40: {  	_ =	shalt  }
0x41: {  	_ =	shalt  }
0x42: {  	_ =	shalt  }
0x43: {  	_ =	shalt  }
0x44: {  	_ =	shalt  }
0x45: {  	_ =	shalt  }
0x46: {  	_ =	shalt  }
0x47: {  	_ =	shalt  }
0x48: {  	_ =	shalt  }
0x49: {  	_ =	shalt  }
0x4a: {  	_ =	shalt  }
0x4b: {  	_ =	shalt  }
0x4c: {  	_ =	shalt  }
0x4d: {  	_ =	shalt  }
0x4e: {  	_ =	shalt  }
0x4f: {  	_ =	shalt  }
0x50: {  	_ =	shalt  }
0x51: {  	_ =	shalt  }
0x52: {  	_ =	shalt  }
0x53: {  	_ =	shalt  }
0x54: {  	_ =	shalt  }
0x55: {  	_ =	shalt  }
0x56: {  	_ =	shalt  }
0x57: {  	_ =	shalt  }
0x58: {  	_ =	shalt  }
0x59: {  	_ =	shalt  }
0x5a: {  	_ =	shalt  }
0x5b: {  	_ =	shalt  }
0x5c: {  	_ =	shalt  }
0x5d: {  	_ =	shalt  }
0x5e: {  	_ =	shalt  }
0x5f: {  	_ =	shalt  }
0x60: {  	_ =	shalt  }
0x61: {  	_ =	shalt  }
0x62: {  	_ =	shalt  }
0x63: {  	_ =	shalt  }
0x64: {  	_ =	shalt  }
0x65: {  	_ =	shalt  }
0x66: {  	_ =	shalt  }
0x67: {  	_ =	shalt  }
0x68: {  	_ =	shalt  }
0x69: {  	_ =	shalt  }
0x6a: {  	_ =	shalt  }
0x6b: {  	_ =	shalt  }
0x6c: {  	_ =	shalt  }
0x6d: {  	_ =	shalt  }
0x6e: {  	_ =	shalt  }
0x6f: {  	_ =	shalt  }
0x70: {  	_ =	shalt  }
0x71: {  	_ =	shalt  }
0x72: {  	_ =	shalt  }
0x73: {  	_ =	shalt  }
0x74: {  	_ =	shalt  }
0x75: {  	_ =	shalt  }
0x76: {  	_ =	shalt  }
0x77: {  	_ =	shalt  }
0x78: {  	_ =	shalt  }
0x79: {  	_ =	shalt  }
0x7a: {  	_ =	shalt  }
0x7b: {  	_ =	shalt  }
0x7c: {  	_ =	shalt  }
0x7d: {  	_ =	shalt  }
0x7e: {  	_ =	shalt  }
0x7f: {  	_ =	shalt  }
0x80: {  	_ =	shalt  }
0x81: {  	_ =	shalt  }
0x82: {  	_ =	shalt  }
0x83: {  	_ =	shalt  }
0x84: {  	_ =	shalt  }
0x85: {  	_ =	shalt  }
0x86: {  	_ =	shalt  }
0x87: {  	_ =	shalt  }
.Lfunc_end0:
.L_simem_size_0:
called_computation_lowered:
.L_overlay_start_0:
0x88: {  	s2 =	sld [smem:$0x3FD9]  }
0x89: {  	s3 =	sld [smem:$0x3FFE];
	_ =	sdelay $0x1  }
0x8a: {  	s1 =	srdreg.scid  }
0x8b: {  	s0 =	sand.u32 $0x1, s1  }
0x8c: {  	s14 =	sshll.u32 s0, $0xA;
	s2 =	sadd.s32 s3, s2  }
0x8d: {  	s2 =	sadd.s32 s2, s14  }
0x8e: {  	[smem:$0x3FBF] =	sst s2  }
0x8f: {  	_ = 	snop  }
0x90: {  	s2 =	sld [smem:$0x3FD0]  }
0x91: {  	s15 =	sld [smem:$0x3FC9]  }
0x92: {  	s4 =	sld [smem:$0x3FC8]  }
0x93: {  	s6 =	simm.s32 $0xA;
	s7 =	simm.s32 $0x10;
	s5 =	sld [smem:$0x3FC7]  }
0x94: {  	[smem:s7], [sflag:s6] =	dma.local [hbm:s2], $0x1  }
0x95: {  	_ =	swait.eq [sflag:s6], $0x1  }
0x96: {  	[sflag:s6] =	ssyncset.done $0x0  }
0x97: {  	s16 =	sld [smem:$0x10];
	[sflag:s6] =	ssyncadd.s32 $0xFFFFFFFF  }
0x98: {  	s17 =	sld [smem:$0x11];
	(tm) =	ssettm $0x1  }
0x99: {  	s18 =	sld [smem:$0x3FFB];
	_ =	sdelay $0x3  }
0x9a: {  	_ =	strace s18  }
0x9b: {  	s7 =	sld [smem:$0x3FFC];
	_ =	sdelay $0x3  }
0x9c: {  	_ =	strace s7  }
0x9d: {  	s7 =	sld [smem:$0x3FFD];
	_ =	sdelay $0x3  }
0x9e: {  	_ =	strace s7  }
0x9f: {  	_ =	strace $0x8FFFFFFF  }
0xa0: {  	s19 =	sld [smem:$0x3FDB];
	_ =	sdelay $0x1  }
0xa1: {  	s8 =	simm.s32 $_scs_section_size  }
0xa2: {  	s9 =	simm.s32 $_size__tile_overlayer_lowered;
	s10 =	simm.s32 $_tile_overlayer_lowered  }
0xa3: {  	s22 =	simm.s32 $0x1BFF;
	s21 =	sshll.u32 s10, $0x1;
	s7 =	sadd.s32 s8, s19  }
0xa4: {  	s11 =	simm.s32 $0x0;
	s20 =	sshll.u32 s9, $0x1;
	s9 =	sadd.s32 s21, s7  }
0xa5: {  	[timem:s11], [sflag:s22] =	dma.local [hbm:s9], s20  }
0xa6: {  	_ =	swait.ge [sflag:s22], s20  }
0xa7: {  	s8 =	ssub.s32 $0x0, s20;
	[sflag:s22] =	ssyncset.done $0x0  }
0xa8: {  	[sflag:s22] =	ssyncadd.s32 s8;
	_ =	sdelay $0x1  }
0xa9: {  	s23 =	simm.s32 $0x1B8B  }
0xaa: {  	_ =	swait.ge [sflag:s23], $0x1  }
0xab: {  	[sflag:s23] =	ssyncset.done $0x0  }
0xac: {  	s25 =	simm.s32 $0x1B8E;
	s24 =	sld [smem:$0x3FFE];
	[sflag:s23] =	ssyncadd.s32 $0xFFFFFFFF  }
0xad: {  	s26 =	simm.s32 $execute0_lowered;
	[smem:$0x3FD2] =	sst s25  }
0xae: {  	s9 =	sshll.u32 s26, $0x1;
	_ =	strace $0x80000046;
	[dreg:$0x1] =	wrdreg $0xFFFFFFFF  }
0xaf: {  	s28 =	simm.s32 $_size_execute0_lowered;
	s7 =	sadd.s32 s7, s9;
	[dreg:$0x0] =	wrdreg $0x0  }
0xb0: {  	s9 =	sshll.u32 s28, $0x1;
	[dreg:$0x2] =	wrdreg s7  }
0xb1: {  	[dreg:$0x3] =	wrdreg s9  }
0xb2: {  	[dreg:$0x4] =	wrdreg $0xC0  }
0xb3: {  	_ =	task [dreg:s11], $0x5FFFF  }
0xb4: {  	[dreg:$0x1] =	wrdreg $0xFFFFFFFF  }
0xb5: {  	[dreg:$0x0] =	wrdreg $0x60  }
0xb6: {  	[dreg:$0x2] =	wrdreg s15  }
0xb7: {  	[dreg:$0x3] =	wrdreg s4  }
0xb8: {  	[dreg:$0x4] =	wrdreg s5  }
0xb9: {  	[dreg:$0x5] =	wrdreg s24  }
0xba: {  	[dreg:$0x6] =	wrdreg s17  }
0xbb: {  	[dreg:$0x7] =	wrdreg s16  }
0xbc: {  	[dreg:$0x8] =	wrdreg $0x9  }
0xbd: {  	_ =	task.clear_ibuf [dreg:s11], $0x9FFFF;
	_ =	strace $0x90000046  }
0xbe: {  	s29 =	simm.s32 $0x9;
	_ =	strace $0x80000048  }
0xbf: {  	_ =	swait.ge [sflag:s29], $0x1  }
0xc0: {  	[sflag:s29] =	ssyncadd.s32 $0xFFFFFFFF  }
0xc1: {  	_ =	strace $0x90000048  }
0xc2: {  	_ =	sfence  }
0xc3: {  	s30 =	sld [smem:$0x0];
	_ =	sdelay $0x2  }
0xc4: {  	s31 =	sshll.u32 s1, $0xD;
	s1 =	sshrl.u32 s1, $0x2  }
0xc5: {  	s3 =	sand.u32 $0x4000, s31;
	s1 =	sadd.s32 s1, s30  }
0xc6: {  	s0 =	sor.u32 s3, s0;
	s1 =	sshll.u32 s1, $0x11  }
0xc7: {  	s0 =	sor.u32 s1, s0  }
0xc8: {  	s0 =	sadd.s32 $0x8F2B, s0  }
0xc9: {  	[sflag:s0] =	ssyncadd.remote.s32 $0x1  }
0xca: {  	_ =	sfence.sel $0xFFFF  }
0xcb: {  	[dreg:$0x0] =	wrdreg $0xFFFFFFFF;
	(pc) =	sbr.abs _section_cstart, $3  }
0xcc: {  	[dreg:$0x1] =	wrdreg $0xFFFFFFFF  }
0xcd: {  	_ =	task.clear_ibuf [dreg:s11], $0x2FFFF;
	_ =	strace $0x9FFFFFFF  }
0xce: {  	(tm) =	ssettm $0x7FFFFFFF  }
0xcf: {  	_ =	shalt  }
tec
execute0_lowered:
.L_overlay_start_1:
0x0: {  	(tag) =	ssettag $0x1  }
0x1: {  	s6 =	rddreg [dreg:$0x0]  }
0x2: {  	s7 =	rddreg [dreg:$0x1]  }
0x3: {  	s8 =	rddreg [dreg:$0x2]  }
0x4: {  	s9 =	rddreg [dreg:$0x3]  }
0x5: {  	s10 =	rddreg [dreg:$0x4]  }
0x6: {  	s11 =	rddreg [dreg:$0x5]  }
0x7: {  	s0 =	rddreg [dreg:$0x6]  }
0x8: {  	s2 =	simm.s32 $0x0;
	s3 =	srdreg.scid;
	s1 =	stileid.u32  }
0x9: {  	s16 =	simm.s32 $0x600;
	s17 =	simm.s32 $0x8600;
	s18 =	simm.s32 $0x10600  }
0xa: {  	s19 =	simm.s32 $0x18600;
	s20 =	simm.s32 $0x1;
	s21 =	simm.s32 $0x1C600  }
0xb: {  	s22 =	simm.s32 $0x1C800;
	s23 =	simm.s32 $0x0;
	[smem:$0x7FF] =	sst s2  }
0xc: {  	s5 =	sand.u32 $0x1, s3;
	s3 =	sadd.s32 $0xF42E00, s9;
	s12 =	sshll.u32 s1, $0xA  }
0xd: {  	v0 =	vlaneseq.u32;
	s4 =	sadd.s32 $0x187400, s9;
	s13 =	sshll.u32 s5, $0x9;
	s31 =	ssub.s32 $0x2, s5  }
0xe: {  	v0 =	vmul.u32 $0x40, v0;
	_ =	strace $0x80000047;
	s12 =	sor.u32 s13, s12;
	s15 =	sshrl.u32 s31, $0x1  }
0xf: {  	s5 =	sadd.s32 $0x16E4000, s9;
	s14 =	sshll.u32 s12, $0x2;
	s13 =	ssub.s32 s31, s15  }
0x10: {  	v1 =	vor.u32 $0x400, v0;
	v2 =	vor.u32 $0x800, v0;
	v3 =	vor.u32 $0xC00, v0;
	s12 =	sshrl.u32 s12, $0x3;
	s15 =	simm.s32 $0x400;
	s14 =	sadd.s32 s14, s9  }
0x11: {  	v4 =	vor.u32 $0x1000, v0;
	v5 =	vor.u32 $0x1400, v0;
	v6 =	vor.u32 $0x1800, v0;
	s6 =	sadd.s32 s6, s12;
	s7 =	sadd.s32 s7, s12;
	s8 =	sadd.s32 s8, s12  }
0x12: {  	v7 =	vor.u32 $0x1C00, v0;
	v8 =	vor.u32 $0x2000, v0;
	v9 =	vor.u32 $0x2400, v0;
	s9 =	sadd.s32 s10, s12;
	s10 =	sadd.s32 s11, s12;
	s12 =	smax.u32 s13, $0x1  }
0x13: {  	v10 =	vor.u32 $0x2800, v0;
	v11 =	vor.u32 $0x2C00, v0;
	v12 =	vor.u32 $0x3000, v0;
	s13 =	simm.s32 $0x2;
	s11 =	sadd.s32 $0xA00, s14;
	s14 =	simm.s32 $0x200  }
.LBB2_1:
0x14: {  	[tilespmem:s2], [sflag:$0x2] =	stream.linear.gather [hbm4b:s6+s2], $0x200, $0x38;
	[tilespmem:$0x1CA00] =	vst v63  }
0x15: {  	_ =	swait.ge [sflag:s13], $0x200  }
0x16: {  	[sflag:s13] =	ssyncset.done $0x0  }
0x17: {  	[sflag:s13] =	ssyncadd.s32 $0xFFFFFE00  }
0x18: {  	[tilespmem:s14], [sflag:$0x2] =	stream.linear.gather [hbm4b:s7+s2], $0x200, $0x38;
	[tilespmem:$0x1CA00] =	vst v63  }
0x19: {  	_ =	swait.ge [sflag:s13], $0x200  }
0x1a: {  	[sflag:s13] =	ssyncset.done $0x0  }
0x1b: {  	[sflag:s13] =	ssyncadd.s32 $0xFFFFFE00  }
0x1c: {  	[tilespmem:s15], [sflag:$0x2] =	stream.linear.gather [hbm4b:s8+s2], $0x200, $0x38;
	[tilespmem:$0x1CA00] =	vst v63  }
0x1d: {  	_ =	swait.ge [sflag:s13], $0x200  }
0x1e: {  	[sflag:s13] =	ssyncset.done $0x0  }
0x1f: {  	[sflag:s13] =	ssyncadd.s32 $0xFFFFFE00  }
0x20: {  	[tilespmem:s16], [sflag:$0x1] =	stream.indirect.gather [hbm4b:s3+s14], $0x40, s2, s14, $0xb8;
	[tilespmem:$0x1CA00] =	vst v63  }
0x21: {  	_ = 	snop  }
0x22: {  	[tilespmem:s17], [sflag:$0x1] =	stream.indirect.gather [hbm4b:s4+s14], $0x40, s14, s14, $0xb8;
	[tilespmem:$0x1CA00] =	vst v63  }
0x23: {  	_ = 	snop  }
0x24: {  	[tilespmem:s18], [sflag:$0x1] =	stream.indirect.gather [hbm4b:s4+s14], $0x40, s15, s14, $0xb8;
	[tilespmem:$0x1CA00] =	vst v63  }
0x25: {  	_ = 	snop  }
0x26: {  	[tilespmem:s19], [sflag:$0x1] =	stream.indirect.gather [hbm4b:s5+s14], $0x20, s2, s14, $0xb8;
	[tilespmem:$0x1CA00] =	vst v63  }
0x27: {  	_ =	swait.ge [sflag:s20], $0x8000  }
0x28: {  	[sflag:s20] =	ssyncset.done $0x0  }
0x29: {  	[sflag:s20] =	ssyncadd.s32 $0xFFFF8000  }
0x2a: {  	v13 =	vmov s2;
	_ =	swait.ge [sflag:s20], $0x8000  }
0x2b: {  	v13 =	vand.u32 $0x3F, v13;
	[sflag:s20] =	ssyncset.done $0x0  }
0x2c: {  	v13 =	vbroadcast v13, $0x0;
	[sflag:s20] =	ssyncadd.s32 $0xFFFF8000  }
0x2d: {  	_ =	swait.ge [sflag:s20], $0x8000  }
0x2e: {  	s24 =	simm.s32 $0x1;
	v13 =	vor.u32 v0, v13;
	[sflag:s20] =	ssyncset.done $0x0  }
0x2f: {  	v14 =	vmov s24;
	[sflag:s20] =	ssyncadd.s32 $0xFFFF8000  }
0x30: {  	v14 =	vand.u32 $0x3F, v14;
	_ =	swait.ge [sflag:s20], $0x4000  }
0x31: {  	v14 =	vbroadcast v14, $0x0;
	[sflag:s20] =	ssyncset.done $0x0  }
0x32: {  	[sflag:s20] =	ssyncadd.s32 $0xFFFFC000  }
0x33: {  	v16 =	vor.u32 v0, v14;
	v17 =	vld.idx.msk [tilespmem:v13+s16+$0x0], $0xffff  }
0x34: {  	s31 =	simm.s32 $0x2;
	v19 =	vld.idx.msk [tilespmem:v13+s18+$0x0], $0xffff  }
0x35: {  	v21 =	vld.idx.msk [tilespmem:v13+s17+$0x0], $0xffff;
	v13 =	vmov s31  }
0x36: {  	v13 =	vand.u32 $0x3F, v13  }
0x37: {  	v15 =	vbroadcast v13, $0x0  }
0x38: {  	v13 =	vld.idx.msk [tilespmem:v16+s16+$0x0], $0xffff  }
0x39: {  	v18 =	vor.u32 v0, v15;
	v15 =	vld.idx.msk [tilespmem:v16+s18+$0x0], $0xffff;
	v20 =	vmul.f32 v19, v17  }
0x3a: {  	s24 =	simm.s32 $0x3;
	v14 =	vimm.f32 $0.0e+00;
	v16 =	vld.idx.msk [tilespmem:v16+s17+$0x0], $0xffff;
	v21 =	vmul.f32 v21, v17;
	v17 =	vimm.f32 $0.0e+00;
	v19 =	vmovc v18  }
.LBB2_2:
0x3b: {  	v22 =	vmov s24;
	v14 =	vadd.f32 v20, v14;
	p0 =	sne.s32 s24, $0x3F  }
.Ltmp0:
0x3c: {  	s24 =	sadd.s32 $0x1, s24;
	v20 =	vand.u32 $0x3F, v22;
	v17 =	vadd.f32 v21, v17;
	(pc) =	sbr.rel @p0 .LBB2_2-.Ltmp0, $4  }
0x3d: {  	v20 =	vbroadcast v20, $0x0  }
0x3e: {  	v21 =	vmov v13;
	v13 =	vld.idx.msk [tilespmem:v18+s16+$0x0], $0xffff  }
0x3f: {  	v18 =	vor.u32 v0, v20;
	v20 =	vmul.f32 v15, v21;
	v15 =	vld.idx.msk [tilespmem:v19+s18+$0x0], $0xffff  }
0x40: {  	v21 =	vmul.f32 v16, v21;
	v16 =	vld.idx.msk [tilespmem:v19+s17+$0x0], $0xffff;
	v19 =	vmov v18  }
0x41: {  	_ =	sdelay $0x3  }
0x42: {  	v18 =	vld.idx.msk [tilespmem:v18+s16+$0x0], $0xffff  }
0x43: {  	v22 =	vld.idx.msk [tilespmem:v19+s17+$0x0], $0xffff  }
0x44: {  	v19 =	vld.idx.msk [tilespmem:v19+s18+$0x0], $0xffff;
	s24 =	simm.s32 $0x0  }
0x45: {  	v23 =	vmov s24  }
0x46: {  	v17 =	vadd.f32 v21, v17;
	v21 =	vand.u32 $0x3F, v23;
	v16 =	vmul.f32 v16, v13  }
0x47: {  	v14 =	vadd.f32 v20, v14;
	v13 =	vmul.f32 v15, v13;
	v15 =	vbroadcast v21, $0x0  }
0x48: {  	v16 =	vadd.f32 v16, v17;
	v17 =	vmul.f32 v22, v18  }
0x49: {  	s30 =	simm.s32 $0x1;
	v13 =	vadd.f32 v13, v14;
	v14 =	vmul.f32 v19, v18;
	v15 =	vor.u32 v1, v15  }
0x4a: {  	v16 =	vadd.f32 v17, v16;
	v17 =	vmov s30  }
0x4b: {  	v13 =	vadd.f32 v14, v13;
	v14 =	vand.u32 $0x3F, v17  }
0x4c: {  	[tilespmem:$0x1C600] =	vst v16;
	v14 =	vbroadcast v14, $0x0  }
0x4d: {  	[tilespmem:$0x1C800] =	vst v13  }
0x4e: {  	v17 =	vld.idx.msk [tilespmem:v15+s16+$0x0], $0xffff;
	v16 =	vor.u32 v1, v14  }
0x4f: {  	s31 =	simm.s32 $0x2;
	v19 =	vld.idx.msk [tilespmem:v15+s18+$0x0], $0xffff  }
0x50: {  	v13 =	vmov s31;
	v21 =	vld.idx.msk [tilespmem:v15+s17+$0x0], $0xffff  }
0x51: {  	v13 =	vand.u32 $0x3F, v13  }
0x52: {  	v15 =	vbroadcast v13, $0x0  }
0x53: {  	v13 =	vld.idx.msk [tilespmem:v16+s16+$0x0], $0xffff  }
0x54: {  	v18 =	vor.u32 v1, v15;
	v20 =	vmul.f32 v19, v17;
	v15 =	vld.idx.msk [tilespmem:v16+s18+$0x0], $0xffff  }
0x55: {  	s24 =	simm.s32 $0x3;
	v14 =	vimm.f32 $0.0e+00;
	v21 =	vmul.f32 v21, v17;
	v17 =	vimm.f32 $0.0e+00;
	v19 =	vmovc v18;
	v16 =	vld.idx.msk [tilespmem:v16+s17+$0x0], $0xffff  }
.LBB2_4:
0x56: {  	v22 =	vmov s24;
	v14 =	vadd.f32 v20, v14;
	p0 =	sne.s32 s24, $0x3F  }
.Ltmp1:
0x57: {  	s24 =	sadd.s32 $0x1, s24;
	v20 =	vand.u32 $0x3F, v22;
	v17 =	vadd.f32 v21, v17;
	(pc) =	sbr.rel @p0 .LBB2_4-.Ltmp1, $4  }
0x58: {  	v20 =	vbroadcast v20, $0x0  }
0x59: {  	v21 =	vmov v13;
	v13 =	vld.idx.msk [tilespmem:v18+s16+$0x0], $0xffff  }
0x5a: {  	v18 =	vor.u32 v1, v20;
	v20 =	vmul.f32 v15, v21;
	v15 =	vld.idx.msk [tilespmem:v19+s18+$0x0], $0xffff  }
0x5b: {  	v21 =	vmul.f32 v16, v21;
	v16 =	vld.idx.msk [tilespmem:v19+s17+$0x0], $0xffff;
	v19 =	vmov v18  }
0x5c: {  	_ =	sdelay $0x3  }
0x5d: {  	v18 =	vld.idx.msk [tilespmem:v18+s16+$0x0], $0xffff  }
0x5e: {  	v22 =	vld.idx.msk [tilespmem:v19+s17+$0x0], $0xffff  }
0x5f: {  	v19 =	vld.idx.msk [tilespmem:v19+s18+$0x0], $0xffff;
	s24 =	simm.s32 $0x0  }
0x60: {  	v23 =	vmov s24  }
0x61: {  	v17 =	vadd.f32 v21, v17;
	v21 =	vand.u32 $0x3F, v23;
	v16 =	vmul.f32 v16, v13  }
0x62: {  	v14 =	vadd.f32 v20, v14;
	v13 =	vmul.f32 v15, v13;
	v15 =	vbroadcast v21, $0x0  }
0x63: {  	v16 =	vadd.f32 v16, v17;
	v17 =	vmul.f32 v22, v18  }
0x64: {  	s30 =	simm.s32 $0x1;
	v13 =	vadd.f32 v13, v14;
	v14 =	vmul.f32 v19, v18;
	v15 =	vor.u32 v2, v15  }
0x65: {  	v16 =	vadd.f32 v17, v16;
	v17 =	vmov s30  }
0x66: {  	v13 =	vadd.f32 v14, v13;
	v14 =	vand.u32 $0x3F, v17  }
0x67: {  	[tilespmem:$0x1C610] =	vst v16;
	v14 =	vbroadcast v14, $0x0  }
0x68: {  	[tilespmem:$0x1C810] =	vst v13  }
0x69: {  	v17 =	vld.idx.msk [tilespmem:v15+s16+$0x0], $0xffff;
	v16 =	vor.u32 v2, v14  }
0x6a: {  	s31 =	simm.s32 $0x2;
	v19 =	vld.idx.msk [tilespmem:v15+s18+$0x0], $0xffff  }
0x6b: {  	v13 =	vmov s31;
	v21 =	vld.idx.msk [tilespmem:v15+s17+$0x0], $0xffff  }
0x6c: {  	v13 =	vand.u32 $0x3F, v13  }
0x6d: {  	v15 =	vbroadcast v13, $0x0  }
0x6e: {  	v13 =	vld.idx.msk [tilespmem:v16+s16+$0x0], $0xffff  }
0x6f: {  	v18 =	vor.u32 v2, v15;
	v20 =	vmul.f32 v19, v17;
	v15 =	vld.idx.msk [tilespmem:v16+s18+$0x0], $0xffff  }
0x70: {  	s24 =	simm.s32 $0x3;
	v14 =	vimm.f32 $0.0e+00;
	v21 =	vmul.f32 v21, v17;
	v17 =	vimm.f32 $0.0e+00;
	v19 =	vmovc v18;
	v16 =	vld.idx.msk [tilespmem:v16+s17+$0x0], $0xffff  }
.LBB2_6:
0x71: {  	v22 =	vmov s24;
	v14 =	vadd.f32 v20, v14;
	p0 =	sne.s32 s24, $0x3F  }
.Ltmp2:
0x72: {  	s24 =	sadd.s32 $0x1, s24;
	v20 =	vand.u32 $0x3F, v22;
	v17 =	vadd.f32 v21, v17;
	(pc) =	sbr.rel @p0 .LBB2_6-.Ltmp2, $4  }
0x73: {  	v20 =	vbroadcast v20, $0x0  }
0x74: {  	v21 =	vmov v13;
	v13 =	vld.idx.msk [tilespmem:v18+s16+$0x0], $0xffff  }
0x75: {  	v18 =	vor.u32 v2, v20;
	v20 =	vmul.f32 v15, v21;
	v15 =	vld.idx.msk [tilespmem:v19+s18+$0x0], $0xffff  }
0x76: {  	v21 =	vmul.f32 v16, v21;
	v16 =	vld.idx.msk [tilespmem:v19+s17+$0x0], $0xffff;
	v19 =	vmov v18  }
0x77: {  	_ =	sdelay $0x3  }
0x78: {  	v18 =	vld.idx.msk [tilespmem:v18+s16+$0x0], $0xffff  }
0x79: {  	v22 =	vld.idx.msk [tilespmem:v19+s17+$0x0], $0xffff  }
0x7a: {  	v19 =	vld.idx.msk [tilespmem:v19+s18+$0x0], $0xffff;
	s24 =	simm.s32 $0x0  }
0x7b: {  	v23 =	vmov s24  }
0x7c: {  	v17 =	vadd.f32 v21, v17;
	v21 =	vand.u32 $0x3F, v23;
	v16 =	vmul.f32 v16, v13  }
0x7d: {  	v14 =	vadd.f32 v20, v14;
	v13 =	vmul.f32 v15, v13;
	v15 =	vbroadcast v21, $0x0  }
0x7e: {  	v16 =	vadd.f32 v16, v17;
	v17 =	vmul.f32 v22, v18  }
0x7f: {  	s30 =	simm.s32 $0x1;
	v13 =	vadd.f32 v13, v14;
	v14 =	vmul.f32 v19, v18;
	v15 =	vor.u32 v3, v15  }
0x80: {  	v16 =	vadd.f32 v17, v16;
	v17 =	vmov s30  }
0x81: {  	v13 =	vadd.f32 v14, v13;
	v14 =	vand.u32 $0x3F, v17  }
0x82: {  	[tilespmem:$0x1C620] =	vst v16;
	v14 =	vbroadcast v14, $0x0  }
0x83: {  	[tilespmem:$0x1C820] =	vst v13  }
0x84: {  	v17 =	vld.idx.msk [tilespmem:v15+s16+$0x0], $0xffff;
	v16 =	vor.u32 v3, v14  }
0x85: {  	s31 =	simm.s32 $0x2;
	v19 =	vld.idx.msk [tilespmem:v15+s18+$0x0], $0xffff  }
0x86: {  	v13 =	vmov s31;
	v21 =	vld.idx.msk [tilespmem:v15+s17+$0x0], $0xffff  }
0x87: {  	v13 =	vand.u32 $0x3F, v13  }
0x88: {  	v15 =	vbroadcast v13, $0x0  }
0x89: {  	v13 =	vld.idx.msk [tilespmem:v16+s16+$0x0], $0xffff  }
0x8a: {  	v18 =	vor.u32 v3, v15;
	v20 =	vmul.f32 v19, v17;
	v15 =	vld.idx.msk [tilespmem:v16+s18+$0x0], $0xffff  }
0x8b: {  	s24 =	simm.s32 $0x3;
	v14 =	vimm.f32 $0.0e+00;
	v21 =	vmul.f32 v21, v17;
	v17 =	vimm.f32 $0.0e+00;
	v19 =	vmovc v18;
	v16 =	vld.idx.msk [tilespmem:v16+s17+$0x0], $0xffff  }
.LBB2_8:
0x8c: {  	v22 =	vmov s24;
	v14 =	vadd.f32 v20, v14;
	p0 =	sne.s32 s24, $0x3F  }
.Ltmp3:
0x8d: {  	s24 =	sadd.s32 $0x1, s24;
	v20 =	vand.u32 $0x3F, v22;
	v17 =	vadd.f32 v21, v17;
	(pc) =	sbr.rel @p0 .LBB2_8-.Ltmp3, $4  }
0x8e: {  	v20 =	vbroadcast v20, $0x0  }
0x8f: {  	v21 =	vmov v13;
	v13 =	vld.idx.msk [tilespmem:v18+s16+$0x0], $0xffff  }
0x90: {  	v18 =	vor.u32 v3, v20;
	v20 =	vmul.f32 v15, v21;
	v15 =	vld.idx.msk [tilespmem:v19+s18+$0x0], $0xffff  }
0x91: {  	v21 =	vmul.f32 v16, v21;
	v16 =	vld.idx.msk [tilespmem:v19+s17+$0x0], $0xffff;
	v19 =	vmov v18  }
0x92: {  	_ =	sdelay $0x3  }
0x93: {  	v18 =	vld.idx.msk [tilespmem:v18+s16+$0x0], $0xffff  }
0x94: {  	v22 =	vld.idx.msk [tilespmem:v19+s17+$0x0], $0xffff  }
0x95: {  	v19 =	vld.idx.msk [tilespmem:v19+s18+$0x0], $0xffff;
	s24 =	simm.s32 $0x0  }
0x96: {  	v23 =	vmov s24  }
0x97: {  	v17 =	vadd.f32 v21, v17;
	v21 =	vand.u32 $0x3F, v23;
	v16 =	vmul.f32 v16, v13  }
0x98: {  	v14 =	vadd.f32 v20, v14;
	v13 =	vmul.f32 v15, v13;
	v15 =	vbroadcast v21, $0x0  }
0x99: {  	v16 =	vadd.f32 v16, v17;
	v17 =	vmul.f32 v22, v18  }
0x9a: {  	s30 =	simm.s32 $0x1;
	v13 =	vadd.f32 v13, v14;
	v14 =	vmul.f32 v19, v18;
	v15 =	vor.u32 v4, v15  }
0x9b: {  	v16 =	vadd.f32 v17, v16;
	v17 =	vmov s30  }
0x9c: {  	v13 =	vadd.f32 v14, v13;
	v14 =	vand.u32 $0x3F, v17  }
0x9d: {  	[tilespmem:$0x1C630] =	vst v16;
	v14 =	vbroadcast v14, $0x0  }
0x9e: {  	[tilespmem:$0x1C830] =	vst v13  }
0x9f: {  	v17 =	vld.idx.msk [tilespmem:v15+s16+$0x0], $0xffff;
	v16 =	vor.u32 v4, v14  }
0xa0: {  	s31 =	simm.s32 $0x2;
	v19 =	vld.idx.msk [tilespmem:v15+s18+$0x0], $0xffff  }
0xa1: {  	v13 =	vmov s31;
	v21 =	vld.idx.msk [tilespmem:v15+s17+$0x0], $0xffff  }
0xa2: {  	v13 =	vand.u32 $0x3F, v13  }
0xa3: {  	v15 =	vbroadcast v13, $0x0  }
0xa4: {  	v13 =	vld.idx.msk [tilespmem:v16+s16+$0x0], $0xffff  }
0xa5: {  	v18 =	vor.u32 v4, v15;
	v20 =	vmul.f32 v19, v17;
	v15 =	vld.idx.msk [tilespmem:v16+s18+$0x0], $0xffff  }
0xa6: {  	s24 =	simm.s32 $0x3;
	v14 =	vimm.f32 $0.0e+00;
	v21 =	vmul.f32 v21, v17;
	v17 =	vimm.f32 $0.0e+00;
	v19 =	vmovc v18;
	v16 =	vld.idx.msk [tilespmem:v16+s17+$0x0], $0xffff  }
.LBB2_10:
0xa7: {  	v22 =	vmov s24;
	v14 =	vadd.f32 v20, v14;
	p0 =	sne.s32 s24, $0x3F  }
.Ltmp4:
0xa8: {  	s24 =	sadd.s32 $0x1, s24;
	v20 =	vand.u32 $0x3F, v22;
	v17 =	vadd.f32 v21, v17;
	(pc) =	sbr.rel @p0 .LBB2_10-.Ltmp4, $4  }
0xa9: {  	v20 =	vbroadcast v20, $0x0  }
0xaa: {  	v21 =	vmov v13;
	v13 =	vld.idx.msk [tilespmem:v18+s16+$0x0], $0xffff  }
0xab: {  	v18 =	vor.u32 v4, v20;
	v20 =	vmul.f32 v15, v21;
	v15 =	vld.idx.msk [tilespmem:v19+s18+$0x0], $0xffff  }
0xac: {  	v21 =	vmul.f32 v16, v21;
	v16 =	vld.idx.msk [tilespmem:v19+s17+$0x0], $0xffff;
	v19 =	vmov v18  }
0xad: {  	_ =	sdelay $0x3  }
0xae: {  	v18 =	vld.idx.msk [tilespmem:v18+s16+$0x0], $0xffff  }
0xaf: {  	v22 =	vld.idx.msk [tilespmem:v19+s17+$0x0], $0xffff  }
0xb0: {  	v19 =	vld.idx.msk [tilespmem:v19+s18+$0x0], $0xffff;
	s24 =	simm.s32 $0x0  }
0xb1: {  	v23 =	vmov s24  }
0xb2: {  	v17 =	vadd.f32 v21, v17;
	v21 =	vand.u32 $0x3F, v23;
	v16 =	vmul.f32 v16, v13  }
0xb3: {  	v14 =	vadd.f32 v20, v14;
	v13 =	vmul.f32 v15, v13;
	v15 =	vbroadcast v21, $0x0  }
0xb4: {  	v16 =	vadd.f32 v16, v17;
	v17 =	vmul.f32 v22, v18  }
0xb5: {  	s30 =	simm.s32 $0x1;
	v13 =	vadd.f32 v13, v14;
	v14 =	vmul.f32 v19, v18;
	v15 =	vor.u32 v5, v15  }
0xb6: {  	v16 =	vadd.f32 v17, v16;
	v17 =	vmov s30  }
0xb7: {  	v13 =	vadd.f32 v14, v13;
	v14 =	vand.u32 $0x3F, v17  }
0xb8: {  	[tilespmem:$0x1C640] =	vst v16;
	v14 =	vbroadcast v14, $0x0  }
0xb9: {  	[tilespmem:$0x1C840] =	vst v13  }
0xba: {  	v17 =	vld.idx.msk [tilespmem:v15+s16+$0x0], $0xffff;
	v16 =	vor.u32 v5, v14  }
0xbb: {  	s31 =	simm.s32 $0x2;
	v19 =	vld.idx.msk [tilespmem:v15+s18+$0x0], $0xffff  }
0xbc: {  	v13 =	vmov s31;
	v21 =	vld.idx.msk [tilespmem:v15+s17+$0x0], $0xffff  }
0xbd: {  	v13 =	vand.u32 $0x3F, v13  }
0xbe: {  	v15 =	vbroadcast v13, $0x0  }
0xbf: {  	v13 =	vld.idx.msk [tilespmem:v16+s16+$0x0], $0xffff  }
0xc0: {  	v18 =	vor.u32 v5, v15;
	v20 =	vmul.f32 v19, v17;
	v15 =	vld.idx.msk [tilespmem:v16+s18+$0x0], $0xffff  }
0xc1: {  	s24 =	simm.s32 $0x3;
	v14 =	vimm.f32 $0.0e+00;
	v21 =	vmul.f32 v21, v17;
	v17 =	vimm.f32 $0.0e+00;
	v19 =	vmovc v18;
	v16 =	vld.idx.msk [tilespmem:v16+s17+$0x0], $0xffff  }
.LBB2_12:
0xc2: {  	v22 =	vmov s24;
	v14 =	vadd.f32 v20, v14;
	p0 =	sne.s32 s24, $0x3F  }
.Ltmp5:
0xc3: {  	s24 =	sadd.s32 $0x1, s24;
	v20 =	vand.u32 $0x3F, v22;
	v17 =	vadd.f32 v21, v17;
	(pc) =	sbr.rel @p0 .LBB2_12-.Ltmp5, $4  }
0xc4: {  	v20 =	vbroadcast v20, $0x0  }
0xc5: {  	v21 =	vmov v13;
	v13 =	vld.idx.msk [tilespmem:v18+s16+$0x0], $0xffff  }
0xc6: {  	v18 =	vor.u32 v5, v20;
	v20 =	vmul.f32 v15, v21;
	v15 =	vld.idx.msk [tilespmem:v19+s18+$0x0], $0xffff  }
0xc7: {  	v21 =	vmul.f32 v16, v21;
	v16 =	vld.idx.msk [tilespmem:v19+s17+$0x0], $0xffff;
	v19 =	vmov v18  }
0xc8: {  	_ =	sdelay $0x3  }
0xc9: {  	v18 =	vld.idx.msk [tilespmem:v18+s16+$0x0], $0xffff  }
0xca: {  	v22 =	vld.idx.msk [tilespmem:v19+s17+$0x0], $0xffff  }
0xcb: {  	v19 =	vld.idx.msk [tilespmem:v19+s18+$0x0], $0xffff;
	s24 =	simm.s32 $0x0  }
0xcc: {  	v23 =	vmov s24  }
0xcd: {  	v17 =	vadd.f32 v21, v17;
	v21 =	vand.u32 $0x3F, v23;
	v16 =	vmul.f32 v16, v13  }
0xce: {  	v14 =	vadd.f32 v20, v14;
	v13 =	vmul.f32 v15, v13;
	v15 =	vbroadcast v21, $0x0  }
0xcf: {  	v16 =	vadd.f32 v16, v17;
	v17 =	vmul.f32 v22, v18  }
0xd0: {  	s30 =	simm.s32 $0x1;
	v13 =	vadd.f32 v13, v14;
	v14 =	vmul.f32 v19, v18;
	v15 =	vor.u32 v6, v15  }
0xd1: {  	v16 =	vadd.f32 v17, v16;
	v17 =	vmov s30  }
0xd2: {  	v13 =	vadd.f32 v14, v13;
	v14 =	vand.u32 $0x3F, v17  }
0xd3: {  	[tilespmem:$0x1C650] =	vst v16;
	v14 =	vbroadcast v14, $0x0  }
0xd4: {  	[tilespmem:$0x1C850] =	vst v13  }
0xd5: {  	v17 =	vld.idx.msk [tilespmem:v15+s16+$0x0], $0xffff;
	v16 =	vor.u32 v6, v14  }
0xd6: {  	s31 =	simm.s32 $0x2;
	v19 =	vld.idx.msk [tilespmem:v15+s18+$0x0], $0xffff  }
0xd7: {  	v13 =	vmov s31;
	v21 =	vld.idx.msk [tilespmem:v15+s17+$0x0], $0xffff  }
0xd8: {  	v13 =	vand.u32 $0x3F, v13  }
0xd9: {  	v15 =	vbroadcast v13, $0x0  }
0xda: {  	v13 =	vld.idx.msk [tilespmem:v16+s16+$0x0], $0xffff  }
0xdb: {  	v18 =	vor.u32 v6, v15;
	v20 =	vmul.f32 v19, v17;
	v15 =	vld.idx.msk [tilespmem:v16+s18+$0x0], $0xffff  }
0xdc: {  	s24 =	simm.s32 $0x3;
	v14 =	vimm.f32 $0.0e+00;
	v21 =	vmul.f32 v21, v17;
	v17 =	vimm.f32 $0.0e+00;
	v19 =	vmovc v18;
	v16 =	vld.idx.msk [tilespmem:v16+s17+$0x0], $0xffff  }
.LBB2_14:
0xdd: {  	v22 =	vmov s24;
	v14 =	vadd.f32 v20, v14;
	p0 =	sne.s32 s24, $0x3F  }
.Ltmp6:
0xde: {  	s24 =	sadd.s32 $0x1, s24;
	v20 =	vand.u32 $0x3F, v22;
	v17 =	vadd.f32 v21, v17;
	(pc) =	sbr.rel @p0 .LBB2_14-.Ltmp6, $4  }
0xdf: {  	v20 =	vbroadcast v20, $0x0  }
0xe0: {  	v21 =	vmov v13;
	v13 =	vld.idx.msk [tilespmem:v18+s16+$0x0], $0xffff  }
0xe1: {  	v18 =	vor.u32 v6, v20;
	v20 =	vmul.f32 v15, v21;
	v15 =	vld.idx.msk [tilespmem:v19+s18+$0x0], $0xffff  }
0xe2: {  	v21 =	vmul.f32 v16, v21;
	v16 =	vld.idx.msk [tilespmem:v19+s17+$0x0], $0xffff;
	v19 =	vmov v18  }
0xe3: {  	_ =	sdelay $0x3  }
0xe4: {  	v18 =	vld.idx.msk [tilespmem:v18+s16+$0x0], $0xffff  }
0xe5: {  	v22 =	vld.idx.msk [tilespmem:v19+s17+$0x0], $0xffff  }
0xe6: {  	v19 =	vld.idx.msk [tilespmem:v19+s18+$0x0], $0xffff;
	s24 =	simm.s32 $0x0  }
0xe7: {  	v23 =	vmov s24  }
0xe8: {  	v17 =	vadd.f32 v21, v17;
	v21 =	vand.u32 $0x3F, v23;
	v16 =	vmul.f32 v16, v13  }
0xe9: {  	v14 =	vadd.f32 v20, v14;
	v13 =	vmul.f32 v15, v13;
	v15 =	vbroadcast v21, $0x0  }
0xea: {  	v16 =	vadd.f32 v16, v17;
	v17 =	vmul.f32 v22, v18  }
0xeb: {  	s30 =	simm.s32 $0x1;
	v13 =	vadd.f32 v13, v14;
	v14 =	vmul.f32 v19, v18;
	v15 =	vor.u32 v7, v15  }
0xec: {  	v16 =	vadd.f32 v17, v16;
	v17 =	vmov s30  }
0xed: {  	v13 =	vadd.f32 v14, v13;
	v14 =	vand.u32 $0x3F, v17  }
0xee: {  	[tilespmem:$0x1C660] =	vst v16;
	v14 =	vbroadcast v14, $0x0  }
0xef: {  	[tilespmem:$0x1C860] =	vst v13  }
0xf0: {  	v17 =	vld.idx.msk [tilespmem:v15+s16+$0x0], $0xffff;
	v16 =	vor.u32 v7, v14  }
0xf1: {  	s31 =	simm.s32 $0x2;
	v19 =	vld.idx.msk [tilespmem:v15+s18+$0x0], $0xffff  }
0xf2: {  	v13 =	vmov s31;
	v21 =	vld.idx.msk [tilespmem:v15+s17+$0x0], $0xffff  }
0xf3: {  	v13 =	vand.u32 $0x3F, v13  }
0xf4: {  	v15 =	vbroadcast v13, $0x0  }
0xf5: {  	v13 =	vld.idx.msk [tilespmem:v16+s16+$0x0], $0xffff  }
0xf6: {  	v18 =	vor.u32 v7, v15;
	v20 =	vmul.f32 v19, v17;
	v15 =	vld.idx.msk [tilespmem:v16+s18+$0x0], $0xffff  }
0xf7: {  	s24 =	simm.s32 $0x3;
	v14 =	vimm.f32 $0.0e+00;
	v21 =	vmul.f32 v21, v17;
	v17 =	vimm.f32 $0.0e+00;
	v19 =	vmovc v18;
	v16 =	vld.idx.msk [tilespmem:v16+s17+$0x0], $0xffff  }
.LBB2_16:
0xf8: {  	v22 =	vmov s24;
	v14 =	vadd.f32 v20, v14;
	p0 =	sne.s32 s24, $0x3F  }
.Ltmp7:
0xf9: {  	s24 =	sadd.s32 $0x1, s24;
	v20 =	vand.u32 $0x3F, v22;
	v17 =	vadd.f32 v21, v17;
	(pc) =	sbr.rel @p0 .LBB2_16-.Ltmp7, $4  }
0xfa: {  	v20 =	vbroadcast v20, $0x0  }
0xfb: {  	v21 =	vmov v13;
	v13 =	vld.idx.msk [tilespmem:v18+s16+$0x0], $0xffff  }
0xfc: {  	v18 =	vor.u32 v7, v20;
	v20 =	vmul.f32 v15, v21;
	v15 =	vld.idx.msk [tilespmem:v19+s18+$0x0], $0xffff  }
0xfd: {  	v21 =	vmul.f32 v16, v21;
	v16 =	vld.idx.msk [tilespmem:v19+s17+$0x0], $0xffff;
	v19 =	vmov v18  }
0xfe: {  	_ =	sdelay $0x3  }
0xff: {  	v18 =	vld.idx.msk [tilespmem:v18+s16+$0x0], $0xffff  }
0x100: {  	v22 =	vld.idx.msk [tilespmem:v19+s17+$0x0], $0xffff  }
0x101: {  	v19 =	vld.idx.msk [tilespmem:v19+s18+$0x0], $0xffff;
	s24 =	simm.s32 $0x0  }
0x102: {  	v23 =	vmov s24  }
0x103: {  	v17 =	vadd.f32 v21, v17;
	v21 =	vand.u32 $0x3F, v23;
	v16 =	vmul.f32 v16, v13  }
0x104: {  	v14 =	vadd.f32 v20, v14;
	v13 =	vmul.f32 v15, v13;
	v15 =	vbroadcast v21, $0x0  }
0x105: {  	v16 =	vadd.f32 v16, v17;
	v17 =	vmul.f32 v22, v18  }
0x106: {  	s30 =	simm.s32 $0x1;
	v13 =	vadd.f32 v13, v14;
	v14 =	vmul.f32 v19, v18;
	v15 =	vor.u32 v8, v15  }
0x107: {  	v16 =	vadd.f32 v17, v16;
	v17 =	vmov s30  }
0x108: {  	v13 =	vadd.f32 v14, v13;
	v14 =	vand.u32 $0x3F, v17  }
0x109: {  	[tilespmem:$0x1C670] =	vst v16;
	v14 =	vbroadcast v14, $0x0  }
0x10a: {  	[tilespmem:$0x1C870] =	vst v13  }
0x10b: {  	v17 =	vld.idx.msk [tilespmem:v15+s16+$0x0], $0xffff;
	v16 =	vor.u32 v8, v14  }
0x10c: {  	s31 =	simm.s32 $0x2;
	v19 =	vld.idx.msk [tilespmem:v15+s18+$0x0], $0xffff  }
0x10d: {  	v13 =	vmov s31;
	v21 =	vld.idx.msk [tilespmem:v15+s17+$0x0], $0xffff  }
0x10e: {  	v13 =	vand.u32 $0x3F, v13  }
0x10f: {  	v15 =	vbroadcast v13, $0x0  }
0x110: {  	v13 =	vld.idx.msk [tilespmem:v16+s16+$0x0], $0xffff  }
0x111: {  	v18 =	vor.u32 v8, v15;
	v20 =	vmul.f32 v19, v17;
	v15 =	vld.idx.msk [tilespmem:v16+s18+$0x0], $0xffff  }
0x112: {  	s24 =	simm.s32 $0x3;
	v14 =	vimm.f32 $0.0e+00;
	v21 =	vmul.f32 v21, v17;
	v17 =	vimm.f32 $0.0e+00;
	v19 =	vmovc v18;
	v16 =	vld.idx.msk [tilespmem:v16+s17+$0x0], $0xffff  }
.LBB2_18:
0x113: {  	v22 =	vmov s24;
	v14 =	vadd.f32 v20, v14;
	p0 =	sne.s32 s24, $0x3F  }
.Ltmp8:
0x114: {  	s24 =	sadd.s32 $0x1, s24;
	v20 =	vand.u32 $0x3F, v22;
	v17 =	vadd.f32 v21, v17;
	(pc) =	sbr.rel @p0 .LBB2_18-.Ltmp8, $4  }
0x115: {  	v20 =	vbroadcast v20, $0x0  }
0x116: {  	v21 =	vmov v13;
	v13 =	vld.idx.msk [tilespmem:v18+s16+$0x0], $0xffff  }
0x117: {  	v18 =	vor.u32 v8, v20;
	v20 =	vmul.f32 v15, v21;
	v15 =	vld.idx.msk [tilespmem:v19+s18+$0x0], $0xffff  }
0x118: {  	v21 =	vmul.f32 v16, v21;
	v16 =	vld.idx.msk [tilespmem:v19+s17+$0x0], $0xffff;
	v19 =	vmov v18  }
0x119: {  	_ =	sdelay $0x3  }
0x11a: {  	v18 =	vld.idx.msk [tilespmem:v18+s16+$0x0], $0xffff  }
0x11b: {  	v22 =	vld.idx.msk [tilespmem:v19+s17+$0x0], $0xffff  }
0x11c: {  	v19 =	vld.idx.msk [tilespmem:v19+s18+$0x0], $0xffff;
	s24 =	simm.s32 $0x0  }
0x11d: {  	v23 =	vmov s24  }
0x11e: {  	v17 =	vadd.f32 v21, v17;
	v21 =	vand.u32 $0x3F, v23;
	v16 =	vmul.f32 v16, v13  }
0x11f: {  	v14 =	vadd.f32 v20, v14;
	v13 =	vmul.f32 v15, v13;
	v15 =	vbroadcast v21, $0x0  }
0x120: {  	v16 =	vadd.f32 v16, v17;
	v17 =	vmul.f32 v22, v18  }
0x121: {  	s30 =	simm.s32 $0x1;
	v13 =	vadd.f32 v13, v14;
	v14 =	vmul.f32 v19, v18;
	v15 =	vor.u32 v9, v15  }
0x122: {  	v16 =	vadd.f32 v17, v16;
	v17 =	vmov s30  }
0x123: {  	v13 =	vadd.f32 v14, v13;
	v14 =	vand.u32 $0x3F, v17  }
0x124: {  	[tilespmem:$0x1C680] =	vst v16;
	v14 =	vbroadcast v14, $0x0  }
0x125: {  	[tilespmem:$0x1C880] =	vst v13  }
0x126: {  	v17 =	vld.idx.msk [tilespmem:v15+s16+$0x0], $0xffff;
	v16 =	vor.u32 v9, v14  }
0x127: {  	s31 =	simm.s32 $0x2;
	v19 =	vld.idx.msk [tilespmem:v15+s18+$0x0], $0xffff  }
0x128: {  	v13 =	vmov s31;
	v21 =	vld.idx.msk [tilespmem:v15+s17+$0x0], $0xffff  }
0x129: {  	v13 =	vand.u32 $0x3F, v13  }
0x12a: {  	v15 =	vbroadcast v13, $0x0  }
0x12b: {  	v13 =	vld.idx.msk [tilespmem:v16+s16+$0x0], $0xffff  }
0x12c: {  	v18 =	vor.u32 v9, v15;
	v20 =	vmul.f32 v19, v17;
	v15 =	vld.idx.msk [tilespmem:v16+s18+$0x0], $0xffff  }
0x12d: {  	s24 =	simm.s32 $0x3;
	v14 =	vimm.f32 $0.0e+00;
	v21 =	vmul.f32 v21, v17;
	v17 =	vimm.f32 $0.0e+00;
	v19 =	vmovc v18;
	v16 =	vld.idx.msk [tilespmem:v16+s17+$0x0], $0xffff  }
.LBB2_20:
0x12e: {  	v22 =	vmov s24;
	v14 =	vadd.f32 v20, v14;
	p0 =	sne.s32 s24, $0x3F  }
.Ltmp9:
0x12f: {  	s24 =	sadd.s32 $0x1, s24;
	v20 =	vand.u32 $0x3F, v22;
	v17 =	vadd.f32 v21, v17;
	(pc) =	sbr.rel @p0 .LBB2_20-.Ltmp9, $4  }
0x130: {  	v20 =	vbroadcast v20, $0x0  }
0x131: {  	v21 =	vmov v13;
	v13 =	vld.idx.msk [tilespmem:v18+s16+$0x0], $0xffff  }
0x132: {  	v18 =	vor.u32 v9, v20;
	v20 =	vmul.f32 v15, v21;
	v15 =	vld.idx.msk [tilespmem:v19+s18+$0x0], $0xffff  }
0x133: {  	v21 =	vmul.f32 v16, v21;
	v16 =	vld.idx.msk [tilespmem:v19+s17+$0x0], $0xffff;
	v19 =	vmov v18  }
0x134: {  	_ =	sdelay $0x3  }
0x135: {  	v18 =	vld.idx.msk [tilespmem:v18+s16+$0x0], $0xffff  }
0x136: {  	v22 =	vld.idx.msk [tilespmem:v19+s17+$0x0], $0xffff  }
0x137: {  	v19 =	vld.idx.msk [tilespmem:v19+s18+$0x0], $0xffff;
	s24 =	simm.s32 $0x0  }
0x138: {  	v23 =	vmov s24  }
0x139: {  	v17 =	vadd.f32 v21, v17;
	v21 =	vand.u32 $0x3F, v23;
	v16 =	vmul.f32 v16, v13  }
0x13a: {  	v14 =	vadd.f32 v20, v14;
	v13 =	vmul.f32 v15, v13;
	v15 =	vbroadcast v21, $0x0  }
0x13b: {  	v16 =	vadd.f32 v16, v17;
	v17 =	vmul.f32 v22, v18  }
0x13c: {  	s30 =	simm.s32 $0x1;
	v13 =	vadd.f32 v13, v14;
	v14 =	vmul.f32 v19, v18;
	v15 =	vor.u32 v10, v15  }
0x13d: {  	v16 =	vadd.f32 v17, v16;
	v17 =	vmov s30  }
0x13e: {  	v13 =	vadd.f32 v14, v13;
	v14 =	vand.u32 $0x3F, v17  }
0x13f: {  	[tilespmem:$0x1C690] =	vst v16;
	v14 =	vbroadcast v14, $0x0  }
0x140: {  	[tilespmem:$0x1C890] =	vst v13  }
0x141: {  	v17 =	vld.idx.msk [tilespmem:v15+s16+$0x0], $0xffff;
	v16 =	vor.u32 v10, v14  }
0x142: {  	s31 =	simm.s32 $0x2;
	v19 =	vld.idx.msk [tilespmem:v15+s18+$0x0], $0xffff  }
0x143: {  	v13 =	vmov s31;
	v21 =	vld.idx.msk [tilespmem:v15+s17+$0x0], $0xffff  }
0x144: {  	v13 =	vand.u32 $0x3F, v13  }
0x145: {  	v15 =	vbroadcast v13, $0x0  }
0x146: {  	v13 =	vld.idx.msk [tilespmem:v16+s16+$0x0], $0xffff  }
0x147: {  	v18 =	vor.u32 v10, v15;
	v20 =	vmul.f32 v19, v17;
	v15 =	vld.idx.msk [tilespmem:v16+s18+$0x0], $0xffff  }
0x148: {  	s24 =	simm.s32 $0x3;
	v14 =	vimm.f32 $0.0e+00;
	v21 =	vmul.f32 v21, v17;
	v17 =	vimm.f32 $0.0e+00;
	v19 =	vmovc v18;
	v16 =	vld.idx.msk [tilespmem:v16+s17+$0x0], $0xffff  }
.LBB2_22:
0x149: {  	v22 =	vmov s24;
	v14 =	vadd.f32 v20, v14;
	p0 =	sne.s32 s24, $0x3F  }
.Ltmp10:
0x14a: {  	s24 =	sadd.s32 $0x1, s24;
	v20 =	vand.u32 $0x3F, v22;
	v17 =	vadd.f32 v21, v17;
	(pc) =	sbr.rel @p0 .LBB2_22-.Ltmp10, $4  }
0x14b: {  	v20 =	vbroadcast v20, $0x0  }
0x14c: {  	v21 =	vmov v13;
	v13 =	vld.idx.msk [tilespmem:v18+s16+$0x0], $0xffff  }
0x14d: {  	v18 =	vor.u32 v10, v20;
	v20 =	vmul.f32 v15, v21;
	v15 =	vld.idx.msk [tilespmem:v19+s18+$0x0], $0xffff  }
0x14e: {  	v21 =	vmul.f32 v16, v21;
	v16 =	vld.idx.msk [tilespmem:v19+s17+$0x0], $0xffff;
	v19 =	vmov v18  }
0x14f: {  	_ =	sdelay $0x3  }
0x150: {  	v18 =	vld.idx.msk [tilespmem:v18+s16+$0x0], $0xffff  }
0x151: {  	v22 =	vld.idx.msk [tilespmem:v19+s17+$0x0], $0xffff  }
0x152: {  	v19 =	vld.idx.msk [tilespmem:v19+s18+$0x0], $0xffff;
	s24 =	simm.s32 $0x0  }
0x153: {  	v23 =	vmov s24  }
0x154: {  	v17 =	vadd.f32 v21, v17;
	v21 =	vand.u32 $0x3F, v23;
	v16 =	vmul.f32 v16, v13  }
0x155: {  	v14 =	vadd.f32 v20, v14;
	v13 =	vmul.f32 v15, v13;
	v15 =	vbroadcast v21, $0x0  }
0x156: {  	v16 =	vadd.f32 v16, v17;
	v17 =	vmul.f32 v22, v18  }
0x157: {  	s30 =	simm.s32 $0x1;
	v13 =	vadd.f32 v13, v14;
	v14 =	vmul.f32 v19, v18;
	v15 =	vor.u32 v11, v15  }
0x158: {  	v16 =	vadd.f32 v17, v16;
	v17 =	vmov s30  }
0x159: {  	v13 =	vadd.f32 v14, v13;
	v14 =	vand.u32 $0x3F, v17  }
0x15a: {  	[tilespmem:$0x1C6A0] =	vst v16;
	v14 =	vbroadcast v14, $0x0  }
0x15b: {  	[tilespmem:$0x1C8A0] =	vst v13  }
0x15c: {  	v17 =	vld.idx.msk [tilespmem:v15+s16+$0x0], $0xffff;
	v16 =	vor.u32 v11, v14  }
0x15d: {  	s31 =	simm.s32 $0x2;
	v19 =	vld.idx.msk [tilespmem:v15+s18+$0x0], $0xffff  }
0x15e: {  	v13 =	vmov s31;
	v21 =	vld.idx.msk [tilespmem:v15+s17+$0x0], $0xffff  }
0x15f: {  	v13 =	vand.u32 $0x3F, v13  }
0x160: {  	v15 =	vbroadcast v13, $0x0  }
0x161: {  	v13 =	vld.idx.msk [tilespmem:v16+s16+$0x0], $0xffff  }
0x162: {  	v18 =	vor.u32 v11, v15;
	v20 =	vmul.f32 v19, v17;
	v15 =	vld.idx.msk [tilespmem:v16+s18+$0x0], $0xffff  }
0x163: {  	s24 =	simm.s32 $0x3;
	v14 =	vimm.f32 $0.0e+00;
	v21 =	vmul.f32 v21, v17;
	v17 =	vimm.f32 $0.0e+00;
	v19 =	vmovc v18;
	v16 =	vld.idx.msk [tilespmem:v16+s17+$0x0], $0xffff  }
.LBB2_24:
0x164: {  	v22 =	vmov s24;
	v14 =	vadd.f32 v20, v14;
	p0 =	sne.s32 s24, $0x3F  }
.Ltmp11:
0x165: {  	s24 =	sadd.s32 $0x1, s24;
	v20 =	vand.u32 $0x3F, v22;
	v17 =	vadd.f32 v21, v17;
	(pc) =	sbr.rel @p0 .LBB2_24-.Ltmp11, $4  }
0x166: {  	v20 =	vbroadcast v20, $0x0  }
0x167: {  	v21 =	vmov v13;
	v13 =	vld.idx.msk [tilespmem:v18+s16+$0x0], $0xffff  }
0x168: {  	v18 =	vor.u32 v11, v20;
	v20 =	vmul.f32 v15, v21;
	v15 =	vld.idx.msk [tilespmem:v19+s18+$0x0], $0xffff  }
0x169: {  	v21 =	vmul.f32 v16, v21;
	v16 =	vld.idx.msk [tilespmem:v19+s17+$0x0], $0xffff;
	v19 =	vmov v18  }
0x16a: {  	_ =	sdelay $0x3  }
0x16b: {  	v18 =	vld.idx.msk [tilespmem:v18+s16+$0x0], $0xffff  }
0x16c: {  	v22 =	vld.idx.msk [tilespmem:v19+s17+$0x0], $0xffff  }
0x16d: {  	v19 =	vld.idx.msk [tilespmem:v19+s18+$0x0], $0xffff;
	s24 =	simm.s32 $0x0  }
0x16e: {  	v23 =	vmov s24  }
0x16f: {  	v17 =	vadd.f32 v21, v17;
	v21 =	vand.u32 $0x3F, v23;
	v16 =	vmul.f32 v16, v13  }
0x170: {  	v14 =	vadd.f32 v20, v14;
	v13 =	vmul.f32 v15, v13;
	v15 =	vbroadcast v21, $0x0  }
0x171: {  	v16 =	vadd.f32 v16, v17;
	v17 =	vmul.f32 v22, v18  }
0x172: {  	s30 =	simm.s32 $0x1;
	v13 =	vadd.f32 v13, v14;
	v14 =	vmul.f32 v19, v18;
	v15 =	vor.u32 v12, v15  }
0x173: {  	v16 =	vadd.f32 v17, v16;
	v17 =	vmov s30  }
0x174: {  	v13 =	vadd.f32 v14, v13;
	v14 =	vand.u32 $0x3F, v17  }
0x175: {  	[tilespmem:$0x1C6B0] =	vst v16;
	v14 =	vbroadcast v14, $0x0  }
0x176: {  	[tilespmem:$0x1C8B0] =	vst v13  }
0x177: {  	v17 =	vld.idx.msk [tilespmem:v15+s16+$0x0], $0xffff;
	v16 =	vor.u32 v12, v14  }
0x178: {  	s31 =	simm.s32 $0x2;
	v19 =	vld.idx.msk [tilespmem:v15+s18+$0x0], $0xffff  }
0x179: {  	v13 =	vmov s31;
	v21 =	vld.idx.msk [tilespmem:v15+s17+$0x0], $0xffff  }
0x17a: {  	v13 =	vand.u32 $0x3F, v13  }
0x17b: {  	v15 =	vbroadcast v13, $0x0  }
0x17c: {  	v13 =	vld.idx.msk [tilespmem:v16+s16+$0x0], $0xffff  }
0x17d: {  	v18 =	vor.u32 v12, v15;
	v20 =	vmul.f32 v19, v17;
	v15 =	vld.idx.msk [tilespmem:v16+s18+$0x0], $0xffff  }
0x17e: {  	s24 =	simm.s32 $0x3;
	v14 =	vimm.f32 $0.0e+00;
	v21 =	vmul.f32 v21, v17;
	v17 =	vimm.f32 $0.0e+00;
	v19 =	vmovc v18;
	v16 =	vld.idx.msk [tilespmem:v16+s17+$0x0], $0xffff  }
.LBB2_26:
0x17f: {  	v22 =	vmov s24;
	v14 =	vadd.f32 v20, v14;
	p0 =	sne.s32 s24, $0x3F  }
.Ltmp12:
0x180: {  	s24 =	sadd.s32 $0x1, s24;
	v20 =	vand.u32 $0x3F, v22;
	v17 =	vadd.f32 v21, v17;
	(pc) =	sbr.rel @p0 .LBB2_26-.Ltmp12, $4  }
0x181: {  	v20 =	vbroadcast v20, $0x0  }
0x182: {  	v21 =	vmov v13;
	v13 =	vld.idx.msk [tilespmem:v18+s16+$0x0], $0xffff  }
0x183: {  	v18 =	vor.u32 v12, v20;
	v20 =	vmul.f32 v15, v21;
	v15 =	vld.idx.msk [tilespmem:v19+s18+$0x0], $0xffff  }
0x184: {  	v21 =	vmul.f32 v16, v21;
	v16 =	vld.idx.msk [tilespmem:v19+s17+$0x0], $0xffff;
	v19 =	vmov v18  }
0x185: {  	_ =	sdelay $0x3  }
0x186: {  	v18 =	vld.idx.msk [tilespmem:v18+s16+$0x0], $0xffff  }
0x187: {  	v22 =	vld.idx.msk [tilespmem:v19+s17+$0x0], $0xffff  }
0x188: {  	v19 =	vld.idx.msk [tilespmem:v19+s18+$0x0], $0xffff  }
0x189: {  	s24 =	simm.s32 $0x0  }
0x18a: {  	v14 =	vadd.f32 v20, v14;
	v23 =	vmov s24;
	v15 =	vmul.f32 v15, v13  }
0x18b: {  	v17 =	vadd.f32 v21, v17;
	v21 =	vand.u32 $0x3F, v23;
	v16 =	vmul.f32 v16, v13  }
0x18c: {  	v20 =	vbroadcast v21, $0x0;
	v13 =	vor.u32 $0x3400, v0;
	v14 =	vadd.f32 v15, v14  }
0x18d: {  	v15 =	vmul.f32 v19, v18;
	v16 =	vadd.f32 v16, v17;
	v17 =	vmul.f32 v22, v18  }
0x18e: {  	s30 =	simm.s32 $0x1;
	v18 =	vor.u32 v13, v20  }
0x18f: {  	v14 =	vadd.f32 v15, v14;
	v16 =	vadd.f32 v17, v16;
	v17 =	vmov s30  }
0x190: {  	v15 =	vand.u32 $0x3F, v17  }
0x191: {  	[tilespmem:$0x1C8C0] =	vst v14;
	v15 =	vbroadcast v15, $0x0  }
0x192: {  	[tilespmem:$0x1C6C0] =	vst v16  }
0x193: {  	v20 =	vld.idx.msk [tilespmem:v18+s16+$0x0], $0xffff;
	v17 =	vor.u32 v13, v15  }
0x194: {  	s31 =	simm.s32 $0x2;
	v21 =	vld.idx.msk [tilespmem:v18+s18+$0x0], $0xffff  }
0x195: {  	v14 =	vmov s31;
	v18 =	vld.idx.msk [tilespmem:v18+s17+$0x0], $0xffff  }
0x196: {  	v14 =	vand.u32 $0x3F, v14  }
0x197: {  	v16 =	vbroadcast v14, $0x0  }
0x198: {  	v14 =	vld.idx.msk [tilespmem:v17+s16+$0x0], $0xffff  }
0x199: {  	v19 =	vor.u32 v13, v16;
	v21 =	vmul.f32 v21, v20;
	v16 =	vld.idx.msk [tilespmem:v17+s18+$0x0], $0xffff  }
0x19a: {  	s24 =	simm.s32 $0x3;
	v15 =	vimm.f32 $0.0e+00;
	v22 =	vmul.f32 v18, v20;
	v18 =	vimm.f32 $0.0e+00;
	v20 =	vmovc v19;
	v17 =	vld.idx.msk [tilespmem:v17+s17+$0x0], $0xffff  }
.LBB2_28:
0x19b: {  	v23 =	vmov s24;
	v15 =	vadd.f32 v21, v15;
	p0 =	sne.s32 s24, $0x3F  }
.Ltmp13:
0x19c: {  	s24 =	sadd.s32 $0x1, s24;
	v21 =	vand.u32 $0x3F, v23;
	v18 =	vadd.f32 v22, v18;
	(pc) =	sbr.rel @p0 .LBB2_28-.Ltmp13, $4  }
0x19d: {  	v21 =	vbroadcast v21, $0x0  }
0x19e: {  	v22 =	vmov v14;
	v14 =	vld.idx.msk [tilespmem:v19+s16+$0x0], $0xffff  }
0x19f: {  	v19 =	vor.u32 v13, v21;
	v21 =	vmul.f32 v16, v22;
	v16 =	vld.idx.msk [tilespmem:v20+s18+$0x0], $0xffff  }
0x1a0: {  	v22 =	vmul.f32 v17, v22;
	v17 =	vld.idx.msk [tilespmem:v20+s17+$0x0], $0xffff;
	v20 =	vmov v19  }
0x1a1: {  	_ =	sdelay $0x3  }
0x1a2: {  	v19 =	vld.idx.msk [tilespmem:v19+s16+$0x0], $0xffff  }
0x1a3: {  	v13 =	vld.idx.msk [tilespmem:v20+s17+$0x0], $0xffff  }
0x1a4: {  	v20 =	vld.idx.msk [tilespmem:v20+s18+$0x0], $0xffff;
	s24 =	simm.s32 $0x0  }
0x1a5: {  	v23 =	vmov s24  }
0x1a6: {  	v18 =	vadd.f32 v22, v18;
	v22 =	vand.u32 $0x3F, v23;
	v17 =	vmul.f32 v17, v14  }
0x1a7: {  	v15 =	vadd.f32 v21, v15;
	v14 =	vmul.f32 v16, v14;
	v16 =	vbroadcast v22, $0x0  }
0x1a8: {  	v17 =	vadd.f32 v17, v18;
	v18 =	vmul.f32 v13, v19;
	v13 =	vor.u32 $0x3800, v0  }
0x1a9: {  	s30 =	simm.s32 $0x1;
	v14 =	vadd.f32 v14, v15;
	v15 =	vmul.f32 v20, v19;
	v16 =	vor.u32 v13, v16  }
0x1aa: {  	v17 =	vadd.f32 v18, v17;
	v18 =	vmov s30  }
0x1ab: {  	v14 =	vadd.f32 v15, v14;
	v15 =	vand.u32 $0x3F, v18  }
0x1ac: {  	[tilespmem:$0x1C6D0] =	vst v17;
	v15 =	vbroadcast v15, $0x0  }
0x1ad: {  	[tilespmem:$0x1C8D0] =	vst v14  }
0x1ae: {  	v18 =	vld.idx.msk [tilespmem:v16+s16+$0x0], $0xffff;
	v17 =	vor.u32 v13, v15  }
0x1af: {  	s31 =	simm.s32 $0x2;
	v20 =	vld.idx.msk [tilespmem:v16+s18+$0x0], $0xffff  }
0x1b0: {  	v14 =	vmov s31;
	v22 =	vld.idx.msk [tilespmem:v16+s17+$0x0], $0xffff  }
0x1b1: {  	v14 =	vand.u32 $0x3F, v14  }
0x1b2: {  	v16 =	vbroadcast v14, $0x0  }
0x1b3: {  	v14 =	vld.idx.msk [tilespmem:v17+s16+$0x0], $0xffff  }
0x1b4: {  	v19 =	vor.u32 v13, v16;
	v16 =	vld.idx.msk [tilespmem:v17+s18+$0x0], $0xffff;
	v21 =	vmul.f32 v20, v18  }
0x1b5: {  	s24 =	simm.s32 $0x3;
	v15 =	vimm.f32 $0.0e+00;
	v17 =	vld.idx.msk [tilespmem:v17+s17+$0x0], $0xffff;
	v22 =	vmul.f32 v22, v18;
	v18 =	vimm.f32 $0.0e+00;
	v20 =	vmovc v19  }
.LBB2_30:
0x1b6: {  	v23 =	vmov s24;
	v15 =	vadd.f32 v21, v15;
	p0 =	sne.s32 s24, $0x3F  }
.Ltmp14:
0x1b7: {  	s24 =	sadd.s32 $0x1, s24;
	v21 =	vand.u32 $0x3F, v23;
	v18 =	vadd.f32 v22, v18;
	(pc) =	sbr.rel @p0 .LBB2_30-.Ltmp14, $4  }
0x1b8: {  	v21 =	vbroadcast v21, $0x0  }
0x1b9: {  	v22 =	vmov v14;
	v14 =	vld.idx.msk [tilespmem:v19+s16+$0x0], $0xffff  }
0x1ba: {  	v19 =	vor.u32 v13, v21;
	v21 =	vmul.f32 v16, v22;
	v16 =	vld.idx.msk [tilespmem:v20+s18+$0x0], $0xffff  }
0x1bb: {  	v22 =	vmul.f32 v17, v22;
	v17 =	vld.idx.msk [tilespmem:v20+s17+$0x0], $0xffff;
	v20 =	vmov v19  }
0x1bc: {  	_ =	sdelay $0x3  }
0x1bd: {  	v19 =	vld.idx.msk [tilespmem:v19+s16+$0x0], $0xffff  }
0x1be: {  	v13 =	vld.idx.msk [tilespmem:v20+s17+$0x0], $0xffff  }
0x1bf: {  	v20 =	vld.idx.msk [tilespmem:v20+s18+$0x0], $0xffff;
	s24 =	simm.s32 $0x0  }
0x1c0: {  	v23 =	vmov s24  }
0x1c1: {  	v18 =	vadd.f32 v22, v18;
	v22 =	vand.u32 $0x3F, v23;
	v17 =	vmul.f32 v17, v14  }
0x1c2: {  	v15 =	vadd.f32 v21, v15;
	v14 =	vmul.f32 v16, v14;
	v16 =	vbroadcast v22, $0x0  }
0x1c3: {  	v17 =	vadd.f32 v17, v18;
	v18 =	vmul.f32 v13, v19;
	v13 =	vor.u32 $0x3C00, v0  }
0x1c4: {  	s30 =	simm.s32 $0x1;
	v14 =	vadd.f32 v14, v15;
	v15 =	vmul.f32 v20, v19;
	v16 =	vor.u32 v13, v16  }
0x1c5: {  	v17 =	vadd.f32 v18, v17;
	v18 =	vmov s30  }
0x1c6: {  	v14 =	vadd.f32 v15, v14;
	v15 =	vand.u32 $0x3F, v18  }
0x1c7: {  	[tilespmem:$0x1C6E0] =	vst v17;
	v15 =	vbroadcast v15, $0x0  }
0x1c8: {  	[tilespmem:$0x1C8E0] =	vst v14  }
0x1c9: {  	v18 =	vld.idx.msk [tilespmem:v16+s16+$0x0], $0xffff;
	v17 =	vor.u32 v13, v15  }
0x1ca: {  	s31 =	simm.s32 $0x2;
	v20 =	vld.idx.msk [tilespmem:v16+s18+$0x0], $0xffff  }
0x1cb: {  	v14 =	vmov s31;
	v22 =	vld.idx.msk [tilespmem:v16+s17+$0x0], $0xffff  }
0x1cc: {  	v14 =	vand.u32 $0x3F, v14  }
0x1cd: {  	v16 =	vbroadcast v14, $0x0  }
0x1ce: {  	v14 =	vld.idx.msk [tilespmem:v17+s16+$0x0], $0xffff  }
0x1cf: {  	v19 =	vor.u32 v13, v16;
	v16 =	vld.idx.msk [tilespmem:v17+s18+$0x0], $0xffff;
	v21 =	vmul.f32 v20, v18  }
0x1d0: {  	s24 =	simm.s32 $0x3;
	v15 =	vimm.f32 $0.0e+00;
	v17 =	vld.idx.msk [tilespmem:v17+s17+$0x0], $0xffff;
	v22 =	vmul.f32 v22, v18;
	v18 =	vimm.f32 $0.0e+00;
	v20 =	vmovc v19  }
.LBB2_32:
0x1d1: {  	v23 =	vmov s24;
	v15 =	vadd.f32 v21, v15;
	p0 =	sne.s32 s24, $0x3F  }
.Ltmp15:
0x1d2: {  	s24 =	sadd.s32 $0x1, s24;
	v21 =	vand.u32 $0x3F, v23;
	v18 =	vadd.f32 v22, v18;
	(pc) =	sbr.rel @p0 .LBB2_32-.Ltmp15, $4  }
0x1d3: {  	v21 =	vbroadcast v21, $0x0  }
0x1d4: {  	v22 =	vmov v14;
	v14 =	vld.idx.msk [tilespmem:v19+s16+$0x0], $0xffff  }
0x1d5: {  	v19 =	vor.u32 v13, v21;
	v21 =	vmul.f32 v16, v22;
	v16 =	vld.idx.msk [tilespmem:v20+s18+$0x0], $0xffff  }
0x1d6: {  	v22 =	vmul.f32 v17, v22;
	v17 =	vld.idx.msk [tilespmem:v20+s17+$0x0], $0xffff;
	v20 =	vmov v19  }
0x1d7: {  	_ =	sdelay $0x3  }
0x1d8: {  	v19 =	vld.idx.msk [tilespmem:v19+s16+$0x0], $0xffff  }
0x1d9: {  	v13 =	vld.idx.msk [tilespmem:v20+s17+$0x0], $0xffff  }
0x1da: {  	v20 =	vld.idx.msk [tilespmem:v20+s18+$0x0], $0xffff;
	s24 =	simm.s32 $0x0  }
0x1db: {  	v23 =	vmov s24  }
0x1dc: {  	v18 =	vadd.f32 v22, v18;
	v22 =	vand.u32 $0x3F, v23;
	v17 =	vmul.f32 v17, v14  }
0x1dd: {  	v15 =	vadd.f32 v21, v15;
	v14 =	vmul.f32 v16, v14;
	v16 =	vbroadcast v22, $0x0  }
0x1de: {  	v17 =	vadd.f32 v17, v18;
	v18 =	vmul.f32 v13, v19;
	v13 =	vor.u32 $0x4000, v0  }
0x1df: {  	s30 =	simm.s32 $0x1;
	v14 =	vadd.f32 v14, v15;
	v15 =	vmul.f32 v20, v19;
	v16 =	vor.u32 v13, v16  }
0x1e0: {  	v17 =	vadd.f32 v18, v17;
	v18 =	vmov s30  }
0x1e1: {  	v14 =	vadd.f32 v15, v14;
	v15 =	vand.u32 $0x3F, v18  }
0x1e2: {  	[tilespmem:$0x1C6F0] =	vst v17;
	v15 =	vbroadcast v15, $0x0  }
0x1e3: {  	[tilespmem:$0x1C8F0] =	vst v14  }
0x1e4: {  	v18 =	vld.idx.msk [tilespmem:v16+s16+$0x0], $0xffff;
	v17 =	vor.u32 v13, v15  }
0x1e5: {  	s31 =	simm.s32 $0x2;
	v20 =	vld.idx.msk [tilespmem:v16+s18+$0x0], $0xffff  }
0x1e6: {  	v14 =	vmov s31;
	v22 =	vld.idx.msk [tilespmem:v16+s17+$0x0], $0xffff  }
0x1e7: {  	v14 =	vand.u32 $0x3F, v14  }
0x1e8: {  	v16 =	vbroadcast v14, $0x0  }
0x1e9: {  	v14 =	vld.idx.msk [tilespmem:v17+s16+$0x0], $0xffff  }
0x1ea: {  	v19 =	vor.u32 v13, v16;
	v16 =	vld.idx.msk [tilespmem:v17+s18+$0x0], $0xffff;
	v21 =	vmul.f32 v20, v18  }
0x1eb: {  	s24 =	simm.s32 $0x3;
	v15 =	vimm.f32 $0.0e+00;
	v17 =	vld.idx.msk [tilespmem:v17+s17+$0x0], $0xffff;
	v22 =	vmul.f32 v22, v18;
	v18 =	vimm.f32 $0.0e+00;
	v20 =	vmovc v19  }
.LBB2_34:
0x1ec: {  	v23 =	vmov s24;
	v15 =	vadd.f32 v21, v15;
	p0 =	sne.s32 s24, $0x3F  }
.Ltmp16:
0x1ed: {  	s24 =	sadd.s32 $0x1, s24;
	v21 =	vand.u32 $0x3F, v23;
	v18 =	vadd.f32 v22, v18;
	(pc) =	sbr.rel @p0 .LBB2_34-.Ltmp16, $4  }
0x1ee: {  	v21 =	vbroadcast v21, $0x0  }
0x1ef: {  	v22 =	vmov v14;
	v14 =	vld.idx.msk [tilespmem:v19+s16+$0x0], $0xffff  }
0x1f0: {  	v19 =	vor.u32 v13, v21;
	v21 =	vmul.f32 v16, v22;
	v16 =	vld.idx.msk [tilespmem:v20+s18+$0x0], $0xffff  }
0x1f1: {  	v22 =	vmul.f32 v17, v22;
	v17 =	vld.idx.msk [tilespmem:v20+s17+$0x0], $0xffff;
	v20 =	vmov v19  }
0x1f2: {  	_ =	sdelay $0x3  }
0x1f3: {  	v19 =	vld.idx.msk [tilespmem:v19+s16+$0x0], $0xffff  }
0x1f4: {  	v13 =	vld.idx.msk [tilespmem:v20+s17+$0x0], $0xffff  }
0x1f5: {  	v20 =	vld.idx.msk [tilespmem:v20+s18+$0x0], $0xffff;
	s24 =	simm.s32 $0x0  }
0x1f6: {  	v23 =	vmov s24  }
0x1f7: {  	v18 =	vadd.f32 v22, v18;
	v22 =	vand.u32 $0x3F, v23;
	v17 =	vmul.f32 v17, v14  }
0x1f8: {  	v15 =	vadd.f32 v21, v15;
	v14 =	vmul.f32 v16, v14;
	v16 =	vbroadcast v22, $0x0  }
0x1f9: {  	v17 =	vadd.f32 v17, v18;
	v18 =	vmul.f32 v13, v19;
	v13 =	vor.u32 $0x4400, v0  }
0x1fa: {  	s30 =	simm.s32 $0x1;
	v14 =	vadd.f32 v14, v15;
	v15 =	vmul.f32 v20, v19;
	v16 =	vor.u32 v13, v16  }
0x1fb: {  	v17 =	vadd.f32 v18, v17;
	v18 =	vmov s30  }
0x1fc: {  	v14 =	vadd.f32 v15, v14;
	v15 =	vand.u32 $0x3F, v18  }
0x1fd: {  	[tilespmem:$0x1C700] =	vst v17;
	v15 =	vbroadcast v15, $0x0  }
0x1fe: {  	[tilespmem:$0x1C900] =	vst v14  }
0x1ff: {  	v18 =	vld.idx.msk [tilespmem:v16+s16+$0x0], $0xffff;
	v17 =	vor.u32 v13, v15  }
0x200: {  	s31 =	simm.s32 $0x2;
	v20 =	vld.idx.msk [tilespmem:v16+s18+$0x0], $0xffff  }
0x201: {  	v14 =	vmov s31;
	v22 =	vld.idx.msk [tilespmem:v16+s17+$0x0], $0xffff  }
0x202: {  	v14 =	vand.u32 $0x3F, v14  }
0x203: {  	v16 =	vbroadcast v14, $0x0  }
0x204: {  	v14 =	vld.idx.msk [tilespmem:v17+s16+$0x0], $0xffff  }
0x205: {  	v19 =	vor.u32 v13, v16;
	v16 =	vld.idx.msk [tilespmem:v17+s18+$0x0], $0xffff;
	v21 =	vmul.f32 v20, v18  }
0x206: {  	s24 =	simm.s32 $0x3;
	v15 =	vimm.f32 $0.0e+00;
	v17 =	vld.idx.msk [tilespmem:v17+s17+$0x0], $0xffff;
	v22 =	vmul.f32 v22, v18;
	v18 =	vimm.f32 $0.0e+00;
	v20 =	vmovc v19  }
.LBB2_36:
0x207: {  	v23 =	vmov s24;
	v15 =	vadd.f32 v21, v15;
	p0 =	sne.s32 s24, $0x3F  }
.Ltmp17:
0x208: {  	s24 =	sadd.s32 $0x1, s24;
	v21 =	vand.u32 $0x3F, v23;
	v18 =	vadd.f32 v22, v18;
	(pc) =	sbr.rel @p0 .LBB2_36-.Ltmp17, $4  }
0x209: {  	v21 =	vbroadcast v21, $0x0  }
0x20a: {  	v22 =	vmov v14;
	v14 =	vld.idx.msk [tilespmem:v19+s16+$0x0], $0xffff  }
0x20b: {  	v19 =	vor.u32 v13, v21;
	v21 =	vmul.f32 v16, v22;
	v16 =	vld.idx.msk [tilespmem:v20+s18+$0x0], $0xffff  }
0x20c: {  	v22 =	vmul.f32 v17, v22;
	v17 =	vld.idx.msk [tilespmem:v20+s17+$0x0], $0xffff;
	v20 =	vmov v19  }
0x20d: {  	_ =	sdelay $0x3  }
0x20e: {  	v19 =	vld.idx.msk [tilespmem:v19+s16+$0x0], $0xffff  }
0x20f: {  	v13 =	vld.idx.msk [tilespmem:v20+s17+$0x0], $0xffff  }
0x210: {  	v20 =	vld.idx.msk [tilespmem:v20+s18+$0x0], $0xffff;
	s24 =	simm.s32 $0x0  }
0x211: {  	v23 =	vmov s24  }
0x212: {  	v18 =	vadd.f32 v22, v18;
	v22 =	vand.u32 $0x3F, v23;
	v17 =	vmul.f32 v17, v14  }
0x213: {  	v15 =	vadd.f32 v21, v15;
	v14 =	vmul.f32 v16, v14;
	v16 =	vbroadcast v22, $0x0  }
0x214: {  	v17 =	vadd.f32 v17, v18;
	v18 =	vmul.f32 v13, v19;
	v13 =	vor.u32 $0x4800, v0  }
0x215: {  	s30 =	simm.s32 $0x1;
	v14 =	vadd.f32 v14, v15;
	v15 =	vmul.f32 v20, v19;
	v16 =	vor.u32 v13, v16  }
0x216: {  	v17 =	vadd.f32 v18, v17;
	v18 =	vmov s30  }
0x217: {  	v14 =	vadd.f32 v15, v14;
	v15 =	vand.u32 $0x3F, v18  }
0x218: {  	[tilespmem:$0x1C710] =	vst v17;
	v15 =	vbroadcast v15, $0x0  }
0x219: {  	[tilespmem:$0x1C910] =	vst v14  }
0x21a: {  	v18 =	vld.idx.msk [tilespmem:v16+s16+$0x0], $0xffff;
	v17 =	vor.u32 v13, v15  }
0x21b: {  	s31 =	simm.s32 $0x2;
	v20 =	vld.idx.msk [tilespmem:v16+s18+$0x0], $0xffff  }
0x21c: {  	v14 =	vmov s31;
	v22 =	vld.idx.msk [tilespmem:v16+s17+$0x0], $0xffff  }
0x21d: {  	v14 =	vand.u32 $0x3F, v14  }
0x21e: {  	v16 =	vbroadcast v14, $0x0  }
0x21f: {  	v14 =	vld.idx.msk [tilespmem:v17+s16+$0x0], $0xffff  }
0x220: {  	v19 =	vor.u32 v13, v16;
	v16 =	vld.idx.msk [tilespmem:v17+s18+$0x0], $0xffff;
	v21 =	vmul.f32 v20, v18  }
0x221: {  	s24 =	simm.s32 $0x3;
	v15 =	vimm.f32 $0.0e+00;
	v17 =	vld.idx.msk [tilespmem:v17+s17+$0x0], $0xffff;
	v22 =	vmul.f32 v22, v18;
	v18 =	vimm.f32 $0.0e+00;
	v20 =	vmovc v19  }
.LBB2_38:
0x222: {  	v23 =	vmov s24;
	v15 =	vadd.f32 v21, v15;
	p0 =	sne.s32 s24, $0x3F  }
.Ltmp18:
0x223: {  	s24 =	sadd.s32 $0x1, s24;
	v21 =	vand.u32 $0x3F, v23;
	v18 =	vadd.f32 v22, v18;
	(pc) =	sbr.rel @p0 .LBB2_38-.Ltmp18, $4  }
0x224: {  	v21 =	vbroadcast v21, $0x0  }
0x225: {  	v22 =	vmov v14;
	v14 =	vld.idx.msk [tilespmem:v19+s16+$0x0], $0xffff  }
0x226: {  	v19 =	vor.u32 v13, v21;
	v21 =	vmul.f32 v16, v22;
	v16 =	vld.idx.msk [tilespmem:v20+s18+$0x0], $0xffff  }
0x227: {  	v22 =	vmul.f32 v17, v22;
	v17 =	vld.idx.msk [tilespmem:v20+s17+$0x0], $0xffff;
	v20 =	vmov v19  }
0x228: {  	_ =	sdelay $0x3  }
0x229: {  	v19 =	vld.idx.msk [tilespmem:v19+s16+$0x0], $0xffff  }
0x22a: {  	v13 =	vld.idx.msk [tilespmem:v20+s17+$0x0], $0xffff  }
0x22b: {  	v20 =	vld.idx.msk [tilespmem:v20+s18+$0x0], $0xffff;
	s24 =	simm.s32 $0x0  }
0x22c: {  	v23 =	vmov s24  }
0x22d: {  	v18 =	vadd.f32 v22, v18;
	v22 =	vand.u32 $0x3F, v23;
	v17 =	vmul.f32 v17, v14  }
0x22e: {  	v15 =	vadd.f32 v21, v15;
	v14 =	vmul.f32 v16, v14;
	v16 =	vbroadcast v22, $0x0  }
0x22f: {  	v17 =	vadd.f32 v17, v18;
	v18 =	vmul.f32 v13, v19;
	v13 =	vor.u32 $0x4C00, v0  }
0x230: {  	s30 =	simm.s32 $0x1;
	v14 =	vadd.f32 v14, v15;
	v15 =	vmul.f32 v20, v19;
	v16 =	vor.u32 v13, v16  }
0x231: {  	v17 =	vadd.f32 v18, v17;
	v18 =	vmov s30  }
0x232: {  	v14 =	vadd.f32 v15, v14;
	v15 =	vand.u32 $0x3F, v18  }
0x233: {  	[tilespmem:$0x1C720] =	vst v17;
	v15 =	vbroadcast v15, $0x0  }
0x234: {  	[tilespmem:$0x1C920] =	vst v14  }
0x235: {  	v18 =	vld.idx.msk [tilespmem:v16+s16+$0x0], $0xffff;
	v17 =	vor.u32 v13, v15  }
0x236: {  	s31 =	simm.s32 $0x2;
	v20 =	vld.idx.msk [tilespmem:v16+s18+$0x0], $0xffff  }
0x237: {  	v14 =	vmov s31;
	v22 =	vld.idx.msk [tilespmem:v16+s17+$0x0], $0xffff  }
0x238: {  	v14 =	vand.u32 $0x3F, v14  }
0x239: {  	v16 =	vbroadcast v14, $0x0  }
0x23a: {  	v14 =	vld.idx.msk [tilespmem:v17+s16+$0x0], $0xffff  }
0x23b: {  	v19 =	vor.u32 v13, v16;
	v16 =	vld.idx.msk [tilespmem:v17+s18+$0x0], $0xffff;
	v21 =	vmul.f32 v20, v18  }
0x23c: {  	s24 =	simm.s32 $0x3;
	v15 =	vimm.f32 $0.0e+00;
	v17 =	vld.idx.msk [tilespmem:v17+s17+$0x0], $0xffff;
	v22 =	vmul.f32 v22, v18;
	v18 =	vimm.f32 $0.0e+00;
	v20 =	vmovc v19  }
.LBB2_40:
0x23d: {  	v23 =	vmov s24;
	v15 =	vadd.f32 v21, v15;
	p0 =	sne.s32 s24, $0x3F  }
.Ltmp19:
0x23e: {  	s24 =	sadd.s32 $0x1, s24;
	v21 =	vand.u32 $0x3F, v23;
	v18 =	vadd.f32 v22, v18;
	(pc) =	sbr.rel @p0 .LBB2_40-.Ltmp19, $4  }
0x23f: {  	v21 =	vbroadcast v21, $0x0  }
0x240: {  	v22 =	vmov v14;
	v14 =	vld.idx.msk [tilespmem:v19+s16+$0x0], $0xffff  }
0x241: {  	v19 =	vor.u32 v13, v21;
	v21 =	vmul.f32 v16, v22;
	v16 =	vld.idx.msk [tilespmem:v20+s18+$0x0], $0xffff  }
0x242: {  	v22 =	vmul.f32 v17, v22;
	v17 =	vld.idx.msk [tilespmem:v20+s17+$0x0], $0xffff;
	v20 =	vmov v19  }
0x243: {  	_ =	sdelay $0x3  }
0x244: {  	v19 =	vld.idx.msk [tilespmem:v19+s16+$0x0], $0xffff  }
0x245: {  	v13 =	vld.idx.msk [tilespmem:v20+s17+$0x0], $0xffff  }
0x246: {  	v20 =	vld.idx.msk [tilespmem:v20+s18+$0x0], $0xffff;
	s24 =	simm.s32 $0x0  }
0x247: {  	v23 =	vmov s24  }
0x248: {  	v18 =	vadd.f32 v22, v18;
	v22 =	vand.u32 $0x3F, v23;
	v17 =	vmul.f32 v17, v14  }
0x249: {  	v15 =	vadd.f32 v21, v15;
	v14 =	vmul.f32 v16, v14;
	v16 =	vbroadcast v22, $0x0  }
0x24a: {  	v17 =	vadd.f32 v17, v18;
	v18 =	vmul.f32 v13, v19;
	v13 =	vor.u32 $0x5000, v0  }
0x24b: {  	s30 =	simm.s32 $0x1;
	v14 =	vadd.f32 v14, v15;
	v15 =	vmul.f32 v20, v19;
	v16 =	vor.u32 v13, v16  }
0x24c: {  	v17 =	vadd.f32 v18, v17;
	v18 =	vmov s30  }
0x24d: {  	v14 =	vadd.f32 v15, v14;
	v15 =	vand.u32 $0x3F, v18  }
0x24e: {  	[tilespmem:$0x1C730] =	vst v17;
	v15 =	vbroadcast v15, $0x0  }
0x24f: {  	[tilespmem:$0x1C930] =	vst v14  }
0x250: {  	v18 =	vld.idx.msk [tilespmem:v16+s16+$0x0], $0xffff;
	v17 =	vor.u32 v13, v15  }
0x251: {  	s31 =	simm.s32 $0x2;
	v20 =	vld.idx.msk [tilespmem:v16+s18+$0x0], $0xffff  }
0x252: {  	v14 =	vmov s31;
	v22 =	vld.idx.msk [tilespmem:v16+s17+$0x0], $0xffff  }
0x253: {  	v14 =	vand.u32 $0x3F, v14  }
0x254: {  	v16 =	vbroadcast v14, $0x0  }
0x255: {  	v14 =	vld.idx.msk [tilespmem:v17+s16+$0x0], $0xffff  }
0x256: {  	v19 =	vor.u32 v13, v16;
	v16 =	vld.idx.msk [tilespmem:v17+s18+$0x0], $0xffff;
	v21 =	vmul.f32 v20, v18  }
0x257: {  	s24 =	simm.s32 $0x3;
	v15 =	vimm.f32 $0.0e+00;
	v17 =	vld.idx.msk [tilespmem:v17+s17+$0x0], $0xffff;
	v22 =	vmul.f32 v22, v18;
	v18 =	vimm.f32 $0.0e+00;
	v20 =	vmovc v19  }
.LBB2_42:
0x258: {  	v23 =	vmov s24;
	v15 =	vadd.f32 v21, v15;
	p0 =	sne.s32 s24, $0x3F  }
.Ltmp20:
0x259: {  	s24 =	sadd.s32 $0x1, s24;
	v21 =	vand.u32 $0x3F, v23;
	v18 =	vadd.f32 v22, v18;
	(pc) =	sbr.rel @p0 .LBB2_42-.Ltmp20, $4  }
0x25a: {  	v21 =	vbroadcast v21, $0x0  }
0x25b: {  	v22 =	vmov v14;
	v14 =	vld.idx.msk [tilespmem:v19+s16+$0x0], $0xffff  }
0x25c: {  	v19 =	vor.u32 v13, v21;
	v21 =	vmul.f32 v16, v22;
	v16 =	vld.idx.msk [tilespmem:v20+s18+$0x0], $0xffff  }
0x25d: {  	v22 =	vmul.f32 v17, v22;
	v17 =	vld.idx.msk [tilespmem:v20+s17+$0x0], $0xffff;
	v20 =	vmov v19  }
0x25e: {  	_ =	sdelay $0x3  }
0x25f: {  	v19 =	vld.idx.msk [tilespmem:v19+s16+$0x0], $0xffff  }
0x260: {  	v13 =	vld.idx.msk [tilespmem:v20+s17+$0x0], $0xffff  }
0x261: {  	v20 =	vld.idx.msk [tilespmem:v20+s18+$0x0], $0xffff;
	s24 =	simm.s32 $0x0  }
0x262: {  	v23 =	vmov s24  }
0x263: {  	v18 =	vadd.f32 v22, v18;
	v22 =	vand.u32 $0x3F, v23;
	v17 =	vmul.f32 v17, v14  }
0x264: {  	v15 =	vadd.f32 v21, v15;
	v14 =	vmul.f32 v16, v14;
	v16 =	vbroadcast v22, $0x0  }
0x265: {  	v17 =	vadd.f32 v17, v18;
	v18 =	vmul.f32 v13, v19;
	v13 =	vor.u32 $0x5400, v0  }
0x266: {  	s30 =	simm.s32 $0x1;
	v14 =	vadd.f32 v14, v15;
	v15 =	vmul.f32 v20, v19;
	v16 =	vor.u32 v13, v16  }
0x267: {  	v17 =	vadd.f32 v18, v17;
	v18 =	vmov s30  }
0x268: {  	v14 =	vadd.f32 v15, v14;
	v15 =	vand.u32 $0x3F, v18  }
0x269: {  	[tilespmem:$0x1C740] =	vst v17;
	v15 =	vbroadcast v15, $0x0  }
0x26a: {  	[tilespmem:$0x1C940] =	vst v14  }
0x26b: {  	v18 =	vld.idx.msk [tilespmem:v16+s16+$0x0], $0xffff;
	v17 =	vor.u32 v13, v15  }
0x26c: {  	s31 =	simm.s32 $0x2;
	v20 =	vld.idx.msk [tilespmem:v16+s18+$0x0], $0xffff  }
0x26d: {  	v14 =	vmov s31;
	v22 =	vld.idx.msk [tilespmem:v16+s17+$0x0], $0xffff  }
0x26e: {  	v14 =	vand.u32 $0x3F, v14  }
0x26f: {  	v16 =	vbroadcast v14, $0x0  }
0x270: {  	v14 =	vld.idx.msk [tilespmem:v17+s16+$0x0], $0xffff  }
0x271: {  	v19 =	vor.u32 v13, v16;
	v16 =	vld.idx.msk [tilespmem:v17+s18+$0x0], $0xffff;
	v21 =	vmul.f32 v20, v18  }
0x272: {  	s24 =	simm.s32 $0x3;
	v15 =	vimm.f32 $0.0e+00;
	v17 =	vld.idx.msk [tilespmem:v17+s17+$0x0], $0xffff;
	v22 =	vmul.f32 v22, v18;
	v18 =	vimm.f32 $0.0e+00;
	v20 =	vmovc v19  }
.LBB2_44:
0x273: {  	v23 =	vmov s24;
	v15 =	vadd.f32 v21, v15;
	p0 =	sne.s32 s24, $0x3F  }
.Ltmp21:
0x274: {  	s24 =	sadd.s32 $0x1, s24;
	v21 =	vand.u32 $0x3F, v23;
	v18 =	vadd.f32 v22, v18;
	(pc) =	sbr.rel @p0 .LBB2_44-.Ltmp21, $4  }
0x275: {  	v21 =	vbroadcast v21, $0x0  }
0x276: {  	v22 =	vmov v14;
	v14 =	vld.idx.msk [tilespmem:v19+s16+$0x0], $0xffff  }
0x277: {  	v19 =	vor.u32 v13, v21;
	v21 =	vmul.f32 v16, v22;
	v16 =	vld.idx.msk [tilespmem:v20+s18+$0x0], $0xffff  }
0x278: {  	v22 =	vmul.f32 v17, v22;
	v17 =	vld.idx.msk [tilespmem:v20+s17+$0x0], $0xffff;
	v20 =	vmov v19  }
0x279: {  	_ =	sdelay $0x3  }
0x27a: {  	v19 =	vld.idx.msk [tilespmem:v19+s16+$0x0], $0xffff  }
0x27b: {  	v13 =	vld.idx.msk [tilespmem:v20+s17+$0x0], $0xffff  }
0x27c: {  	v20 =	vld.idx.msk [tilespmem:v20+s18+$0x0], $0xffff;
	s24 =	simm.s32 $0x0  }
0x27d: {  	v23 =	vmov s24  }
0x27e: {  	v18 =	vadd.f32 v22, v18;
	v22 =	vand.u32 $0x3F, v23;
	v17 =	vmul.f32 v17, v14  }
0x27f: {  	v15 =	vadd.f32 v21, v15;
	v14 =	vmul.f32 v16, v14;
	v16 =	vbroadcast v22, $0x0  }
0x280: {  	v17 =	vadd.f32 v17, v18;
	v18 =	vmul.f32 v13, v19;
	v13 =	vor.u32 $0x5800, v0  }
0x281: {  	s30 =	simm.s32 $0x1;
	v14 =	vadd.f32 v14, v15;
	v15 =	vmul.f32 v20, v19;
	v16 =	vor.u32 v13, v16  }
0x282: {  	v17 =	vadd.f32 v18, v17;
	v18 =	vmov s30  }
0x283: {  	v14 =	vadd.f32 v15, v14;
	v15 =	vand.u32 $0x3F, v18  }
0x284: {  	[tilespmem:$0x1C750] =	vst v17;
	v15 =	vbroadcast v15, $0x0  }
0x285: {  	[tilespmem:$0x1C950] =	vst v14  }
0x286: {  	v18 =	vld.idx.msk [tilespmem:v16+s16+$0x0], $0xffff;
	v17 =	vor.u32 v13, v15  }
0x287: {  	s31 =	simm.s32 $0x2;
	v20 =	vld.idx.msk [tilespmem:v16+s18+$0x0], $0xffff  }
0x288: {  	v14 =	vmov s31;
	v22 =	vld.idx.msk [tilespmem:v16+s17+$0x0], $0xffff  }
0x289: {  	v14 =	vand.u32 $0x3F, v14  }
0x28a: {  	v16 =	vbroadcast v14, $0x0  }
0x28b: {  	v14 =	vld.idx.msk [tilespmem:v17+s16+$0x0], $0xffff  }
0x28c: {  	v19 =	vor.u32 v13, v16;
	v16 =	vld.idx.msk [tilespmem:v17+s18+$0x0], $0xffff;
	v21 =	vmul.f32 v20, v18  }
0x28d: {  	s24 =	simm.s32 $0x3;
	v15 =	vimm.f32 $0.0e+00;
	v17 =	vld.idx.msk [tilespmem:v17+s17+$0x0], $0xffff;
	v22 =	vmul.f32 v22, v18;
	v18 =	vimm.f32 $0.0e+00;
	v20 =	vmovc v19  }
.LBB2_46:
0x28e: {  	v23 =	vmov s24;
	v15 =	vadd.f32 v21, v15;
	p0 =	sne.s32 s24, $0x3F  }
.Ltmp22:
0x28f: {  	s24 =	sadd.s32 $0x1, s24;
	v21 =	vand.u32 $0x3F, v23;
	v18 =	vadd.f32 v22, v18;
	(pc) =	sbr.rel @p0 .LBB2_46-.Ltmp22, $4  }
0x290: {  	v21 =	vbroadcast v21, $0x0  }
0x291: {  	v22 =	vmov v14;
	v14 =	vld.idx.msk [tilespmem:v19+s16+$0x0], $0xffff  }
0x292: {  	v19 =	vor.u32 v13, v21;
	v21 =	vmul.f32 v16, v22;
	v16 =	vld.idx.msk [tilespmem:v20+s18+$0x0], $0xffff  }
0x293: {  	v22 =	vmul.f32 v17, v22;
	v17 =	vld.idx.msk [tilespmem:v20+s17+$0x0], $0xffff;
	v20 =	vmov v19  }
0x294: {  	_ =	sdelay $0x3  }
0x295: {  	v19 =	vld.idx.msk [tilespmem:v19+s16+$0x0], $0xffff  }
0x296: {  	v13 =	vld.idx.msk [tilespmem:v20+s17+$0x0], $0xffff  }
0x297: {  	v20 =	vld.idx.msk [tilespmem:v20+s18+$0x0], $0xffff;
	s24 =	simm.s32 $0x0  }
0x298: {  	v23 =	vmov s24  }
0x299: {  	v18 =	vadd.f32 v22, v18;
	v22 =	vand.u32 $0x3F, v23;
	v17 =	vmul.f32 v17, v14  }
0x29a: {  	v15 =	vadd.f32 v21, v15;
	v14 =	vmul.f32 v16, v14;
	v16 =	vbroadcast v22, $0x0  }
0x29b: {  	v17 =	vadd.f32 v17, v18;
	v18 =	vmul.f32 v13, v19;
	v13 =	vor.u32 $0x5C00, v0  }
0x29c: {  	s30 =	simm.s32 $0x1;
	v14 =	vadd.f32 v14, v15;
	v15 =	vmul.f32 v20, v19;
	v16 =	vor.u32 v13, v16  }
0x29d: {  	v17 =	vadd.f32 v18, v17;
	v18 =	vmov s30  }
0x29e: {  	v14 =	vadd.f32 v15, v14;
	v15 =	vand.u32 $0x3F, v18  }
0x29f: {  	[tilespmem:$0x1C760] =	vst v17;
	v15 =	vbroadcast v15, $0x0  }
0x2a0: {  	[tilespmem:$0x1C960] =	vst v14  }
0x2a1: {  	v18 =	vld.idx.msk [tilespmem:v16+s16+$0x0], $0xffff;
	v17 =	vor.u32 v13, v15  }
0x2a2: {  	s31 =	simm.s32 $0x2;
	v20 =	vld.idx.msk [tilespmem:v16+s18+$0x0], $0xffff  }
0x2a3: {  	v14 =	vmov s31;
	v22 =	vld.idx.msk [tilespmem:v16+s17+$0x0], $0xffff  }
0x2a4: {  	v14 =	vand.u32 $0x3F, v14  }
0x2a5: {  	v16 =	vbroadcast v14, $0x0  }
0x2a6: {  	v14 =	vld.idx.msk [tilespmem:v17+s16+$0x0], $0xffff  }
0x2a7: {  	v19 =	vor.u32 v13, v16;
	v16 =	vld.idx.msk [tilespmem:v17+s18+$0x0], $0xffff;
	v21 =	vmul.f32 v20, v18  }
0x2a8: {  	s24 =	simm.s32 $0x3;
	v15 =	vimm.f32 $0.0e+00;
	v17 =	vld.idx.msk [tilespmem:v17+s17+$0x0], $0xffff;
	v22 =	vmul.f32 v22, v18;
	v18 =	vimm.f32 $0.0e+00;
	v20 =	vmovc v19  }
.LBB2_48:
0x2a9: {  	v23 =	vmov s24;
	v15 =	vadd.f32 v21, v15;
	p0 =	sne.s32 s24, $0x3F  }
.Ltmp23:
0x2aa: {  	s24 =	sadd.s32 $0x1, s24;
	v21 =	vand.u32 $0x3F, v23;
	v18 =	vadd.f32 v22, v18;
	(pc) =	sbr.rel @p0 .LBB2_48-.Ltmp23, $4  }
0x2ab: {  	v21 =	vbroadcast v21, $0x0  }
0x2ac: {  	v22 =	vmov v14;
	v14 =	vld.idx.msk [tilespmem:v19+s16+$0x0], $0xffff  }
0x2ad: {  	v19 =	vor.u32 v13, v21;
	v21 =	vmul.f32 v16, v22;
	v16 =	vld.idx.msk [tilespmem:v20+s18+$0x0], $0xffff  }
0x2ae: {  	v22 =	vmul.f32 v17, v22;
	v17 =	vld.idx.msk [tilespmem:v20+s17+$0x0], $0xffff;
	v20 =	vmov v19  }
0x2af: {  	_ =	sdelay $0x3  }
0x2b0: {  	v19 =	vld.idx.msk [tilespmem:v19+s16+$0x0], $0xffff  }
0x2b1: {  	v13 =	vld.idx.msk [tilespmem:v20+s17+$0x0], $0xffff  }
0x2b2: {  	v20 =	vld.idx.msk [tilespmem:v20+s18+$0x0], $0xffff;
	s24 =	simm.s32 $0x0  }
0x2b3: {  	v23 =	vmov s24  }
0x2b4: {  	v18 =	vadd.f32 v22, v18;
	v22 =	vand.u32 $0x3F, v23;
	v17 =	vmul.f32 v17, v14  }
0x2b5: {  	v15 =	vadd.f32 v21, v15;
	v14 =	vmul.f32 v16, v14;
	v16 =	vbroadcast v22, $0x0  }
0x2b6: {  	v17 =	vadd.f32 v17, v18;
	v18 =	vmul.f32 v13, v19;
	v13 =	vor.u32 $0x6000, v0  }
0x2b7: {  	s30 =	simm.s32 $0x1;
	v14 =	vadd.f32 v14, v15;
	v15 =	vmul.f32 v20, v19;
	v16 =	vor.u32 v13, v16  }
0x2b8: {  	v17 =	vadd.f32 v18, v17;
	v18 =	vmov s30  }
0x2b9: {  	v14 =	vadd.f32 v15, v14;
	v15 =	vand.u32 $0x3F, v18  }
0x2ba: {  	[tilespmem:$0x1C770] =	vst v17;
	v15 =	vbroadcast v15, $0x0  }
0x2bb: {  	[tilespmem:$0x1C970] =	vst v14  }
0x2bc: {  	v18 =	vld.idx.msk [tilespmem:v16+s16+$0x0], $0xffff;
	v17 =	vor.u32 v13, v15  }
0x2bd: {  	s31 =	simm.s32 $0x2;
	v20 =	vld.idx.msk [tilespmem:v16+s18+$0x0], $0xffff  }
0x2be: {  	v14 =	vmov s31;
	v22 =	vld.idx.msk [tilespmem:v16+s17+$0x0], $0xffff  }
0x2bf: {  	v14 =	vand.u32 $0x3F, v14  }
0x2c0: {  	v16 =	vbroadcast v14, $0x0  }
0x2c1: {  	v14 =	vld.idx.msk [tilespmem:v17+s16+$0x0], $0xffff  }
0x2c2: {  	v19 =	vor.u32 v13, v16;
	v16 =	vld.idx.msk [tilespmem:v17+s18+$0x0], $0xffff;
	v21 =	vmul.f32 v20, v18  }
0x2c3: {  	s24 =	simm.s32 $0x3;
	v15 =	vimm.f32 $0.0e+00;
	v17 =	vld.idx.msk [tilespmem:v17+s17+$0x0], $0xffff;
	v22 =	vmul.f32 v22, v18;
	v18 =	vimm.f32 $0.0e+00;
	v20 =	vmovc v19  }
.LBB2_50:
0x2c4: {  	v23 =	vmov s24;
	v15 =	vadd.f32 v21, v15;
	p0 =	sne.s32 s24, $0x3F  }
.Ltmp24:
0x2c5: {  	s24 =	sadd.s32 $0x1, s24;
	v21 =	vand.u32 $0x3F, v23;
	v18 =	vadd.f32 v22, v18;
	(pc) =	sbr.rel @p0 .LBB2_50-.Ltmp24, $4  }
0x2c6: {  	v21 =	vbroadcast v21, $0x0  }
0x2c7: {  	v22 =	vmov v14;
	v14 =	vld.idx.msk [tilespmem:v19+s16+$0x0], $0xffff  }
0x2c8: {  	v19 =	vor.u32 v13, v21;
	v21 =	vmul.f32 v16, v22;
	v16 =	vld.idx.msk [tilespmem:v20+s18+$0x0], $0xffff  }
0x2c9: {  	v22 =	vmul.f32 v17, v22;
	v17 =	vld.idx.msk [tilespmem:v20+s17+$0x0], $0xffff;
	v20 =	vmov v19  }
0x2ca: {  	_ =	sdelay $0x3  }
0x2cb: {  	v19 =	vld.idx.msk [tilespmem:v19+s16+$0x0], $0xffff  }
0x2cc: {  	v13 =	vld.idx.msk [tilespmem:v20+s17+$0x0], $0xffff  }
0x2cd: {  	v20 =	vld.idx.msk [tilespmem:v20+s18+$0x0], $0xffff;
	s24 =	simm.s32 $0x0  }
0x2ce: {  	v23 =	vmov s24  }
0x2cf: {  	v18 =	vadd.f32 v22, v18;
	v22 =	vand.u32 $0x3F, v23;
	v17 =	vmul.f32 v17, v14  }
0x2d0: {  	v15 =	vadd.f32 v21, v15;
	v14 =	vmul.f32 v16, v14;
	v16 =	vbroadcast v22, $0x0  }
0x2d1: {  	v17 =	vadd.f32 v17, v18;
	v18 =	vmul.f32 v13, v19;
	v13 =	vor.u32 $0x6400, v0  }
0x2d2: {  	s30 =	simm.s32 $0x1;
	v14 =	vadd.f32 v14, v15;
	v15 =	vmul.f32 v20, v19;
	v16 =	vor.u32 v13, v16  }
0x2d3: {  	v17 =	vadd.f32 v18, v17;
	v18 =	vmov s30  }
0x2d4: {  	v14 =	vadd.f32 v15, v14;
	v15 =	vand.u32 $0x3F, v18  }
0x2d5: {  	[tilespmem:$0x1C780] =	vst v17;
	v15 =	vbroadcast v15, $0x0  }
0x2d6: {  	[tilespmem:$0x1C980] =	vst v14  }
0x2d7: {  	v18 =	vld.idx.msk [tilespmem:v16+s16+$0x0], $0xffff;
	v17 =	vor.u32 v13, v15  }
0x2d8: {  	s31 =	simm.s32 $0x2;
	v20 =	vld.idx.msk [tilespmem:v16+s18+$0x0], $0xffff  }
0x2d9: {  	v14 =	vmov s31;
	v22 =	vld.idx.msk [tilespmem:v16+s17+$0x0], $0xffff  }
0x2da: {  	v14 =	vand.u32 $0x3F, v14  }
0x2db: {  	v16 =	vbroadcast v14, $0x0  }
0x2dc: {  	v14 =	vld.idx.msk [tilespmem:v17+s16+$0x0], $0xffff  }
0x2dd: {  	v19 =	vor.u32 v13, v16;
	v16 =	vld.idx.msk [tilespmem:v17+s18+$0x0], $0xffff;
	v21 =	vmul.f32 v20, v18  }
0x2de: {  	s24 =	simm.s32 $0x3;
	v15 =	vimm.f32 $0.0e+00;
	v17 =	vld.idx.msk [tilespmem:v17+s17+$0x0], $0xffff;
	v22 =	vmul.f32 v22, v18;
	v18 =	vimm.f32 $0.0e+00;
	v20 =	vmovc v19  }
.LBB2_52:
0x2df: {  	v23 =	vmov s24;
	v15 =	vadd.f32 v21, v15;
	p0 =	sne.s32 s24, $0x3F  }
.Ltmp25:
0x2e0: {  	s24 =	sadd.s32 $0x1, s24;
	v21 =	vand.u32 $0x3F, v23;
	v18 =	vadd.f32 v22, v18;
	(pc) =	sbr.rel @p0 .LBB2_52-.Ltmp25, $4  }
0x2e1: {  	v21 =	vbroadcast v21, $0x0  }
0x2e2: {  	v22 =	vmov v14;
	v14 =	vld.idx.msk [tilespmem:v19+s16+$0x0], $0xffff  }
0x2e3: {  	v19 =	vor.u32 v13, v21;
	v21 =	vmul.f32 v16, v22;
	v16 =	vld.idx.msk [tilespmem:v20+s18+$0x0], $0xffff  }
0x2e4: {  	v22 =	vmul.f32 v17, v22;
	v17 =	vld.idx.msk [tilespmem:v20+s17+$0x0], $0xffff;
	v20 =	vmov v19  }
0x2e5: {  	_ =	sdelay $0x3  }
0x2e6: {  	v19 =	vld.idx.msk [tilespmem:v19+s16+$0x0], $0xffff  }
0x2e7: {  	v13 =	vld.idx.msk [tilespmem:v20+s17+$0x0], $0xffff  }
0x2e8: {  	v20 =	vld.idx.msk [tilespmem:v20+s18+$0x0], $0xffff;
	s24 =	simm.s32 $0x0  }
0x2e9: {  	v23 =	vmov s24  }
0x2ea: {  	v18 =	vadd.f32 v22, v18;
	v22 =	vand.u32 $0x3F, v23;
	v17 =	vmul.f32 v17, v14  }
0x2eb: {  	v15 =	vadd.f32 v21, v15;
	v14 =	vmul.f32 v16, v14;
	v16 =	vbroadcast v22, $0x0  }
0x2ec: {  	v17 =	vadd.f32 v17, v18;
	v18 =	vmul.f32 v13, v19;
	v13 =	vor.u32 $0x6800, v0  }
0x2ed: {  	s30 =	simm.s32 $0x1;
	v14 =	vadd.f32 v14, v15;
	v15 =	vmul.f32 v20, v19;
	v16 =	vor.u32 v13, v16  }
0x2ee: {  	v17 =	vadd.f32 v18, v17;
	v18 =	vmov s30  }
0x2ef: {  	v14 =	vadd.f32 v15, v14;
	v15 =	vand.u32 $0x3F, v18  }
0x2f0: {  	[tilespmem:$0x1C790] =	vst v17;
	v15 =	vbroadcast v15, $0x0  }
0x2f1: {  	[tilespmem:$0x1C990] =	vst v14  }
0x2f2: {  	v18 =	vld.idx.msk [tilespmem:v16+s16+$0x0], $0xffff;
	v17 =	vor.u32 v13, v15  }
0x2f3: {  	s31 =	simm.s32 $0x2;
	v20 =	vld.idx.msk [tilespmem:v16+s18+$0x0], $0xffff  }
0x2f4: {  	v14 =	vmov s31;
	v22 =	vld.idx.msk [tilespmem:v16+s17+$0x0], $0xffff  }
0x2f5: {  	v14 =	vand.u32 $0x3F, v14  }
0x2f6: {  	v16 =	vbroadcast v14, $0x0  }
0x2f7: {  	v14 =	vld.idx.msk [tilespmem:v17+s16+$0x0], $0xffff  }
0x2f8: {  	v19 =	vor.u32 v13, v16;
	v16 =	vld.idx.msk [tilespmem:v17+s18+$0x0], $0xffff;
	v21 =	vmul.f32 v20, v18  }
0x2f9: {  	s24 =	simm.s32 $0x3;
	v15 =	vimm.f32 $0.0e+00;
	v17 =	vld.idx.msk [tilespmem:v17+s17+$0x0], $0xffff;
	v22 =	vmul.f32 v22, v18;
	v18 =	vimm.f32 $0.0e+00;
	v20 =	vmovc v19  }
.LBB2_54:
0x2fa: {  	v23 =	vmov s24;
	v15 =	vadd.f32 v21, v15;
	p0 =	sne.s32 s24, $0x3F  }
.Ltmp26:
0x2fb: {  	s24 =	sadd.s32 $0x1, s24;
	v21 =	vand.u32 $0x3F, v23;
	v18 =	vadd.f32 v22, v18;
	(pc) =	sbr.rel @p0 .LBB2_54-.Ltmp26, $4  }
0x2fc: {  	v21 =	vbroadcast v21, $0x0  }
0x2fd: {  	v22 =	vmov v14;
	v14 =	vld.idx.msk [tilespmem:v19+s16+$0x0], $0xffff  }
0x2fe: {  	v19 =	vor.u32 v13, v21;
	v21 =	vmul.f32 v16, v22;
	v16 =	vld.idx.msk [tilespmem:v20+s18+$0x0], $0xffff  }
0x2ff: {  	v22 =	vmul.f32 v17, v22;
	v17 =	vld.idx.msk [tilespmem:v20+s17+$0x0], $0xffff;
	v20 =	vmov v19  }
0x300: {  	_ =	sdelay $0x3  }
0x301: {  	v19 =	vld.idx.msk [tilespmem:v19+s16+$0x0], $0xffff  }
0x302: {  	v13 =	vld.idx.msk [tilespmem:v20+s17+$0x0], $0xffff  }
0x303: {  	v20 =	vld.idx.msk [tilespmem:v20+s18+$0x0], $0xffff;
	s24 =	simm.s32 $0x0  }
0x304: {  	v23 =	vmov s24  }
0x305: {  	v18 =	vadd.f32 v22, v18;
	v22 =	vand.u32 $0x3F, v23;
	v17 =	vmul.f32 v17, v14  }
0x306: {  	v15 =	vadd.f32 v21, v15;
	v14 =	vmul.f32 v16, v14;
	v16 =	vbroadcast v22, $0x0  }
0x307: {  	v17 =	vadd.f32 v17, v18;
	v18 =	vmul.f32 v13, v19;
	v13 =	vor.u32 $0x6C00, v0  }
0x308: {  	s30 =	simm.s32 $0x1;
	v14 =	vadd.f32 v14, v15;
	v15 =	vmul.f32 v20, v19;
	v16 =	vor.u32 v13, v16  }
0x309: {  	v17 =	vadd.f32 v18, v17;
	v18 =	vmov s30  }
0x30a: {  	v14 =	vadd.f32 v15, v14;
	v15 =	vand.u32 $0x3F, v18  }
0x30b: {  	[tilespmem:$0x1C7A0] =	vst v17;
	v15 =	vbroadcast v15, $0x0  }
0x30c: {  	[tilespmem:$0x1C9A0] =	vst v14  }
0x30d: {  	v18 =	vld.idx.msk [tilespmem:v16+s16+$0x0], $0xffff;
	v17 =	vor.u32 v13, v15  }
0x30e: {  	s31 =	simm.s32 $0x2;
	v20 =	vld.idx.msk [tilespmem:v16+s18+$0x0], $0xffff  }
0x30f: {  	v14 =	vmov s31;
	v22 =	vld.idx.msk [tilespmem:v16+s17+$0x0], $0xffff  }
0x310: {  	v14 =	vand.u32 $0x3F, v14  }
0x311: {  	v16 =	vbroadcast v14, $0x0  }
0x312: {  	v14 =	vld.idx.msk [tilespmem:v17+s16+$0x0], $0xffff  }
0x313: {  	v19 =	vor.u32 v13, v16;
	v16 =	vld.idx.msk [tilespmem:v17+s18+$0x0], $0xffff;
	v21 =	vmul.f32 v20, v18  }
0x314: {  	s24 =	simm.s32 $0x3;
	v15 =	vimm.f32 $0.0e+00;
	v17 =	vld.idx.msk [tilespmem:v17+s17+$0x0], $0xffff;
	v22 =	vmul.f32 v22, v18;
	v18 =	vimm.f32 $0.0e+00;
	v20 =	vmovc v19  }
.LBB2_56:
0x315: {  	v23 =	vmov s24;
	v15 =	vadd.f32 v21, v15;
	p0 =	sne.s32 s24, $0x3F  }
.Ltmp27:
0x316: {  	s24 =	sadd.s32 $0x1, s24;
	v21 =	vand.u32 $0x3F, v23;
	v18 =	vadd.f32 v22, v18;
	(pc) =	sbr.rel @p0 .LBB2_56-.Ltmp27, $4  }
0x317: {  	v21 =	vbroadcast v21, $0x0  }
0x318: {  	v22 =	vmov v14;
	v14 =	vld.idx.msk [tilespmem:v19+s16+$0x0], $0xffff  }
0x319: {  	v19 =	vor.u32 v13, v21;
	v21 =	vmul.f32 v16, v22;
	v16 =	vld.idx.msk [tilespmem:v20+s18+$0x0], $0xffff  }
0x31a: {  	v22 =	vmul.f32 v17, v22;
	v17 =	vld.idx.msk [tilespmem:v20+s17+$0x0], $0xffff;
	v20 =	vmov v19  }
0x31b: {  	_ =	sdelay $0x3  }
0x31c: {  	v19 =	vld.idx.msk [tilespmem:v19+s16+$0x0], $0xffff  }
0x31d: {  	v13 =	vld.idx.msk [tilespmem:v20+s17+$0x0], $0xffff  }
0x31e: {  	v20 =	vld.idx.msk [tilespmem:v20+s18+$0x0], $0xffff;
	s24 =	simm.s32 $0x0  }
0x31f: {  	v23 =	vmov s24  }
0x320: {  	v18 =	vadd.f32 v22, v18;
	v22 =	vand.u32 $0x3F, v23;
	v17 =	vmul.f32 v17, v14  }
0x321: {  	v15 =	vadd.f32 v21, v15;
	v14 =	vmul.f32 v16, v14;
	v16 =	vbroadcast v22, $0x0  }
0x322: {  	v17 =	vadd.f32 v17, v18;
	v18 =	vmul.f32 v13, v19;
	v13 =	vor.u32 $0x7000, v0  }
0x323: {  	s30 =	simm.s32 $0x1;
	v14 =	vadd.f32 v14, v15;
	v15 =	vmul.f32 v20, v19;
	v16 =	vor.u32 v13, v16  }
0x324: {  	v17 =	vadd.f32 v18, v17;
	v18 =	vmov s30  }
0x325: {  	v14 =	vadd.f32 v15, v14;
	v15 =	vand.u32 $0x3F, v18  }
0x326: {  	[tilespmem:$0x1C7B0] =	vst v17;
	v15 =	vbroadcast v15, $0x0  }
0x327: {  	[tilespmem:$0x1C9B0] =	vst v14  }
0x328: {  	v18 =	vld.idx.msk [tilespmem:v16+s16+$0x0], $0xffff;
	v17 =	vor.u32 v13, v15  }
0x329: {  	s31 =	simm.s32 $0x2;
	v20 =	vld.idx.msk [tilespmem:v16+s18+$0x0], $0xffff  }
0x32a: {  	v14 =	vmov s31;
	v22 =	vld.idx.msk [tilespmem:v16+s17+$0x0], $0xffff  }
0x32b: {  	v14 =	vand.u32 $0x3F, v14  }
0x32c: {  	v16 =	vbroadcast v14, $0x0  }
0x32d: {  	v14 =	vld.idx.msk [tilespmem:v17+s16+$0x0], $0xffff  }
0x32e: {  	v19 =	vor.u32 v13, v16;
	v16 =	vld.idx.msk [tilespmem:v17+s18+$0x0], $0xffff;
	v21 =	vmul.f32 v20, v18  }
0x32f: {  	s24 =	simm.s32 $0x3;
	v15 =	vimm.f32 $0.0e+00;
	v17 =	vld.idx.msk [tilespmem:v17+s17+$0x0], $0xffff;
	v22 =	vmul.f32 v22, v18;
	v18 =	vimm.f32 $0.0e+00;
	v20 =	vmovc v19  }
.LBB2_58:
0x330: {  	v23 =	vmov s24;
	v15 =	vadd.f32 v21, v15;
	p0 =	sne.s32 s24, $0x3F  }
.Ltmp28:
0x331: {  	s24 =	sadd.s32 $0x1, s24;
	v21 =	vand.u32 $0x3F, v23;
	v18 =	vadd.f32 v22, v18;
	(pc) =	sbr.rel @p0 .LBB2_58-.Ltmp28, $4  }
0x332: {  	v21 =	vbroadcast v21, $0x0  }
0x333: {  	v22 =	vmov v14;
	v14 =	vld.idx.msk [tilespmem:v19+s16+$0x0], $0xffff  }
0x334: {  	v19 =	vor.u32 v13, v21;
	v21 =	vmul.f32 v16, v22;
	v16 =	vld.idx.msk [tilespmem:v20+s18+$0x0], $0xffff  }
0x335: {  	v22 =	vmul.f32 v17, v22;
	v17 =	vld.idx.msk [tilespmem:v20+s17+$0x0], $0xffff;
	v20 =	vmov v19  }
0x336: {  	_ =	sdelay $0x3  }
0x337: {  	v19 =	vld.idx.msk [tilespmem:v19+s16+$0x0], $0xffff  }
0x338: {  	v13 =	vld.idx.msk [tilespmem:v20+s17+$0x0], $0xffff  }
0x339: {  	v20 =	vld.idx.msk [tilespmem:v20+s18+$0x0], $0xffff;
	s24 =	simm.s32 $0x0  }
0x33a: {  	v23 =	vmov s24  }
0x33b: {  	v18 =	vadd.f32 v22, v18;
	v22 =	vand.u32 $0x3F, v23;
	v17 =	vmul.f32 v17, v14  }
0x33c: {  	v15 =	vadd.f32 v21, v15;
	v14 =	vmul.f32 v16, v14;
	v16 =	vbroadcast v22, $0x0  }
0x33d: {  	v17 =	vadd.f32 v17, v18;
	v18 =	vmul.f32 v13, v19;
	v13 =	vor.u32 $0x7400, v0  }
0x33e: {  	s30 =	simm.s32 $0x1;
	v14 =	vadd.f32 v14, v15;
	v15 =	vmul.f32 v20, v19;
	v16 =	vor.u32 v13, v16  }
0x33f: {  	v17 =	vadd.f32 v18, v17;
	v18 =	vmov s30  }
0x340: {  	v14 =	vadd.f32 v15, v14;
	v15 =	vand.u32 $0x3F, v18  }
0x341: {  	[tilespmem:$0x1C7C0] =	vst v17;
	v15 =	vbroadcast v15, $0x0  }
0x342: {  	[tilespmem:$0x1C9C0] =	vst v14  }
0x343: {  	v18 =	vld.idx.msk [tilespmem:v16+s16+$0x0], $0xffff;
	v17 =	vor.u32 v13, v15  }
0x344: {  	s31 =	simm.s32 $0x2;
	v20 =	vld.idx.msk [tilespmem:v16+s18+$0x0], $0xffff  }
0x345: {  	v14 =	vmov s31;
	v22 =	vld.idx.msk [tilespmem:v16+s17+$0x0], $0xffff  }
0x346: {  	v14 =	vand.u32 $0x3F, v14  }
0x347: {  	v16 =	vbroadcast v14, $0x0  }
0x348: {  	v14 =	vld.idx.msk [tilespmem:v17+s16+$0x0], $0xffff  }
0x349: {  	v19 =	vor.u32 v13, v16;
	v16 =	vld.idx.msk [tilespmem:v17+s18+$0x0], $0xffff;
	v21 =	vmul.f32 v20, v18  }
0x34a: {  	s24 =	simm.s32 $0x3;
	v15 =	vimm.f32 $0.0e+00;
	v17 =	vld.idx.msk [tilespmem:v17+s17+$0x0], $0xffff;
	v22 =	vmul.f32 v22, v18;
	v18 =	vimm.f32 $0.0e+00;
	v20 =	vmovc v19  }
.LBB2_60:
0x34b: {  	v23 =	vmov s24;
	v15 =	vadd.f32 v21, v15;
	p0 =	sne.s32 s24, $0x3F  }
.Ltmp29:
0x34c: {  	s24 =	sadd.s32 $0x1, s24;
	v21 =	vand.u32 $0x3F, v23;
	v18 =	vadd.f32 v22, v18;
	(pc) =	sbr.rel @p0 .LBB2_60-.Ltmp29, $4  }
0x34d: {  	v21 =	vbroadcast v21, $0x0  }
0x34e: {  	v22 =	vmov v14;
	v14 =	vld.idx.msk [tilespmem:v19+s16+$0x0], $0xffff  }
0x34f: {  	v19 =	vor.u32 v13, v21;
	v21 =	vmul.f32 v16, v22;
	v16 =	vld.idx.msk [tilespmem:v20+s18+$0x0], $0xffff  }
0x350: {  	v22 =	vmul.f32 v17, v22;
	v17 =	vld.idx.msk [tilespmem:v20+s17+$0x0], $0xffff;
	v20 =	vmov v19  }
0x351: {  	_ =	sdelay $0x3  }
0x352: {  	v19 =	vld.idx.msk [tilespmem:v19+s16+$0x0], $0xffff  }
0x353: {  	v13 =	vld.idx.msk [tilespmem:v20+s17+$0x0], $0xffff  }
0x354: {  	v20 =	vld.idx.msk [tilespmem:v20+s18+$0x0], $0xffff;
	s24 =	simm.s32 $0x0  }
0x355: {  	v23 =	vmov s24  }
0x356: {  	v18 =	vadd.f32 v22, v18;
	v22 =	vand.u32 $0x3F, v23;
	v17 =	vmul.f32 v17, v14  }
0x357: {  	v15 =	vadd.f32 v21, v15;
	v14 =	vmul.f32 v16, v14;
	v16 =	vbroadcast v22, $0x0  }
0x358: {  	v17 =	vadd.f32 v17, v18;
	v18 =	vmul.f32 v13, v19;
	v13 =	vor.u32 $0x7800, v0  }
0x359: {  	s30 =	simm.s32 $0x1;
	v14 =	vadd.f32 v14, v15;
	v15 =	vmul.f32 v20, v19;
	v16 =	vor.u32 v13, v16  }
0x35a: {  	v17 =	vadd.f32 v18, v17;
	v18 =	vmov s30  }
0x35b: {  	v14 =	vadd.f32 v15, v14;
	v15 =	vand.u32 $0x3F, v18  }
0x35c: {  	[tilespmem:$0x1C7D0] =	vst v17;
	v15 =	vbroadcast v15, $0x0  }
0x35d: {  	[tilespmem:$0x1C9D0] =	vst v14  }
0x35e: {  	v18 =	vld.idx.msk [tilespmem:v16+s16+$0x0], $0xffff;
	v17 =	vor.u32 v13, v15  }
0x35f: {  	s31 =	simm.s32 $0x2;
	v20 =	vld.idx.msk [tilespmem:v16+s18+$0x0], $0xffff  }
0x360: {  	v14 =	vmov s31;
	v22 =	vld.idx.msk [tilespmem:v16+s17+$0x0], $0xffff  }
0x361: {  	v14 =	vand.u32 $0x3F, v14  }
0x362: {  	v16 =	vbroadcast v14, $0x0  }
0x363: {  	v14 =	vld.idx.msk [tilespmem:v17+s16+$0x0], $0xffff  }
0x364: {  	v19 =	vor.u32 v13, v16;
	v16 =	vld.idx.msk [tilespmem:v17+s18+$0x0], $0xffff;
	v21 =	vmul.f32 v20, v18  }
0x365: {  	s24 =	simm.s32 $0x3;
	v15 =	vimm.f32 $0.0e+00;
	v17 =	vld.idx.msk [tilespmem:v17+s17+$0x0], $0xffff;
	v22 =	vmul.f32 v22, v18;
	v18 =	vimm.f32 $0.0e+00;
	v20 =	vmovc v19  }
.LBB2_62:
0x366: {  	v23 =	vmov s24;
	v15 =	vadd.f32 v21, v15;
	p0 =	sne.s32 s24, $0x3F  }
.Ltmp30:
0x367: {  	s24 =	sadd.s32 $0x1, s24;
	v21 =	vand.u32 $0x3F, v23;
	v18 =	vadd.f32 v22, v18;
	(pc) =	sbr.rel @p0 .LBB2_62-.Ltmp30, $4  }
0x368: {  	v21 =	vbroadcast v21, $0x0  }
0x369: {  	v22 =	vmov v14;
	v14 =	vld.idx.msk [tilespmem:v19+s16+$0x0], $0xffff  }
0x36a: {  	v19 =	vor.u32 v13, v21;
	v21 =	vmul.f32 v16, v22;
	v16 =	vld.idx.msk [tilespmem:v20+s18+$0x0], $0xffff  }
0x36b: {  	v22 =	vmul.f32 v17, v22;
	v17 =	vld.idx.msk [tilespmem:v20+s17+$0x0], $0xffff;
	v20 =	vmov v19  }
0x36c: {  	_ =	sdelay $0x3  }
0x36d: {  	v19 =	vld.idx.msk [tilespmem:v19+s16+$0x0], $0xffff  }
0x36e: {  	v13 =	vld.idx.msk [tilespmem:v20+s17+$0x0], $0xffff  }
0x36f: {  	v20 =	vld.idx.msk [tilespmem:v20+s18+$0x0], $0xffff;
	s24 =	simm.s32 $0x0  }
0x370: {  	v23 =	vmov s24  }
0x371: {  	v18 =	vadd.f32 v22, v18;
	v22 =	vand.u32 $0x3F, v23;
	v17 =	vmul.f32 v17, v14  }
0x372: {  	v15 =	vadd.f32 v21, v15;
	v14 =	vmul.f32 v16, v14;
	v16 =	vbroadcast v22, $0x0  }
0x373: {  	v17 =	vadd.f32 v17, v18;
	v18 =	vmul.f32 v13, v19;
	v13 =	vor.u32 $0x7C00, v0  }
0x374: {  	s30 =	simm.s32 $0x1;
	v14 =	vadd.f32 v14, v15;
	v15 =	vmul.f32 v20, v19;
	v16 =	vor.u32 v13, v16  }
0x375: {  	v17 =	vadd.f32 v18, v17;
	v18 =	vmov s30  }
0x376: {  	v14 =	vadd.f32 v15, v14;
	v15 =	vand.u32 $0x3F, v18  }
0x377: {  	[tilespmem:$0x1C7E0] =	vst v17;
	v15 =	vbroadcast v15, $0x0  }
0x378: {  	[tilespmem:$0x1C9E0] =	vst v14  }
0x379: {  	v19 =	vld.idx.msk [tilespmem:v16+s16+$0x0], $0xffff;
	v17 =	vor.u32 v13, v15  }
0x37a: {  	s31 =	simm.s32 $0x2;
	v20 =	vld.idx.msk [tilespmem:v16+s18+$0x0], $0xffff  }
0x37b: {  	v14 =	vmov s31;
	v22 =	vld.idx.msk [tilespmem:v16+s17+$0x0], $0xffff  }
0x37c: {  	v14 =	vand.u32 $0x3F, v14  }
0x37d: {  	v16 =	vbroadcast v14, $0x0  }
0x37e: {  	v14 =	vld.idx.msk [tilespmem:v17+s16+$0x0], $0xffff  }
0x37f: {  	v18 =	vor.u32 v13, v16;
	v16 =	vld.idx.msk [tilespmem:v17+s18+$0x0], $0xffff;
	v21 =	vmul.f32 v20, v19  }
0x380: {  	s24 =	simm.s32 $0x3;
	v15 =	vimm.f32 $0.0e+00;
	v17 =	vld.idx.msk [tilespmem:v17+s17+$0x0], $0xffff;
	v22 =	vmul.f32 v22, v19;
	v19 =	vimm.f32 $0.0e+00;
	v20 =	vmovc v18  }
.LBB2_64:
0x381: {  	v23 =	vmov s24;
	v15 =	vadd.f32 v21, v15;
	p0 =	sne.s32 s24, $0x3F  }
.Ltmp31:
0x382: {  	s24 =	sadd.s32 $0x1, s24;
	v21 =	vand.u32 $0x3F, v23;
	v19 =	vadd.f32 v22, v19;
	(pc) =	sbr.rel @p0 .LBB2_64-.Ltmp31, $4  }
0x383: {  	v21 =	vbroadcast v21, $0x0  }
0x384: {  	v22 =	vmov v14;
	v14 =	vld.idx.msk [tilespmem:v18+s16+$0x0], $0xffff  }
0x385: {  	v18 =	vor.u32 v13, v21;
	v21 =	vmul.f32 v16, v22;
	v16 =	vld.idx.msk [tilespmem:v20+s18+$0x0], $0xffff  }
0x386: {  	v22 =	vmul.f32 v17, v22;
	v17 =	vld.idx.msk [tilespmem:v20+s17+$0x0], $0xffff;
	v20 =	vmov v18  }
0x387: {  	_ =	sdelay $0x3  }
0x388: {  	v13 =	vld.idx.msk [tilespmem:v18+s16+$0x0], $0xffff  }
0x389: {  	v60 =	vld.idx.msk [tilespmem:v20+s17+$0x0], $0xffff  }
0x38a: {  	v61 =	vld.idx.msk [tilespmem:v20+s18+$0x0], $0xffff;
	_ =	sdelay $0x1  }
0x38b: {  	v19 =	vadd.f32 v22, v19;
	v17 =	vmul.f32 v17, v14  }
0x38c: {  	v15 =	vadd.f32 v21, v15;
	v14 =	vmul.f32 v16, v14  }
0x38d: {  	v63 =	vmul.f32 v60, v13;
	v62 =	vadd.f32 v17, v19  }
0x38e: {  	v13 =	vmul.f32 v61, v13;
	v14 =	vadd.f32 v14, v15  }
0x38f: {  	v15 =	vadd.f32 v63, v62  }
0x390: {  	v13 =	vadd.f32 v13, v14  }
0x391: {  	[tilespmem:$0x1C7F0] =	vst v15  }
0x392: {  	[tilespmem:$0x1C9F0] =	vst v13  }
0x393: {  	[hbm4b:s9+s2] =	stream.linear.scatter [tilespmem:s21], [sflag:$0x2], $0x200, $0x38;
	[tilespmem:$0x1CA00] =	vst v63  }
0x394: {  	_ =	swait.ge [sflag:s13], $0x200  }
0x395: {  	[sflag:s13] =	ssyncset.done $0x0  }
0x396: {  	[sflag:s13] =	ssyncadd.s32 $0xFFFFFE00  }
0x397: {  	[hbm4b:s10+s2] =	stream.linear.scatter [tilespmem:s22], [sflag:$0x2], $0x200, $0x38;
	[tilespmem:$0x1CA00] =	vst v63  }
0x398: {  	s23 =	sadd.s32 $0x1, s23;
	_ =	swait.ge [sflag:s13], $0x200  }
0x399: {  	p0 =	sne.s32 s23, s12;
	[sflag:s13] =	ssyncset.done $0x0  }
.Ltmp32:
0x39a: {  	[sflag:s13] =	ssyncadd.s32 $0xFFFFFE00;
	(pc) =	sbr.rel @p0 .LBB2_1-.Ltmp32, $4  }
0x39b: {  	[hbm4b:s11+s2] =	stream.linear.scatter [tilespmem:s19], [sflag:$0x2], $0x4000, $0x38;
	[tilespmem:$0x1CA00] =	vst v63  }
0x39c: {  	_ =	swait.ge [sflag:s13], $0x4000  }
0x39d: {  	[sflag:s13] =	ssyncset.done $0x0  }
0x39e: {  	[sflag:s13] =	ssyncadd.s32 $0xFFFFC000  }
0x39f: {  	_ =	sfence.sel $0x180000  }
0x3a0: {  	[bflag:$0x0] =	sbarrier.arrive $0xFFFF  }
0x3a1: {  	p0 =	sne.s32 s1, $0x0;
	_ =	strace $0x90000047  }
0x3a2: {  	s0 =	sadd.s32 @!p0 $0x100000, s0;
	[bflag:$0x2] =	sbarrier.arrive $0xFFFF  }
0x3a3: {  	[sflag:s0] =	ssyncadd.tile.s32 @!p0 $0x1;
	_ =	shalt  }
.Lfunc_end2:
_tile_overlayer_lowered:
.L_overlay_start_2:
0x3a4: {  	(tag) =	ssettag $0x2  }
0x3a5: {  	s0 =	rddreg [dreg:$0x0];
	s2 =	stileid.u32  }
0x3a6: {  	s1 =	rddreg [dreg:$0x1];
	p0 =	sne.s32 s2, $0x0  }
0x3a7: {  	s3 =	rddreg [dreg:$0x2];
	[bflag:$0x3] =	sbarrier.arrive $0xFFFF;
	s2 =	simm.s32 @!p0 $0x1C02  }
0x3a8: {  	[timem:s3], [sflag:s2] =	dma.local @!p0 [hbm:s0], s1  }
0x3a9: {  	s0 =	simm.s32 @!p0 $0x2  }
0x3aa: {  	_ =	swait.ge @!p0 [sflag:s0], s1  }
0x3ab: {  	s1 =	ssub.s32 @!p0 $0x0, s1;
	[sflag:s0] =	ssyncset.done @!p0 $0x0  }
0x3ac: {  	[sflag:s0] =	ssyncadd.s32 @!p0 s1  }
0x3ad: {  	[bflag:$0x3] =	sbarrier.arrive $0xFFFF  }
0x3ae: {  	_ =	shalt  }

</sc_bundles>
